<compile_context>
chip_gen: v7x
topology: tpu7x:2x2x1
jax: 0.10.2.dev20260603
libtpu: 0.0.44.dev20260713+nightly
codegen_flags: <defaults>
</compile_context>

<pallas_src>
import functools

import jax
import jax.numpy as jnp
from jax import lax
from jax.experimental import pallas as pl
from jax.experimental.pallas import tpu as pltpu
from jax.experimental.pallas import tpu_sc as plsc

N = 10000
E = 320000
DF = 128
DH = 128
NCLS = 64

SC_CORES = 2
SC_TILES = 16
BATCH = 200
EDGES_PER_TILE = E // SC_TILES
BATCHES_PER_TILE = EDGES_PER_TILE // BATCH
N_PAD = 10240
ROWS_PER_TILE = N_PAD // SC_TILES
DEG_W = 8

_MESH = dict(core_axis_name="c", subcore_axis_name="s",
             num_cores=SC_CORES, num_subcores=SC_TILES)


NSLOT = 4


def _sc_agg_body(with_deg, width, *refs):
    if with_deg:
        (ei3, h0, h1, z_w, z_deg, ones_h,
         agg0, agg1, deg0, deg1, *rest) = refs
    else:
        (ei3, h0, h1, z_w,
         agg0, agg1, *rest) = refs
    src_i = rest[0:NSLOT]
    dst_i = rest[NSLOT:2 * NSLOT]
    rows = rest[2 * NSLOT:3 * NSLOT]
    sem_is = rest[3 * NSLOT:4 * NSLOT]
    sem_id = rest[4 * NSLOT:5 * NSLOT]
    sem_g = rest[5 * NSLOT:6 * NSLOT]
    sem_s = rest[6 * NSLOT:7 * NSLOT]
    accum = rest[7 * NSLOT]
    if with_deg:
        ones_v, dega = rest[7 * NSLOT + 1:]

    c = lax.axis_index("c")
    t = lax.axis_index("s")
    rsl = pl.ds(t * ROWS_PER_TILE, ROWS_PER_TILE)
    nb = BATCHES_PER_TILE
    half = nb // 2

    def start_src(j, s):
        off = (t * nb + j) * BATCH
        pltpu.async_copy(ei3.at[0, pl.ds(off, BATCH)], src_i[s], sem_is[s])

    def wait_src(s):
        pltpu.make_async_copy(ei3.at[0, pl.ds(0, BATCH)], src_i[s],
                              sem_is[s]).wait()

    def start_dst(j, s):
        off = (t * nb + j) * BATCH
        pltpu.async_copy(ei3.at[1, pl.ds(off, BATCH)], dst_i[s], sem_id[s])

    def wait_dst(s):
        pltpu.make_async_copy(ei3.at[1, pl.ds(0, BATCH)], dst_i[s],
                              sem_id[s]).wait()

    def start_gather(s):
        @pl.when(c == 0)
        def _():
            pltpu.async_copy(h0.at[src_i[s]], rows[s], sem_g[s])

        @pl.when(c == 1)
        def _():
            pltpu.async_copy(h1.at[src_i[s]], rows[s], sem_g[s])

    def wait_gather(s):
        pltpu.make_async_copy(h0.at[pl.ds(0, BATCH)], rows[s], sem_g[s]).wait()

    def deg_pred(j):
        return (j < half) == (c == 0)

    def start_scatter(j, s):
        pltpu.async_copy(rows[s], accum.at[dst_i[s]], sem_s[s], add=True)
        if with_deg:
            @pl.when(deg_pred(j))
            def _():
                pltpu.async_copy(ones_v, dega.at[dst_i[s]], sem_s[s], add=True)

    def wait_scatter(j, s):
        pltpu.make_async_copy(rows[s], accum.at[pl.ds(0, BATCH)],
                              sem_s[s]).wait()
        if with_deg:
            @pl.when(deg_pred(j))
            def _():
                pltpu.make_async_copy(ones_v, dega.at[pl.ds(0, BATCH)],
                                      sem_s[s]).wait()

    pltpu.sync_copy(z_w.at[rsl], accum.at[rsl])
    if with_deg:
        pltpu.sync_copy(z_deg.at[rsl], dega.at[rsl])
        pltpu.sync_copy(ones_h, ones_v)
    plsc.subcore_barrier()

    for s in range(NSLOT):
        start_src(s, s)
        start_dst(s, s)
    for s in range(NSLOT):
        wait_src(s)
        start_gather(s)

    def step(i, carry):
        for s in range(NSLOT):
            j = NSLOT * i + s
            wait_gather(s)

            @pl.when(i + 1 < nb // NSLOT)
            def _():
                start_src(j + NSLOT, s)

            wait_dst(s)
            start_scatter(j, s)

        @pl.when(i + 1 < nb // NSLOT)
        def _():
            for s in range(NSLOT):
                j = NSLOT * i + s
                wait_scatter(j, s)
                start_dst(j + NSLOT, s)
                wait_src(s)
                start_gather(s)

        return carry

    lax.fori_loop(0, nb // NSLOT, step, 0)
    for s in range(NSLOT):
        wait_scatter(nb - NSLOT + s, s)
    plsc.subcore_barrier()

    @pl.when(c == 0)
    def _():
        pltpu.sync_copy(accum.at[rsl], agg0.at[rsl])
        if with_deg:
            pltpu.sync_copy(dega.at[rsl], deg0.at[rsl])

    @pl.when(c == 1)
    def _():
        pltpu.sync_copy(accum.at[rsl], agg1.at[rsl])
        if with_deg:
            pltpu.sync_copy(dega.at[rsl], deg1.at[rsl])


def _make_sc_agg(width, with_deg):
    out_type = [jax.ShapeDtypeStruct((N_PAD, width), jnp.float32),
                jax.ShapeDtypeStruct((N_PAD, width), jnp.float32)]
    scratch = (
        [pltpu.VMEM((BATCH,), jnp.int32) for _ in range(2 * NSLOT)]
        + [pltpu.VMEM((BATCH, width), jnp.float32) for _ in range(NSLOT)]
        + [pltpu.SemaphoreType.DMA for _ in range(4 * NSLOT)]
        + [pltpu.VMEM_SHARED((N_PAD, width), jnp.float32)]
    )
    if with_deg:
        out_type += [jax.ShapeDtypeStruct((N_PAD, DEG_W), jnp.float32),
                     jax.ShapeDtypeStruct((N_PAD, DEG_W), jnp.float32)]
        scratch += [pltpu.VMEM((BATCH, DEG_W), jnp.float32),
                    pltpu.VMEM_SHARED((N_PAD, DEG_W), jnp.float32)]
    return pl.kernel(
        functools.partial(_sc_agg_body, with_deg, width),
        out_type=out_type,
        mesh=plsc.VectorSubcoreMesh(**_MESH),
        scratch_types=scratch,
        compiler_params=pltpu.CompilerParams(use_tc_tiling_on_sc=False),
    )


def _mm1_body(x_ref, w_ref, o0, o1):
    h = jnp.dot(x_ref[...], w_ref[...], preferred_element_type=jnp.float32)
    o0[...] = h[:, : DH // 2]
    o1[...] = h[:, DH // 2:]


def _mid_body(a0, a1, d0, d1, b1r, w2r, o0, o1):
    inv = 1.0 / jnp.maximum(d0[:, 0:1] + d1[:, 0:1], 1.0)
    h1a = jnp.maximum(a0[...] * inv + b1r[:, : DH // 2], 0.0)
    h1b = jnp.maximum(a1[...] * inv + b1r[:, DH // 2:], 0.0)
    h2 = (jnp.dot(h1a, w2r[0], preferred_element_type=jnp.float32)
          + jnp.dot(h1b, w2r[1], preferred_element_type=jnp.float32))
    o0[...] = h2[:, : NCLS // 2]
    o1[...] = h2[:, NCLS // 2:]


def _out_body(a0, a1, d0, d1, b2r, o):
    inv = 1.0 / jnp.maximum(d0[:, 0:1] + d1[:, 0:1], 1.0)
    za = a0[...] * inv + b2r[:, : NCLS // 2]
    zb = a1[...] * inv + b2r[:, NCLS // 2:]
    m = jnp.maximum(jnp.max(za, axis=1, keepdims=True),
                    jnp.max(zb, axis=1, keepdims=True))
    lse = jnp.log(jnp.sum(jnp.exp(za - m), axis=1, keepdims=True)
                  + jnp.sum(jnp.exp(zb - m), axis=1, keepdims=True))
    o[:, : NCLS // 2] = za - m - lse
    o[:, NCLS // 2:] = zb - m - lse


_R = 2000


def _mm1(x, W1):
    return pl.pallas_call(
        _mm1_body,
        grid=(N // _R,),
        in_specs=[pl.BlockSpec((_R, DF), lambda i: (i, 0)),
                  pl.BlockSpec((DF, DH), lambda i: (0, 0))],
        out_specs=[pl.BlockSpec((_R, DH // 2), lambda i: (i, 0)),
                   pl.BlockSpec((_R, DH // 2), lambda i: (i, 0))],
        out_shape=[jax.ShapeDtypeStruct((N, DH // 2), jnp.float32)] * 2,
    )(x, W1)


def _mid(a0, a1, d0, d1, b1r, W2):
    return pl.pallas_call(
        _mid_body,
        grid=(N // _R,),
        in_specs=[pl.BlockSpec((_R, DH // 2), lambda i: (i, 0)),
                  pl.BlockSpec((_R, DH // 2), lambda i: (i, 0)),
                  pl.BlockSpec((_R, DEG_W), lambda i: (i, 0)),
                  pl.BlockSpec((_R, DEG_W), lambda i: (i, 0)),
                  pl.BlockSpec((1, DH), lambda i: (0, 0)),
                  pl.BlockSpec((2, DH // 2, NCLS), lambda i: (0, 0, 0))],
        out_specs=[pl.BlockSpec((_R, NCLS // 2), lambda i: (i, 0)),
                   pl.BlockSpec((_R, NCLS // 2), lambda i: (i, 0))],
        out_shape=[jax.ShapeDtypeStruct((N, NCLS // 2), jnp.float32)] * 2,
    )(a0, a1, d0, d1, b1r, W2)


def _out(a0, a1, d0, d1, b2r):
    return pl.pallas_call(
        _out_body,
        grid=(N // _R,),
        in_specs=[pl.BlockSpec((_R, NCLS // 2), lambda i: (i, 0)),
                  pl.BlockSpec((_R, NCLS // 2), lambda i: (i, 0)),
                  pl.BlockSpec((_R, DEG_W), lambda i: (i, 0)),
                  pl.BlockSpec((_R, DEG_W), lambda i: (i, 0)),
                  pl.BlockSpec((1, NCLS), lambda i: (0, 0))],
        out_specs=pl.BlockSpec((_R, NCLS), lambda i: (i, 0)),
        out_shape=jax.ShapeDtypeStruct((N, NCLS), jnp.float32),
    )(a0, a1, d0, d1, b2r)


_SC_KERNEL_CACHE = {}


def _sc_agg(width, with_deg):
    key = (width, with_deg)
    if key not in _SC_KERNEL_CACHE:
        _SC_KERNEL_CACHE[key] = _make_sc_agg(width, with_deg)
    return _SC_KERNEL_CACHE[key]


def kernel(x, edge_index, W1, b1, W2, b2):
    ei3 = edge_index
    z64 = jnp.zeros((N_PAD, DH // 2), jnp.float32)
    z32 = jnp.zeros((N_PAD, NCLS // 2), jnp.float32)
    zdeg = jnp.zeros((N_PAD, DEG_W), jnp.float32)
    ones = jnp.ones((BATCH, DEG_W), jnp.float32)

    h0, h1 = _mm1(x, W1)
    agg0, agg1, deg0, deg1 = _sc_agg(DH // 2, True)(
        ei3, h0, h1, z64, zdeg, ones)
    g0, g1 = _mid(agg0, agg1, deg0, deg1, b1.reshape(1, DH),
                  W2.reshape(2, DH // 2, NCLS))
    s0, s1 = _sc_agg(NCLS // 2, False)(ei3, g0, g1, z32)
    return _out(s0, s1, deg0, deg1, b2.reshape(1, NCLS))

# --- scband reference (transcript-rebuilt; emitter-appended) ---
"""Pipeline reference for scband-gcn-4020089389619 (READ-ONLY COPY).

The authoritative reference and input builder live on the scoring server;
editing this copy changes nothing except your own understanding.
"""

import jax, jax.numpy as jnp
import numpy as np

N_NODES = 10000
N_EDGES = 320000
D_FEAT = 128
D_HID = 128
N_CLASS = 64


def setup_inputs(seed: int = 0) -> dict:
    key = jax.random.key(seed)
    k1, k2, k3, k4, k5, k6 = jax.random.split(key, 6)
    x = jax.random.normal(k1, (N_NODES, D_FEAT), dtype=jnp.float32)
    edge_index = jax.random.randint(k2, (2, N_EDGES), 0, N_NODES, dtype=jnp.int32)
    W1 = jax.random.normal(k3, (D_FEAT, D_HID), dtype=jnp.float32) * 0.05
    b1 = jnp.zeros((D_HID,), dtype=jnp.float32)
    W2 = jax.random.normal(k4, (D_HID, N_CLASS), dtype=jnp.float32) * 0.05
    b2 = jnp.zeros((N_CLASS,), dtype=jnp.float32)
    return {"x": x, "edge_index": edge_index, "W1": W1, "b1": b1, "W2": W2, "b2": b2}


def _gcn_layer(h, src, dst, deg, W, b):
    h = h @ W
    agg = jnp.zeros((h.shape[0], h.shape[1]), dtype=h.dtype).at[dst].add(h[src])
    return agg / deg[:, None] + b


def reference(x, edge_index, W1, b1, W2, b2):
    n = x.shape[0]
    src = edge_index[0]
    dst = edge_index[1]
    deg = jnp.zeros((n,), dtype=jnp.float32).at[dst].add(1.0)
    deg = jnp.maximum(deg, 1.0)
    h = _gcn_layer(x, src, dst, deg, W1, b1)
    h = jax.nn.relu(h)
    h = _gcn_layer(h, src, dst, deg, W2, b2)
    return jax.nn.log_softmax(h, axis=1)

if __name__ == "__main__":
    import jax
    _d = setup_inputs()
    print(jax.jit(kernel)(*tuple(_d.values())))

</pallas_src>

<mosaic_0001>
#map = affine_map<(d0, d1) -> (0, 0)>
module attributes {stable_mosaic.version = 14 : i64} {
  func.func @_sc_agg_body(%arg0: i32, %arg1: i32, %arg2: memref<2x320000xi32, #tpu.memory_space<hbm>>, %arg3: memref<10000x64xf32, #tpu.memory_space<hbm>>, %arg4: memref<10000x64xf32, #tpu.memory_space<hbm>>, %arg5: memref<10240x64xf32, #tpu.memory_space<hbm>>, %arg6: memref<10240x8xf32, #tpu.memory_space<hbm>>, %arg7: memref<200x8xf32, #tpu.memory_space<hbm>>, %arg8: memref<10240x64xf32, #tpu.memory_space<hbm>>, %arg9: memref<10240x64xf32, #tpu.memory_space<hbm>>, %arg10: memref<10240x8xf32, #tpu.memory_space<hbm>>, %arg11: memref<10240x8xf32, #tpu.memory_space<hbm>>, %arg12: memref<200xi32, #tpu.memory_space<vmem>>, %arg13: memref<200xi32, #tpu.memory_space<vmem>>, %arg14: memref<200xi32, #tpu.memory_space<vmem>>, %arg15: memref<200xi32, #tpu.memory_space<vmem>>, %arg16: memref<200xi32, #tpu.memory_space<vmem>>, %arg17: memref<200xi32, #tpu.memory_space<vmem>>, %arg18: memref<200xi32, #tpu.memory_space<vmem>>, %arg19: memref<200xi32, #tpu.memory_space<vmem>>, %arg20: memref<200x64xf32, #tpu.memory_space<vmem>>, %arg21: memref<200x64xf32, #tpu.memory_space<vmem>>, %arg22: memref<200x64xf32, #tpu.memory_space<vmem>>, %arg23: memref<200x64xf32, #tpu.memory_space<vmem>>, %arg24: memref<!tpu.dma_semaphore, #tpu.memory_space<semaphore_mem>>, %arg25: memref<!tpu.dma_semaphore, #tpu.memory_space<semaphore_mem>>, %arg26: memref<!tpu.dma_semaphore, #tpu.memory_space<semaphore_mem>>, %arg27: memref<!tpu.dma_semaphore, #tpu.memory_space<semaphore_mem>>, %arg28: memref<!tpu.dma_semaphore, #tpu.memory_space<semaphore_mem>>, %arg29: memref<!tpu.dma_semaphore, #tpu.memory_space<semaphore_mem>>, %arg30: memref<!tpu.dma_semaphore, #tpu.memory_space<semaphore_mem>>, %arg31: memref<!tpu.dma_semaphore, #tpu.memory_space<semaphore_mem>>, %arg32: memref<!tpu.dma_semaphore, #tpu.memory_space<semaphore_mem>>, %arg33: memref<!tpu.dma_semaphore, #tpu.memory_space<semaphore_mem>>, %arg34: memref<!tpu.dma_semaphore, #tpu.memory_space<semaphore_mem>>, %arg35: memref<!tpu.dma_semaphore, #tpu.memory_space<semaphore_mem>>, %arg36: memref<!tpu.dma_semaphore, #tpu.memory_space<semaphore_mem>>, %arg37: memref<!tpu.dma_semaphore, #tpu.memory_space<semaphore_mem>>, %arg38: memref<!tpu.dma_semaphore, #tpu.memory_space<semaphore_mem>>, %arg39: memref<!tpu.dma_semaphore, #tpu.memory_space<semaphore_mem>>, %arg40: memref<10240x64xf32, #tpu.memory_space<vmem_shared>>, %arg41: memref<200x8xf32, #tpu.memory_space<vmem>>, %arg42: memref<10240x8xf32, #tpu.memory_space<vmem_shared>>) attributes {dimension_semantics = [#tpu.dimension_semantics<core_parallel>, #tpu.dimension_semantics<subcore_parallel>], iteration_bounds = array<i64: 2, 16>, scalar_prefetch = 0 : i64, scratch_operands = 31 : i64, tpu.core_type = #tpu.core_type<sc_vector_subcore>, window_params = [{transform_indices = #map}, {transform_indices = #map}, {transform_indices = #map}, {transform_indices = #map}, {transform_indices = #map}, {transform_indices = #map}, {transform_indices = #map}, {transform_indices = #map}, {transform_indices = #map}, {transform_indices = #map}]} {
    %mul3A = arith.constant 640 : i32
    %mul3A_0 = arith.muli %arg1, %mul3A : i32
    "tpu.region"() ({
      %run_scoped3A = tpu.sem_alloc : memref<!tpu.dma_semaphore, #tpu.memory_space<semaphore_mem>>
      %dma_start3A_227 = arith.constant 0 : i32
      %dma_start3A_228 = tpu.memref_slice %arg40[%mul3A_0, %dma_start3A_227] : memref<10240x64xf32, #tpu.memory_space<vmem_shared>> -> memref<640x64xf32, #tpu.memory_space<vmem_shared>>
      %dma_start3A_229 = arith.constant 0 : i32
      %dma_start3A_230 = tpu.memref_slice %arg5[%mul3A_0, %dma_start3A_229] : memref<10240x64xf32, #tpu.memory_space<hbm>> -> memref<640x64xf32, #tpu.memory_space<hbm>>
      tpu.enqueue_dma source(%dma_start3A_230 : memref<640x64xf32, #tpu.memory_space<hbm>>) target(%dma_start3A_228 : memref<640x64xf32, #tpu.memory_space<vmem_shared>>) target_semaphore(%run_scoped3A : memref<!tpu.dma_semaphore, #tpu.memory_space<semaphore_mem>>)
      %dma_wait3A_231 = arith.constant 0 : i32
      %dma_wait3A_232 = tpu.memref_slice %arg40[%mul3A_0, %dma_wait3A_231] : memref<10240x64xf32, #tpu.memory_space<vmem_shared>> -> memref<640x64xf32, #tpu.memory_space<vmem_shared>>
      %dma_wait3A_233 = arith.constant 0 : i32
      %dma_wait3A_234 = tpu.memref_slice %arg5[%mul3A_0, %dma_wait3A_233] : memref<10240x64xf32, #tpu.memory_space<hbm>> -> memref<640x64xf32, #tpu.memory_space<hbm>>
      tpu.wait_dma2 semaphore(%run_scoped3A : memref<!tpu.dma_semaphore, #tpu.memory_space<semaphore_mem>>) src(%dma_wait3A_234 : memref<640x64xf32, #tpu.memory_space<hbm>>) dst(%dma_wait3A_232 : memref<640x64xf32, #tpu.memory_space<vmem_shared>>)
      tpu.yield
    }) : () -> ()
    "tpu.region"() ({
      %run_scoped3A = tpu.sem_alloc : memref<!tpu.dma_semaphore, #tpu.memory_space<semaphore_mem>>
      %dma_start3A_227 = arith.constant 0 : i32
      %dma_start3A_228 = tpu.memref_slice %arg42[%mul3A_0, %dma_start3A_227] : memref<10240x8xf32, #tpu.memory_space<vmem_shared>> -> memref<640x8xf32, #tpu.memory_space<vmem_shared>>
      %dma_start3A_229 = arith.constant 0 : i32
      %dma_start3A_230 = tpu.memref_slice %arg6[%mul3A_0, %dma_start3A_229] : memref<10240x8xf32, #tpu.memory_space<hbm>> -> memref<640x8xf32, #tpu.memory_space<hbm>>
      tpu.enqueue_dma source(%dma_start3A_230 : memref<640x8xf32, #tpu.memory_space<hbm>>) target(%dma_start3A_228 : memref<640x8xf32, #tpu.memory_space<vmem_shared>>) target_semaphore(%run_scoped3A : memref<!tpu.dma_semaphore, #tpu.memory_space<semaphore_mem>>)
      %dma_wait3A_231 = arith.constant 0 : i32
      %dma_wait3A_232 = tpu.memref_slice %arg42[%mul3A_0, %dma_wait3A_231] : memref<10240x8xf32, #tpu.memory_space<vmem_shared>> -> memref<640x8xf32, #tpu.memory_space<vmem_shared>>
      %dma_wait3A_233 = arith.constant 0 : i32
      %dma_wait3A_234 = tpu.memref_slice %arg6[%mul3A_0, %dma_wait3A_233] : memref<10240x8xf32, #tpu.memory_space<hbm>> -> memref<640x8xf32, #tpu.memory_space<hbm>>
      tpu.wait_dma2 semaphore(%run_scoped3A : memref<!tpu.dma_semaphore, #tpu.memory_space<semaphore_mem>>) src(%dma_wait3A_234 : memref<640x8xf32, #tpu.memory_space<hbm>>) dst(%dma_wait3A_232 : memref<640x8xf32, #tpu.memory_space<vmem_shared>>)
      tpu.yield
    }) : () -> ()
    "tpu.region"() ({
      %run_scoped3A = tpu.sem_alloc : memref<!tpu.dma_semaphore, #tpu.memory_space<semaphore_mem>>
      tpu.enqueue_dma source(%arg7 : memref<200x8xf32, #tpu.memory_space<hbm>>) target(%arg41 : memref<200x8xf32, #tpu.memory_space<vmem>>) target_semaphore(%run_scoped3A : memref<!tpu.dma_semaphore, #tpu.memory_space<semaphore_mem>>)
      tpu.wait_dma2 semaphore(%run_scoped3A : memref<!tpu.dma_semaphore, #tpu.memory_space<semaphore_mem>>) src(%arg7 : memref<200x8xf32, #tpu.memory_space<hbm>>) dst(%arg41 : memref<200x8xf32, #tpu.memory_space<vmem>>)
      tpu.yield
    }) : () -> ()
    %barrier3A = arith.constant 0 : index
    tpu.barrier barrier_id(%barrier3A)
    %mul3A_1 = arith.constant 100 : i32
    %mul3A_2 = arith.muli %arg1, %mul3A_1 : i32
    %add3A = arith.constant 0 : i32
    %add3A_3 = arith.addi %mul3A_2, %add3A : i32
    %mul3A_4 = arith.constant 200 : i32
    %mul3A_5 = arith.muli %add3A_3, %mul3A_4 : i32
    %dma_start3A = arith.constant 0 : i32
    %dma_start3A_6 = tpu.memref_slice %arg2[%dma_start3A, %mul3A_5] : memref<2x320000xi32, #tpu.memory_space<hbm>> -> memref<1x200xi32, #tpu.memory_space<hbm>>
    %dma_start3A_7 = tpu.memref_squeeze %dma_start3A_6 : memref<1x200xi32, #tpu.memory_space<hbm>> -> memref<200xi32, #tpu.memory_space<hbm>>
    %dma_start3A_8 = tpu.memref_slice %arg2[%dma_start3A, %mul3A_5] : memref<2x320000xi32, #tpu.memory_space<hbm>> -> memref<1x200xi32, #tpu.memory_space<hbm>>
    %dma_start3A_9 = tpu.memref_squeeze %dma_start3A_8 : memref<1x200xi32, #tpu.memory_space<hbm>> -> memref<200xi32, #tpu.memory_space<hbm>>
    tpu.enqueue_dma source(%dma_start3A_9 : memref<200xi32, #tpu.memory_space<hbm>>) target(%arg12 : memref<200xi32, #tpu.memory_space<vmem>>) target_semaphore(%arg24 : memref<!tpu.dma_semaphore, #tpu.memory_space<semaphore_mem>>)
    %mul3A_10 = arith.constant 100 : i32
    %mul3A_11 = arith.muli %arg1, %mul3A_10 : i32
    %add3A_12 = arith.constant 0 : i32
    %add3A_13 = arith.addi %mul3A_11, %add3A_12 : i32
    %mul3A_14 = arith.constant 200 : i32
    %mul3A_15 = arith.muli %add3A_13, %mul3A_14 : i32
    %dma_start3A_16 = arith.constant 1 : i32
    %dma_start3A_17 = tpu.memref_slice %arg2[%dma_start3A_16, %mul3A_15] : memref<2x320000xi32, #tpu.memory_space<hbm>> -> memref<1x200xi32, #tpu.memory_space<hbm>>
    %dma_start3A_18 = tpu.memref_squeeze %dma_start3A_17 : memref<1x200xi32, #tpu.memory_space<hbm>> -> memref<200xi32, #tpu.memory_space<hbm>>
    %dma_start3A_19 = tpu.memref_slice %arg2[%dma_start3A_16, %mul3A_15] : memref<2x320000xi32, #tpu.memory_space<hbm>> -> memref<1x200xi32, #tpu.memory_space<hbm>>
    %dma_start3A_20 = tpu.memref_squeeze %dma_start3A_19 : memref<1x200xi32, #tpu.memory_space<hbm>> -> memref<200xi32, #tpu.memory_space<hbm>>
    tpu.enqueue_dma source(%dma_start3A_20 : memref<200xi32, #tpu.memory_space<hbm>>) target(%arg16 : memref<200xi32, #tpu.memory_space<vmem>>) target_semaphore(%arg28 : memref<!tpu.dma_semaphore, #tpu.memory_space<semaphore_mem>>)
    %mul3A_21 = arith.constant 100 : i32
    %mul3A_22 = arith.muli %arg1, %mul3A_21 : i32
    %add3A_23 = arith.constant 1 : i32
    %add3A_24 = arith.addi %mul3A_22, %add3A_23 : i32
    %mul3A_25 = arith.constant 200 : i32
    %mul3A_26 = arith.muli %add3A_24, %mul3A_25 : i32
    %dma_start3A_27 = arith.constant 0 : i32
    %dma_start3A_28 = tpu.memref_slice %arg2[%dma_start3A_27, %mul3A_26] : memref<2x320000xi32, #tpu.memory_space<hbm>> -> memref<1x200xi32, #tpu.memory_space<hbm>>
    %dma_start3A_29 = tpu.memref_squeeze %dma_start3A_28 : memref<1x200xi32, #tpu.memory_space<hbm>> -> memref<200xi32, #tpu.memory_space<hbm>>
    %dma_start3A_30 = tpu.memref_slice %arg2[%dma_start3A_27, %mul3A_26] : memref<2x320000xi32, #tpu.memory_space<hbm>> -> memref<1x200xi32, #tpu.memory_space<hbm>>
    %dma_start3A_31 = tpu.memref_squeeze %dma_start3A_30 : memref<1x200xi32, #tpu.memory_space<hbm>> -> memref<200xi32, #tpu.memory_space<hbm>>
    tpu.enqueue_dma source(%dma_start3A_31 : memref<200xi32, #tpu.memory_space<hbm>>) target(%arg13 : memref<200xi32, #tpu.memory_space<vmem>>) target_semaphore(%arg25 : memref<!tpu.dma_semaphore, #tpu.memory_space<semaphore_mem>>)
    %mul3A_32 = arith.constant 100 : i32
    %mul3A_33 = arith.muli %arg1, %mul3A_32 : i32
    %add3A_34 = arith.constant 1 : i32
    %add3A_35 = arith.addi %mul3A_33, %add3A_34 : i32
    %mul3A_36 = arith.constant 200 : i32
    %mul3A_37 = arith.muli %add3A_35, %mul3A_36 : i32
    %dma_start3A_38 = arith.constant 1 : i32
    %dma_start3A_39 = tpu.memref_slice %arg2[%dma_start3A_38, %mul3A_37] : memref<2x320000xi32, #tpu.memory_space<hbm>> -> memref<1x200xi32, #tpu.memory_space<hbm>>
    %dma_start3A_40 = tpu.memref_squeeze %dma_start3A_39 : memref<1x200xi32, #tpu.memory_space<hbm>> -> memref<200xi32, #tpu.memory_space<hbm>>
    %dma_start3A_41 = tpu.memref_slice %arg2[%dma_start3A_38, %mul3A_37] : memref<2x320000xi32, #tpu.memory_space<hbm>> -> memref<1x200xi32, #tpu.memory_space<hbm>>
    %dma_start3A_42 = tpu.memref_squeeze %dma_start3A_41 : memref<1x200xi32, #tpu.memory_space<hbm>> -> memref<200xi32, #tpu.memory_space<hbm>>
    tpu.enqueue_dma source(%dma_start3A_42 : memref<200xi32, #tpu.memory_space<hbm>>) target(%arg17 : memref<200xi32, #tpu.memory_space<vmem>>) target_semaphore(%arg29 : memref<!tpu.dma_semaphore, #tpu.memory_space<semaphore_mem>>)
    %mul3A_43 = arith.constant 100 : i32
    %mul3A_44 = arith.muli %arg1, %mul3A_43 : i32
    %add3A_45 = arith.constant 2 : i32
    %add3A_46 = arith.addi %mul3A_44, %add3A_45 : i32
    %mul3A_47 = arith.constant 200 : i32
    %mul3A_48 = arith.muli %add3A_46, %mul3A_47 : i32
    %dma_start3A_49 = arith.constant 0 : i32
    %dma_start3A_50 = tpu.memref_slice %arg2[%dma_start3A_49, %mul3A_48] : memref<2x320000xi32, #tpu.memory_space<hbm>> -> memref<1x200xi32, #tpu.memory_space<hbm>>
    %dma_start3A_51 = tpu.memref_squeeze %dma_start3A_50 : memref<1x200xi32, #tpu.memory_space<hbm>> -> memref<200xi32, #tpu.memory_space<hbm>>
    %dma_start3A_52 = tpu.memref_slice %arg2[%dma_start3A_49, %mul3A_48] : memref<2x320000xi32, #tpu.memory_space<hbm>> -> memref<1x200xi32, #tpu.memory_space<hbm>>
    %dma_start3A_53 = tpu.memref_squeeze %dma_start3A_52 : memref<1x200xi32, #tpu.memory_space<hbm>> -> memref<200xi32, #tpu.memory_space<hbm>>
    tpu.enqueue_dma source(%dma_start3A_53 : memref<200xi32, #tpu.memory_space<hbm>>) target(%arg14 : memref<200xi32, #tpu.memory_space<vmem>>) target_semaphore(%arg26 : memref<!tpu.dma_semaphore, #tpu.memory_space<semaphore_mem>>)
    %mul3A_54 = arith.constant 100 : i32
    %mul3A_55 = arith.muli %arg1, %mul3A_54 : i32
    %add3A_56 = arith.constant 2 : i32
    %add3A_57 = arith.addi %mul3A_55, %add3A_56 : i32
    %mul3A_58 = arith.constant 200 : i32
    %mul3A_59 = arith.muli %add3A_57, %mul3A_58 : i32
    %dma_start3A_60 = arith.constant 1 : i32
    %dma_start3A_61 = tpu.memref_slice %arg2[%dma_start3A_60, %mul3A_59] : memref<2x320000xi32, #tpu.memory_space<hbm>> -> memref<1x200xi32, #tpu.memory_space<hbm>>
    %dma_start3A_62 = tpu.memref_squeeze %dma_start3A_61 : memref<1x200xi32, #tpu.memory_space<hbm>> -> memref<200xi32, #tpu.memory_space<hbm>>
    %dma_start3A_63 = tpu.memref_slice %arg2[%dma_start3A_60, %mul3A_59] : memref<2x320000xi32, #tpu.memory_space<hbm>> -> memref<1x200xi32, #tpu.memory_space<hbm>>
    %dma_start3A_64 = tpu.memref_squeeze %dma_start3A_63 : memref<1x200xi32, #tpu.memory_space<hbm>> -> memref<200xi32, #tpu.memory_space<hbm>>
    tpu.enqueue_dma source(%dma_start3A_64 : memref<200xi32, #tpu.memory_space<hbm>>) target(%arg18 : memref<200xi32, #tpu.memory_space<vmem>>) target_semaphore(%arg30 : memref<!tpu.dma_semaphore, #tpu.memory_space<semaphore_mem>>)
    %mul3A_65 = arith.constant 100 : i32
    %mul3A_66 = arith.muli %arg1, %mul3A_65 : i32
    %add3A_67 = arith.constant 3 : i32
    %add3A_68 = arith.addi %mul3A_66, %add3A_67 : i32
    %mul3A_69 = arith.constant 200 : i32
    %mul3A_70 = arith.muli %add3A_68, %mul3A_69 : i32
    %dma_start3A_71 = arith.constant 0 : i32
    %dma_start3A_72 = tpu.memref_slice %arg2[%dma_start3A_71, %mul3A_70] : memref<2x320000xi32, #tpu.memory_space<hbm>> -> memref<1x200xi32, #tpu.memory_space<hbm>>
    %dma_start3A_73 = tpu.memref_squeeze %dma_start3A_72 : memref<1x200xi32, #tpu.memory_space<hbm>> -> memref<200xi32, #tpu.memory_space<hbm>>
    %dma_start3A_74 = tpu.memref_slice %arg2[%dma_start3A_71, %mul3A_70] : memref<2x320000xi32, #tpu.memory_space<hbm>> -> memref<1x200xi32, #tpu.memory_space<hbm>>
    %dma_start3A_75 = tpu.memref_squeeze %dma_start3A_74 : memref<1x200xi32, #tpu.memory_space<hbm>> -> memref<200xi32, #tpu.memory_space<hbm>>
    tpu.enqueue_dma source(%dma_start3A_75 : memref<200xi32, #tpu.memory_space<hbm>>) target(%arg15 : memref<200xi32, #tpu.memory_space<vmem>>) target_semaphore(%arg27 : memref<!tpu.dma_semaphore, #tpu.memory_space<semaphore_mem>>)
    %mul3A_76 = arith.constant 100 : i32
    %mul3A_77 = arith.muli %arg1, %mul3A_76 : i32
    %add3A_78 = arith.constant 3 : i32
    %add3A_79 = arith.addi %mul3A_77, %add3A_78 : i32
    %mul3A_80 = arith.constant 200 : i32
    %mul3A_81 = arith.muli %add3A_79, %mul3A_80 : i32
    %dma_start3A_82 = arith.constant 1 : i32
    %dma_start3A_83 = tpu.memref_slice %arg2[%dma_start3A_82, %mul3A_81] : memref<2x320000xi32, #tpu.memory_space<hbm>> -> memref<1x200xi32, #tpu.memory_space<hbm>>
    %dma_start3A_84 = tpu.memref_squeeze %dma_start3A_83 : memref<1x200xi32, #tpu.memory_space<hbm>> -> memref<200xi32, #tpu.memory_space<hbm>>
    %dma_start3A_85 = tpu.memref_slice %arg2[%dma_start3A_82, %mul3A_81] : memref<2x320000xi32, #tpu.memory_space<hbm>> -> memref<1x200xi32, #tpu.memory_space<hbm>>
    %dma_start3A_86 = tpu.memref_squeeze %dma_start3A_85 : memref<1x200xi32, #tpu.memory_space<hbm>> -> memref<200xi32, #tpu.memory_space<hbm>>
    tpu.enqueue_dma source(%dma_start3A_86 : memref<200xi32, #tpu.memory_space<hbm>>) target(%arg19 : memref<200xi32, #tpu.memory_space<vmem>>) target_semaphore(%arg31 : memref<!tpu.dma_semaphore, #tpu.memory_space<semaphore_mem>>)
    %dma_wait3A = arith.constant 0 : i32
    %dma_wait3A_87 = arith.constant 0 : i32
    %dma_wait3A_88 = tpu.memref_slice %arg2[%dma_wait3A, %dma_wait3A_87] : memref<2x320000xi32, #tpu.memory_space<hbm>> -> memref<1x200xi32, #tpu.memory_space<hbm>>
    %dma_wait3A_89 = tpu.memref_squeeze %dma_wait3A_88 : memref<1x200xi32, #tpu.memory_space<hbm>> -> memref<200xi32, #tpu.memory_space<hbm>>
    %dma_wait3A_90 = arith.constant 0 : i32
    %dma_wait3A_91 = tpu.memref_slice %arg2[%dma_wait3A, %dma_wait3A_90] : memref<2x320000xi32, #tpu.memory_space<hbm>> -> memref<1x200xi32, #tpu.memory_space<hbm>>
    %dma_wait3A_92 = tpu.memref_squeeze %dma_wait3A_91 : memref<1x200xi32, #tpu.memory_space<hbm>> -> memref<200xi32, #tpu.memory_space<hbm>>
    tpu.wait_dma2 semaphore(%arg24 : memref<!tpu.dma_semaphore, #tpu.memory_space<semaphore_mem>>) src(%dma_wait3A_92 : memref<200xi32, #tpu.memory_space<hbm>>) dst(%arg12 : memref<200xi32, #tpu.memory_space<vmem>>)
    %eq3A = arith.constant 0 : i32
    %eq3A_93 = arith.cmpi eq, %arg0, %eq3A : i32
    %convert_element_type3A = arith.extui %eq3A_93 : i1 to i32
    %cond3A = arith.constant 0 : i32
    %cond3A_94 = arith.cmpi ne, %convert_element_type3A, %cond3A : i32
    scf.if %cond3A_94 {
      %dma_start3A_227 = arith.constant 0 : i32
      %dma_start3A_228 = arith.constant 0 : i32
      %dma_start3A_229 = tpu.memref_slice %arg3[%dma_start3A_227, %dma_start3A_228] : memref<10000x64xf32, #tpu.memory_space<hbm>> -> memref<10000x64xf32, #tpu.memory_space<hbm>>
      tpu.enqueue_indirect_dma source(%dma_start3A_229 : memref<10000x64xf32, #tpu.memory_space<hbm>>) target(%arg20 : memref<200x64xf32, #tpu.memory_space<vmem>>) offsets(%arg12 : memref<200xi32, #tpu.memory_space<vmem>>) semaphore(%arg32 : memref<!tpu.dma_semaphore, #tpu.memory_space<semaphore_mem>>)
    } else {
    }
    %eq3A_95 = arith.constant 1 : i32
    %eq3A_96 = arith.cmpi eq, %arg0, %eq3A_95 : i32
    %convert_element_type3A_97 = arith.extui %eq3A_96 : i1 to i32
    %cond3A_98 = arith.constant 0 : i32
    %cond3A_99 = arith.cmpi ne, %convert_element_type3A_97, %cond3A_98 : i32
    scf.if %cond3A_99 {
      %dma_start3A_227 = arith.constant 0 : i32
      %dma_start3A_228 = arith.constant 0 : i32
      %dma_start3A_229 = tpu.memref_slice %arg4[%dma_start3A_227, %dma_start3A_228] : memref<10000x64xf32, #tpu.memory_space<hbm>> -> memref<10000x64xf32, #tpu.memory_space<hbm>>
      tpu.enqueue_indirect_dma source(%dma_start3A_229 : memref<10000x64xf32, #tpu.memory_space<hbm>>) target(%arg20 : memref<200x64xf32, #tpu.memory_space<vmem>>) offsets(%arg12 : memref<200xi32, #tpu.memory_space<vmem>>) semaphore(%arg32 : memref<!tpu.dma_semaphore, #tpu.memory_space<semaphore_mem>>)
    } else {
    }
    %dma_wait3A_100 = arith.constant 0 : i32
    %dma_wait3A_101 = arith.constant 0 : i32
    %dma_wait3A_102 = tpu.memref_slice %arg2[%dma_wait3A_100, %dma_wait3A_101] : memref<2x320000xi32, #tpu.memory_space<hbm>> -> memref<1x200xi32, #tpu.memory_space<hbm>>
    %dma_wait3A_103 = tpu.memref_squeeze %dma_wait3A_102 : memref<1x200xi32, #tpu.memory_space<hbm>> -> memref<200xi32, #tpu.memory_space<hbm>>
    %dma_wait3A_104 = arith.constant 0 : i32
    %dma_wait3A_105 = tpu.memref_slice %arg2[%dma_wait3A_100, %dma_wait3A_104] : memref<2x320000xi32, #tpu.memory_space<hbm>> -> memref<1x200xi32, #tpu.memory_space<hbm>>
    %dma_wait3A_106 = tpu.memref_squeeze %dma_wait3A_105 : memref<1x200xi32, #tpu.memory_space<hbm>> -> memref<200xi32, #tpu.memory_space<hbm>>
    tpu.wait_dma2 semaphore(%arg25 : memref<!tpu.dma_semaphore, #tpu.memory_space<semaphore_mem>>) src(%dma_wait3A_106 : memref<200xi32, #tpu.memory_space<hbm>>) dst(%arg13 : memref<200xi32, #tpu.memory_space<vmem>>)
    %eq3A_107 = arith.constant 0 : i32
    %eq3A_108 = arith.cmpi eq, %arg0, %eq3A_107 : i32
    %convert_element_type3A_109 = arith.extui %eq3A_108 : i1 to i32
    %cond3A_110 = arith.constant 0 : i32
    %cond3A_111 = arith.cmpi ne, %convert_element_type3A_109, %cond3A_110 : i32
    scf.if %cond3A_111 {
      %dma_start3A_227 = arith.constant 0 : i32
      %dma_start3A_228 = arith.constant 0 : i32
      %dma_start3A_229 = tpu.memref_slice %arg3[%dma_start3A_227, %dma_start3A_228] : memref<10000x64xf32, #tpu.memory_space<hbm>> -> memref<10000x64xf32, #tpu.memory_space<hbm>>
      tpu.enqueue_indirect_dma source(%dma_start3A_229 : memref<10000x64xf32, #tpu.memory_space<hbm>>) target(%arg21 : memref<200x64xf32, #tpu.memory_space<vmem>>) offsets(%arg13 : memref<200xi32, #tpu.memory_space<vmem>>) semaphore(%arg33 : memref<!tpu.dma_semaphore, #tpu.memory_space<semaphore_mem>>)
    } else {
    }
    %eq3A_112 = arith.constant 1 : i32
    %eq3A_113 = arith.cmpi eq, %arg0, %eq3A_112 : i32
    %convert_element_type3A_114 = arith.extui %eq3A_113 : i1 to i32
    %cond3A_115 = arith.constant 0 : i32
    %cond3A_116 = arith.cmpi ne, %convert_element_type3A_114, %cond3A_115 : i32
    scf.if %cond3A_116 {
      %dma_start3A_227 = arith.constant 0 : i32
      %dma_start3A_228 = arith.constant 0 : i32
      %dma_start3A_229 = tpu.memref_slice %arg4[%dma_start3A_227, %dma_start3A_228] : memref<10000x64xf32, #tpu.memory_space<hbm>> -> memref<10000x64xf32, #tpu.memory_space<hbm>>
      tpu.enqueue_indirect_dma source(%dma_start3A_229 : memref<10000x64xf32, #tpu.memory_space<hbm>>) target(%arg21 : memref<200x64xf32, #tpu.memory_space<vmem>>) offsets(%arg13 : memref<200xi32, #tpu.memory_space<vmem>>) semaphore(%arg33 : memref<!tpu.dma_semaphore, #tpu.memory_space<semaphore_mem>>)
    } else {
    }
    %dma_wait3A_117 = arith.constant 0 : i32
    %dma_wait3A_118 = arith.constant 0 : i32
    %dma_wait3A_119 = tpu.memref_slice %arg2[%dma_wait3A_117, %dma_wait3A_118] : memref<2x320000xi32, #tpu.memory_space<hbm>> -> memref<1x200xi32, #tpu.memory_space<hbm>>
    %dma_wait3A_120 = tpu.memref_squeeze %dma_wait3A_119 : memref<1x200xi32, #tpu.memory_space<hbm>> -> memref<200xi32, #tpu.memory_space<hbm>>
    %dma_wait3A_121 = arith.constant 0 : i32
    %dma_wait3A_122 = tpu.memref_slice %arg2[%dma_wait3A_117, %dma_wait3A_121] : memref<2x320000xi32, #tpu.memory_space<hbm>> -> memref<1x200xi32, #tpu.memory_space<hbm>>
    %dma_wait3A_123 = tpu.memref_squeeze %dma_wait3A_122 : memref<1x200xi32, #tpu.memory_space<hbm>> -> memref<200xi32, #tpu.memory_space<hbm>>
    tpu.wait_dma2 semaphore(%arg26 : memref<!tpu.dma_semaphore, #tpu.memory_space<semaphore_mem>>) src(%dma_wait3A_123 : memref<200xi32, #tpu.memory_space<hbm>>) dst(%arg14 : memref<200xi32, #tpu.memory_space<vmem>>)
    %eq3A_124 = arith.constant 0 : i32
    %eq3A_125 = arith.cmpi eq, %arg0, %eq3A_124 : i32
    %convert_element_type3A_126 = arith.extui %eq3A_125 : i1 to i32
    %cond3A_127 = arith.constant 0 : i32
    %cond3A_128 = arith.cmpi ne, %convert_element_type3A_126, %cond3A_127 : i32
    scf.if %cond3A_128 {
      %dma_start3A_227 = arith.constant 0 : i32
      %dma_start3A_228 = arith.constant 0 : i32
      %dma_start3A_229 = tpu.memref_slice %arg3[%dma_start3A_227, %dma_start3A_228] : memref<10000x64xf32, #tpu.memory_space<hbm>> -> memref<10000x64xf32, #tpu.memory_space<hbm>>
      tpu.enqueue_indirect_dma source(%dma_start3A_229 : memref<10000x64xf32, #tpu.memory_space<hbm>>) target(%arg22 : memref<200x64xf32, #tpu.memory_space<vmem>>) offsets(%arg14 : memref<200xi32, #tpu.memory_space<vmem>>) semaphore(%arg34 : memref<!tpu.dma_semaphore, #tpu.memory_space<semaphore_mem>>)
    } else {
    }
    %eq3A_129 = arith.constant 1 : i32
    %eq3A_130 = arith.cmpi eq, %arg0, %eq3A_129 : i32
    %convert_element_type3A_131 = arith.extui %eq3A_130 : i1 to i32
    %cond3A_132 = arith.constant 0 : i32
    %cond3A_133 = arith.cmpi ne, %convert_element_type3A_131, %cond3A_132 : i32
    scf.if %cond3A_133 {
      %dma_start3A_227 = arith.constant 0 : i32
      %dma_start3A_228 = arith.constant 0 : i32
      %dma_start3A_229 = tpu.memref_slice %arg4[%dma_start3A_227, %dma_start3A_228] : memref<10000x64xf32, #tpu.memory_space<hbm>> -> memref<10000x64xf32, #tpu.memory_space<hbm>>
      tpu.enqueue_indirect_dma source(%dma_start3A_229 : memref<10000x64xf32, #tpu.memory_space<hbm>>) target(%arg22 : memref<200x64xf32, #tpu.memory_space<vmem>>) offsets(%arg14 : memref<200xi32, #tpu.memory_space<vmem>>) semaphore(%arg34 : memref<!tpu.dma_semaphore, #tpu.memory_space<semaphore_mem>>)
    } else {
    }
    %dma_wait3A_134 = arith.constant 0 : i32
    %dma_wait3A_135 = arith.constant 0 : i32
    %dma_wait3A_136 = tpu.memref_slice %arg2[%dma_wait3A_134, %dma_wait3A_135] : memref<2x320000xi32, #tpu.memory_space<hbm>> -> memref<1x200xi32, #tpu.memory_space<hbm>>
    %dma_wait3A_137 = tpu.memref_squeeze %dma_wait3A_136 : memref<1x200xi32, #tpu.memory_space<hbm>> -> memref<200xi32, #tpu.memory_space<hbm>>
    %dma_wait3A_138 = arith.constant 0 : i32
    %dma_wait3A_139 = tpu.memref_slice %arg2[%dma_wait3A_134, %dma_wait3A_138] : memref<2x320000xi32, #tpu.memory_space<hbm>> -> memref<1x200xi32, #tpu.memory_space<hbm>>
    %dma_wait3A_140 = tpu.memref_squeeze %dma_wait3A_139 : memref<1x200xi32, #tpu.memory_space<hbm>> -> memref<200xi32, #tpu.memory_space<hbm>>
    tpu.wait_dma2 semaphore(%arg27 : memref<!tpu.dma_semaphore, #tpu.memory_space<semaphore_mem>>) src(%dma_wait3A_140 : memref<200xi32, #tpu.memory_space<hbm>>) dst(%arg15 : memref<200xi32, #tpu.memory_space<vmem>>)
    %eq3A_141 = arith.constant 0 : i32
    %eq3A_142 = arith.cmpi eq, %arg0, %eq3A_141 : i32
    %convert_element_type3A_143 = arith.extui %eq3A_142 : i1 to i32
    %cond3A_144 = arith.constant 0 : i32
    %cond3A_145 = arith.cmpi ne, %convert_element_type3A_143, %cond3A_144 : i32
    scf.if %cond3A_145 {
      %dma_start3A_227 = arith.constant 0 : i32
      %dma_start3A_228 = arith.constant 0 : i32
      %dma_start3A_229 = tpu.memref_slice %arg3[%dma_start3A_227, %dma_start3A_228] : memref<10000x64xf32, #tpu.memory_space<hbm>> -> memref<10000x64xf32, #tpu.memory_space<hbm>>
      tpu.enqueue_indirect_dma source(%dma_start3A_229 : memref<10000x64xf32, #tpu.memory_space<hbm>>) target(%arg23 : memref<200x64xf32, #tpu.memory_space<vmem>>) offsets(%arg15 : memref<200xi32, #tpu.memory_space<vmem>>) semaphore(%arg35 : memref<!tpu.dma_semaphore, #tpu.memory_space<semaphore_mem>>)
    } else {
    }
    %eq3A_146 = arith.constant 1 : i32
    %eq3A_147 = arith.cmpi eq, %arg0, %eq3A_146 : i32
    %convert_element_type3A_148 = arith.extui %eq3A_147 : i1 to i32
    %cond3A_149 = arith.constant 0 : i32
    %cond3A_150 = arith.cmpi ne, %convert_element_type3A_148, %cond3A_149 : i32
    scf.if %cond3A_150 {
      %dma_start3A_227 = arith.constant 0 : i32
      %dma_start3A_228 = arith.constant 0 : i32
      %dma_start3A_229 = tpu.memref_slice %arg4[%dma_start3A_227, %dma_start3A_228] : memref<10000x64xf32, #tpu.memory_space<hbm>> -> memref<10000x64xf32, #tpu.memory_space<hbm>>
      tpu.enqueue_indirect_dma source(%dma_start3A_229 : memref<10000x64xf32, #tpu.memory_space<hbm>>) target(%arg23 : memref<200x64xf32, #tpu.memory_space<vmem>>) offsets(%arg15 : memref<200xi32, #tpu.memory_space<vmem>>) semaphore(%arg35 : memref<!tpu.dma_semaphore, #tpu.memory_space<semaphore_mem>>)
    } else {
    }
    %scan3A = arith.constant 0 : i32
    %scan3A_151 = arith.constant 0 : i32
    %scan3A_152 = arith.constant 25 : i32
    %scan3A_153 = arith.addi %scan3A_151, %scan3A_152 : i32
    %scan3A_154 = arith.constant 1 : i32
    scf.for %scan3A_227 = %scan3A_151 to %scan3A_153 step %scan3A_154  : i32 {
      %mul3A_228 = arith.constant 4 : i32
      %mul3A_229 = arith.muli %mul3A_228, %scan3A_227 : i32
      %add3A_230 = arith.constant 0 : i32
      %add3A_231 = arith.addi %mul3A_229, %add3A_230 : i32
      %dma_wait3A_232 = arith.constant 0 : i32
      %dma_wait3A_233 = arith.constant 0 : i32
      %dma_wait3A_234 = tpu.memref_slice %arg3[%dma_wait3A_232, %dma_wait3A_233] : memref<10000x64xf32, #tpu.memory_space<hbm>> -> memref<200x64xf32, #tpu.memory_space<hbm>>
      %dma_wait3A_235 = arith.constant 0 : i32
      %dma_wait3A_236 = arith.constant 0 : i32
      %dma_wait3A_237 = tpu.memref_slice %arg3[%dma_wait3A_235, %dma_wait3A_236] : memref<10000x64xf32, #tpu.memory_space<hbm>> -> memref<200x64xf32, #tpu.memory_space<hbm>>
      tpu.wait_dma2 semaphore(%arg32 : memref<!tpu.dma_semaphore, #tpu.memory_space<semaphore_mem>>) src(%dma_wait3A_237 : memref<200x64xf32, #tpu.memory_space<hbm>>) dst(%arg20 : memref<200x64xf32, #tpu.memory_space<vmem>>)
      %add3A_238 = arith.constant 1 : i32
      %add3A_239 = arith.addi %scan3A_227, %add3A_238 : i32
      %lt3A = arith.constant 25 : i32
      %lt3A_240 = arith.cmpi slt, %add3A_239, %lt3A : i32
      %convert_element_type3A_241 = arith.extui %lt3A_240 : i1 to i32
      %cond3A_242 = arith.constant 0 : i32
      %cond3A_243 = arith.cmpi ne, %convert_element_type3A_241, %cond3A_242 : i32
      scf.if %cond3A_243 {
        %add3A_382 = arith.constant 4 : i32
        %add3A_383 = arith.addi %add3A_231, %add3A_382 : i32
        %mul3A_384 = arith.constant 100 : i32
        %mul3A_385 = arith.muli %arg1, %mul3A_384 : i32
        %add3A_386 = arith.addi %mul3A_385, %add3A_383 : i32
        %mul3A_387 = arith.constant 200 : i32
        %mul3A_388 = arith.muli %add3A_386, %mul3A_387 : i32
        %dma_start3A_389 = arith.constant 0 : i32
        %dma_start3A_390 = tpu.memref_slice %arg2[%dma_start3A_389, %mul3A_388] : memref<2x320000xi32, #tpu.memory_space<hbm>> -> memref<1x200xi32, #tpu.memory_space<hbm>>
        %dma_start3A_391 = tpu.memref_squeeze %dma_start3A_390 : memref<1x200xi32, #tpu.memory_space<hbm>> -> memref<200xi32, #tpu.memory_space<hbm>>
        %dma_start3A_392 = tpu.memref_slice %arg2[%dma_start3A_389, %mul3A_388] : memref<2x320000xi32, #tpu.memory_space<hbm>> -> memref<1x200xi32, #tpu.memory_space<hbm>>
        %dma_start3A_393 = tpu.memref_squeeze %dma_start3A_392 : memref<1x200xi32, #tpu.memory_space<hbm>> -> memref<200xi32, #tpu.memory_space<hbm>>
        tpu.enqueue_dma source(%dma_start3A_393 : memref<200xi32, #tpu.memory_space<hbm>>) target(%arg12 : memref<200xi32, #tpu.memory_space<vmem>>) target_semaphore(%arg24 : memref<!tpu.dma_semaphore, #tpu.memory_space<semaphore_mem>>)
      } else {
      }
      %dma_wait3A_244 = arith.constant 1 : i32
      %dma_wait3A_245 = arith.constant 0 : i32
      %dma_wait3A_246 = tpu.memref_slice %arg2[%dma_wait3A_244, %dma_wait3A_245] : memref<2x320000xi32, #tpu.memory_space<hbm>> -> memref<1x200xi32, #tpu.memory_space<hbm>>
      %dma_wait3A_247 = tpu.memref_squeeze %dma_wait3A_246 : memref<1x200xi32, #tpu.memory_space<hbm>> -> memref<200xi32, #tpu.memory_space<hbm>>
      %dma_wait3A_248 = arith.constant 0 : i32
      %dma_wait3A_249 = tpu.memref_slice %arg2[%dma_wait3A_244, %dma_wait3A_248] : memref<2x320000xi32, #tpu.memory_space<hbm>> -> memref<1x200xi32, #tpu.memory_space<hbm>>
      %dma_wait3A_250 = tpu.memref_squeeze %dma_wait3A_249 : memref<1x200xi32, #tpu.memory_space<hbm>> -> memref<200xi32, #tpu.memory_space<hbm>>
      tpu.wait_dma2 semaphore(%arg28 : memref<!tpu.dma_semaphore, #tpu.memory_space<semaphore_mem>>) src(%dma_wait3A_250 : memref<200xi32, #tpu.memory_space<hbm>>) dst(%arg16 : memref<200xi32, #tpu.memory_space<vmem>>)
      %dma_start3A_251 = arith.constant 0 : i32
      %dma_start3A_252 = arith.constant 0 : i32
      %dma_start3A_253 = tpu.memref_slice %arg40[%dma_start3A_251, %dma_start3A_252] : memref<10240x64xf32, #tpu.memory_space<vmem_shared>> -> memref<10240x64xf32, #tpu.memory_space<vmem_shared>>
      tpu.enqueue_indirect_dma source(%arg20 : memref<200x64xf32, #tpu.memory_space<vmem>>) target(%dma_start3A_253 : memref<10240x64xf32, #tpu.memory_space<vmem_shared>>) offsets(%arg16 : memref<200xi32, #tpu.memory_space<vmem>>) semaphore(%arg36 : memref<!tpu.dma_semaphore, #tpu.memory_space<semaphore_mem>>) {add = true}
      %lt3A_254 = arith.constant 50 : i32
      %lt3A_255 = arith.cmpi slt, %add3A_231, %lt3A_254 : i32
      %eq3A_256 = arith.constant 0 : i32
      %eq3A_257 = arith.cmpi eq, %arg0, %eq3A_256 : i32
      %eq3A_258 = arith.xori %lt3A_255, %eq3A_257 : i1
      %eq3A_259 = arith.constant true
      %eq3A_260 = arith.xori %eq3A_258, %eq3A_259 : i1
      %convert_element_type3A_261 = arith.extui %eq3A_260 : i1 to i32
      %cond3A_262 = arith.constant 0 : i32
      %cond3A_263 = arith.cmpi ne, %convert_element_type3A_261, %cond3A_262 : i32
      scf.if %cond3A_263 {
        %dma_start3A_382 = arith.constant 0 : i32
        %dma_start3A_383 = arith.constant 0 : i32
        %dma_start3A_384 = tpu.memref_slice %arg42[%dma_start3A_382, %dma_start3A_383] : memref<10240x8xf32, #tpu.memory_space<vmem_shared>> -> memref<10240x8xf32, #tpu.memory_space<vmem_shared>>
        tpu.enqueue_indirect_dma source(%arg41 : memref<200x8xf32, #tpu.memory_space<vmem>>) target(%dma_start3A_384 : memref<10240x8xf32, #tpu.memory_space<vmem_shared>>) offsets(%arg16 : memref<200xi32, #tpu.memory_space<vmem>>) semaphore(%arg36 : memref<!tpu.dma_semaphore, #tpu.memory_space<semaphore_mem>>) {add = true}
      } else {
      }
      %mul3A_264 = arith.constant 4 : i32
      %mul3A_265 = arith.muli %mul3A_264, %scan3A_227 : i32
      %add3A_266 = arith.constant 1 : i32
      %add3A_267 = arith.addi %mul3A_265, %add3A_266 : i32
      %dma_wait3A_268 = arith.constant 0 : i32
      %dma_wait3A_269 = arith.constant 0 : i32
      %dma_wait3A_270 = tpu.memref_slice %arg3[%dma_wait3A_268, %dma_wait3A_269] : memref<10000x64xf32, #tpu.memory_space<hbm>> -> memref<200x64xf32, #tpu.memory_space<hbm>>
      %dma_wait3A_271 = arith.constant 0 : i32
      %dma_wait3A_272 = arith.constant 0 : i32
      %dma_wait3A_273 = tpu.memref_slice %arg3[%dma_wait3A_271, %dma_wait3A_272] : memref<10000x64xf32, #tpu.memory_space<hbm>> -> memref<200x64xf32, #tpu.memory_space<hbm>>
      tpu.wait_dma2 semaphore(%arg33 : memref<!tpu.dma_semaphore, #tpu.memory_space<semaphore_mem>>) src(%dma_wait3A_273 : memref<200x64xf32, #tpu.memory_space<hbm>>) dst(%arg21 : memref<200x64xf32, #tpu.memory_space<vmem>>)
      %add3A_274 = arith.constant 1 : i32
      %add3A_275 = arith.addi %scan3A_227, %add3A_274 : i32
      %lt3A_276 = arith.constant 25 : i32
      %lt3A_277 = arith.cmpi slt, %add3A_275, %lt3A_276 : i32
      %convert_element_type3A_278 = arith.extui %lt3A_277 : i1 to i32
      %cond3A_279 = arith.constant 0 : i32
      %cond3A_280 = arith.cmpi ne, %convert_element_type3A_278, %cond3A_279 : i32
      scf.if %cond3A_280 {
        %add3A_382 = arith.constant 4 : i32
        %add3A_383 = arith.addi %add3A_267, %add3A_382 : i32
        %mul3A_384 = arith.constant 100 : i32
        %mul3A_385 = arith.muli %arg1, %mul3A_384 : i32
        %add3A_386 = arith.addi %mul3A_385, %add3A_383 : i32
        %mul3A_387 = arith.constant 200 : i32
        %mul3A_388 = arith.muli %add3A_386, %mul3A_387 : i32
        %dma_start3A_389 = arith.constant 0 : i32
        %dma_start3A_390 = tpu.memref_slice %arg2[%dma_start3A_389, %mul3A_388] : memref<2x320000xi32, #tpu.memory_space<hbm>> -> memref<1x200xi32, #tpu.memory_space<hbm>>
        %dma_start3A_391 = tpu.memref_squeeze %dma_start3A_390 : memref<1x200xi32, #tpu.memory_space<hbm>> -> memref<200xi32, #tpu.memory_space<hbm>>
        %dma_start3A_392 = tpu.memref_slice %arg2[%dma_start3A_389, %mul3A_388] : memref<2x320000xi32, #tpu.memory_space<hbm>> -> memref<1x200xi32, #tpu.memory_space<hbm>>
        %dma_start3A_393 = tpu.memref_squeeze %dma_start3A_392 : memref<1x200xi32, #tpu.memory_space<hbm>> -> memref<200xi32, #tpu.memory_space<hbm>>
        tpu.enqueue_dma source(%dma_start3A_393 : memref<200xi32, #tpu.memory_space<hbm>>) target(%arg13 : memref<200xi32, #tpu.memory_space<vmem>>) target_semaphore(%arg25 : memref<!tpu.dma_semaphore, #tpu.memory_space<semaphore_mem>>)
      } else {
      }
      %dma_wait3A_281 = arith.constant 1 : i32
      %dma_wait3A_282 = arith.constant 0 : i32
      %dma_wait3A_283 = tpu.memref_slice %arg2[%dma_wait3A_281, %dma_wait3A_282] : memref<2x320000xi32, #tpu.memory_space<hbm>> -> memref<1x200xi32, #tpu.memory_space<hbm>>
      %dma_wait3A_284 = tpu.memref_squeeze %dma_wait3A_283 : memref<1x200xi32, #tpu.memory_space<hbm>> -> memref<200xi32, #tpu.memory_space<hbm>>
      %dma_wait3A_285 = arith.constant 0 : i32
      %dma_wait3A_286 = tpu.memref_slice %arg2[%dma_wait3A_281, %dma_wait3A_285] : memref<2x320000xi32, #tpu.memory_space<hbm>> -> memref<1x200xi32, #tpu.memory_space<hbm>>
      %dma_wait3A_287 = tpu.memref_squeeze %dma_wait3A_286 : memref<1x200xi32, #tpu.memory_space<hbm>> -> memref<200xi32, #tpu.memory_space<hbm>>
      tpu.wait_dma2 semaphore(%arg29 : memref<!tpu.dma_semaphore, #tpu.memory_space<semaphore_mem>>) src(%dma_wait3A_287 : memref<200xi32, #tpu.memory_space<hbm>>) dst(%arg17 : memref<200xi32, #tpu.memory_space<vmem>>)
      %dma_start3A_288 = arith.constant 0 : i32
      %dma_start3A_289 = arith.constant 0 : i32
      %dma_start3A_290 = tpu.memref_slice %arg40[%dma_start3A_288, %dma_start3A_289] : memref<10240x64xf32, #tpu.memory_space<vmem_shared>> -> memref<10240x64xf32, #tpu.memory_space<vmem_shared>>
      tpu.enqueue_indirect_dma source(%arg21 : memref<200x64xf32, #tpu.memory_space<vmem>>) target(%dma_start3A_290 : memref<10240x64xf32, #tpu.memory_space<vmem_shared>>) offsets(%arg17 : memref<200xi32, #tpu.memory_space<vmem>>) semaphore(%arg37 : memref<!tpu.dma_semaphore, #tpu.memory_space<semaphore_mem>>) {add = true}
      %lt3A_291 = arith.constant 50 : i32
      %lt3A_292 = arith.cmpi slt, %add3A_267, %lt3A_291 : i32
      %eq3A_293 = arith.constant 0 : i32
      %eq3A_294 = arith.cmpi eq, %arg0, %eq3A_293 : i32
      %eq3A_295 = arith.xori %lt3A_292, %eq3A_294 : i1
      %eq3A_296 = arith.constant true
      %eq3A_297 = arith.xori %eq3A_295, %eq3A_296 : i1
      %convert_element_type3A_298 = arith.extui %eq3A_297 : i1 to i32
      %cond3A_299 = arith.constant 0 : i32
      %cond3A_300 = arith.cmpi ne, %convert_element_type3A_298, %cond3A_299 : i32
      scf.if %cond3A_300 {
        %dma_start3A_382 = arith.constant 0 : i32
        %dma_start3A_383 = arith.constant 0 : i32
        %dma_start3A_384 = tpu.memref_slice %arg42[%dma_start3A_382, %dma_start3A_383] : memref<10240x8xf32, #tpu.memory_space<vmem_shared>> -> memref<10240x8xf32, #tpu.memory_space<vmem_shared>>
        tpu.enqueue_indirect_dma source(%arg41 : memref<200x8xf32, #tpu.memory_space<vmem>>) target(%dma_start3A_384 : memref<10240x8xf32, #tpu.memory_space<vmem_shared>>) offsets(%arg17 : memref<200xi32, #tpu.memory_space<vmem>>) semaphore(%arg37 : memref<!tpu.dma_semaphore, #tpu.memory_space<semaphore_mem>>) {add = true}
      } else {
      }
      %mul3A_301 = arith.constant 4 : i32
      %mul3A_302 = arith.muli %mul3A_301, %scan3A_227 : i32
      %add3A_303 = arith.constant 2 : i32
      %add3A_304 = arith.addi %mul3A_302, %add3A_303 : i32
      %dma_wait3A_305 = arith.constant 0 : i32
      %dma_wait3A_306 = arith.constant 0 : i32
      %dma_wait3A_307 = tpu.memref_slice %arg3[%dma_wait3A_305, %dma_wait3A_306] : memref<10000x64xf32, #tpu.memory_space<hbm>> -> memref<200x64xf32, #tpu.memory_space<hbm>>
      %dma_wait3A_308 = arith.constant 0 : i32
      %dma_wait3A_309 = arith.constant 0 : i32
      %dma_wait3A_310 = tpu.memref_slice %arg3[%dma_wait3A_308, %dma_wait3A_309] : memref<10000x64xf32, #tpu.memory_space<hbm>> -> memref<200x64xf32, #tpu.memory_space<hbm>>
      tpu.wait_dma2 semaphore(%arg34 : memref<!tpu.dma_semaphore, #tpu.memory_space<semaphore_mem>>) src(%dma_wait3A_310 : memref<200x64xf32, #tpu.memory_space<hbm>>) dst(%arg22 : memref<200x64xf32, #tpu.memory_space<vmem>>)
      %add3A_311 = arith.constant 1 : i32
      %add3A_312 = arith.addi %scan3A_227, %add3A_311 : i32
      %lt3A_313 = arith.constant 25 : i32
      %lt3A_314 = arith.cmpi slt, %add3A_312, %lt3A_313 : i32
      %convert_element_type3A_315 = arith.extui %lt3A_314 : i1 to i32
      %cond3A_316 = arith.constant 0 : i32
      %cond3A_317 = arith.cmpi ne, %convert_element_type3A_315, %cond3A_316 : i32
      scf.if %cond3A_317 {
        %add3A_382 = arith.constant 4 : i32
        %add3A_383 = arith.addi %add3A_304, %add3A_382 : i32
        %mul3A_384 = arith.constant 100 : i32
        %mul3A_385 = arith.muli %arg1, %mul3A_384 : i32
        %add3A_386 = arith.addi %mul3A_385, %add3A_383 : i32
        %mul3A_387 = arith.constant 200 : i32
        %mul3A_388 = arith.muli %add3A_386, %mul3A_387 : i32
        %dma_start3A_389 = arith.constant 0 : i32
        %dma_start3A_390 = tpu.memref_slice %arg2[%dma_start3A_389, %mul3A_388] : memref<2x320000xi32, #tpu.memory_space<hbm>> -> memref<1x200xi32, #tpu.memory_space<hbm>>
        %dma_start3A_391 = tpu.memref_squeeze %dma_start3A_390 : memref<1x200xi32, #tpu.memory_space<hbm>> -> memref<200xi32, #tpu.memory_space<hbm>>
        %dma_start3A_392 = tpu.memref_slice %arg2[%dma_start3A_389, %mul3A_388] : memref<2x320000xi32, #tpu.memory_space<hbm>> -> memref<1x200xi32, #tpu.memory_space<hbm>>
        %dma_start3A_393 = tpu.memref_squeeze %dma_start3A_392 : memref<1x200xi32, #tpu.memory_space<hbm>> -> memref<200xi32, #tpu.memory_space<hbm>>
        tpu.enqueue_dma source(%dma_start3A_393 : memref<200xi32, #tpu.memory_space<hbm>>) target(%arg14 : memref<200xi32, #tpu.memory_space<vmem>>) target_semaphore(%arg26 : memref<!tpu.dma_semaphore, #tpu.memory_space<semaphore_mem>>)
      } else {
      }
      %dma_wait3A_318 = arith.constant 1 : i32
      %dma_wait3A_319 = arith.constant 0 : i32
      %dma_wait3A_320 = tpu.memref_slice %arg2[%dma_wait3A_318, %dma_wait3A_319] : memref<2x320000xi32, #tpu.memory_space<hbm>> -> memref<1x200xi32, #tpu.memory_space<hbm>>
      %dma_wait3A_321 = tpu.memref_squeeze %dma_wait3A_320 : memref<1x200xi32, #tpu.memory_space<hbm>> -> memref<200xi32, #tpu.memory_space<hbm>>
      %dma_wait3A_322 = arith.constant 0 : i32
      %dma_wait3A_323 = tpu.memref_slice %arg2[%dma_wait3A_318, %dma_wait3A_322] : memref<2x320000xi32, #tpu.memory_space<hbm>> -> memref<1x200xi32, #tpu.memory_space<hbm>>
      %dma_wait3A_324 = tpu.memref_squeeze %dma_wait3A_323 : memref<1x200xi32, #tpu.memory_space<hbm>> -> memref<200xi32, #tpu.memory_space<hbm>>
      tpu.wait_dma2 semaphore(%arg30 : memref<!tpu.dma_semaphore, #tpu.memory_space<semaphore_mem>>) src(%dma_wait3A_324 : memref<200xi32, #tpu.memory_space<hbm>>) dst(%arg18 : memref<200xi32, #tpu.memory_space<vmem>>)
      %dma_start3A_325 = arith.constant 0 : i32
      %dma_start3A_326 = arith.constant 0 : i32
      %dma_start3A_327 = tpu.memref_slice %arg40[%dma_start3A_325, %dma_start3A_326] : memref<10240x64xf32, #tpu.memory_space<vmem_shared>> -> memref<10240x64xf32, #tpu.memory_space<vmem_shared>>
      tpu.enqueue_indirect_dma source(%arg22 : memref<200x64xf32, #tpu.memory_space<vmem>>) target(%dma_start3A_327 : memref<10240x64xf32, #tpu.memory_space<vmem_shared>>) offsets(%arg18 : memref<200xi32, #tpu.memory_space<vmem>>) semaphore(%arg38 : memref<!tpu.dma_semaphore, #tpu.memory_space<semaphore_mem>>) {add = true}
      %lt3A_328 = arith.constant 50 : i32
      %lt3A_329 = arith.cmpi slt, %add3A_304, %lt3A_328 : i32
      %eq3A_330 = arith.constant 0 : i32
      %eq3A_331 = arith.cmpi eq, %arg0, %eq3A_330 : i32
      %eq3A_332 = arith.xori %lt3A_329, %eq3A_331 : i1
      %eq3A_333 = arith.constant true
      %eq3A_334 = arith.xori %eq3A_332, %eq3A_333 : i1
      %convert_element_type3A_335 = arith.extui %eq3A_334 : i1 to i32
      %cond3A_336 = arith.constant 0 : i32
      %cond3A_337 = arith.cmpi ne, %convert_element_type3A_335, %cond3A_336 : i32
      scf.if %cond3A_337 {
        %dma_start3A_382 = arith.constant 0 : i32
        %dma_start3A_383 = arith.constant 0 : i32
        %dma_start3A_384 = tpu.memref_slice %arg42[%dma_start3A_382, %dma_start3A_383] : memref<10240x8xf32, #tpu.memory_space<vmem_shared>> -> memref<10240x8xf32, #tpu.memory_space<vmem_shared>>
        tpu.enqueue_indirect_dma source(%arg41 : memref<200x8xf32, #tpu.memory_space<vmem>>) target(%dma_start3A_384 : memref<10240x8xf32, #tpu.memory_space<vmem_shared>>) offsets(%arg18 : memref<200xi32, #tpu.memory_space<vmem>>) semaphore(%arg38 : memref<!tpu.dma_semaphore, #tpu.memory_space<semaphore_mem>>) {add = true}
      } else {
      }
      %mul3A_338 = arith.constant 4 : i32
      %mul3A_339 = arith.muli %mul3A_338, %scan3A_227 : i32
      %add3A_340 = arith.constant 3 : i32
      %add3A_341 = arith.addi %mul3A_339, %add3A_340 : i32
      %dma_wait3A_342 = arith.constant 0 : i32
      %dma_wait3A_343 = arith.constant 0 : i32
      %dma_wait3A_344 = tpu.memref_slice %arg3[%dma_wait3A_342, %dma_wait3A_343] : memref<10000x64xf32, #tpu.memory_space<hbm>> -> memref<200x64xf32, #tpu.memory_space<hbm>>
      %dma_wait3A_345 = arith.constant 0 : i32
      %dma_wait3A_346 = arith.constant 0 : i32
      %dma_wait3A_347 = tpu.memref_slice %arg3[%dma_wait3A_345, %dma_wait3A_346] : memref<10000x64xf32, #tpu.memory_space<hbm>> -> memref<200x64xf32, #tpu.memory_space<hbm>>
      tpu.wait_dma2 semaphore(%arg35 : memref<!tpu.dma_semaphore, #tpu.memory_space<semaphore_mem>>) src(%dma_wait3A_347 : memref<200x64xf32, #tpu.memory_space<hbm>>) dst(%arg23 : memref<200x64xf32, #tpu.memory_space<vmem>>)
      %add3A_348 = arith.constant 1 : i32
      %add3A_349 = arith.addi %scan3A_227, %add3A_348 : i32
      %lt3A_350 = arith.constant 25 : i32
      %lt3A_351 = arith.cmpi slt, %add3A_349, %lt3A_350 : i32
      %convert_element_type3A_352 = arith.extui %lt3A_351 : i1 to i32
      %cond3A_353 = arith.constant 0 : i32
      %cond3A_354 = arith.cmpi ne, %convert_element_type3A_352, %cond3A_353 : i32
      scf.if %cond3A_354 {
        %add3A_382 = arith.constant 4 : i32
        %add3A_383 = arith.addi %add3A_341, %add3A_382 : i32
        %mul3A_384 = arith.constant 100 : i32
        %mul3A_385 = arith.muli %arg1, %mul3A_384 : i32
        %add3A_386 = arith.addi %mul3A_385, %add3A_383 : i32
        %mul3A_387 = arith.constant 200 : i32
        %mul3A_388 = arith.muli %add3A_386, %mul3A_387 : i32
        %dma_start3A_389 = arith.constant 0 : i32
        %dma_start3A_390 = tpu.memref_slice %arg2[%dma_start3A_389, %mul3A_388] : memref<2x320000xi32, #tpu.memory_space<hbm>> -> memref<1x200xi32, #tpu.memory_space<hbm>>
        %dma_start3A_391 = tpu.memref_squeeze %dma_start3A_390 : memref<1x200xi32, #tpu.memory_space<hbm>> -> memref<200xi32, #tpu.memory_space<hbm>>
        %dma_start3A_392 = tpu.memref_slice %arg2[%dma_start3A_389, %mul3A_388] : memref<2x320000xi32, #tpu.memory_space<hbm>> -> memref<1x200xi32, #tpu.memory_space<hbm>>
        %dma_start3A_393 = tpu.memref_squeeze %dma_start3A_392 : memref<1x200xi32, #tpu.memory_space<hbm>> -> memref<200xi32, #tpu.memory_space<hbm>>
        tpu.enqueue_dma source(%dma_start3A_393 : memref<200xi32, #tpu.memory_space<hbm>>) target(%arg15 : memref<200xi32, #tpu.memory_space<vmem>>) target_semaphore(%arg27 : memref<!tpu.dma_semaphore, #tpu.memory_space<semaphore_mem>>)
      } else {
      }
      %dma_wait3A_355 = arith.constant 1 : i32
      %dma_wait3A_356 = arith.constant 0 : i32
      %dma_wait3A_357 = tpu.memref_slice %arg2[%dma_wait3A_355, %dma_wait3A_356] : memref<2x320000xi32, #tpu.memory_space<hbm>> -> memref<1x200xi32, #tpu.memory_space<hbm>>
      %dma_wait3A_358 = tpu.memref_squeeze %dma_wait3A_357 : memref<1x200xi32, #tpu.memory_space<hbm>> -> memref<200xi32, #tpu.memory_space<hbm>>
      %dma_wait3A_359 = arith.constant 0 : i32
      %dma_wait3A_360 = tpu.memref_slice %arg2[%dma_wait3A_355, %dma_wait3A_359] : memref<2x320000xi32, #tpu.memory_space<hbm>> -> memref<1x200xi32, #tpu.memory_space<hbm>>
      %dma_wait3A_361 = tpu.memref_squeeze %dma_wait3A_360 : memref<1x200xi32, #tpu.memory_space<hbm>> -> memref<200xi32, #tpu.memory_space<hbm>>
      tpu.wait_dma2 semaphore(%arg31 : memref<!tpu.dma_semaphore, #tpu.memory_space<semaphore_mem>>) src(%dma_wait3A_361 : memref<200xi32, #tpu.memory_space<hbm>>) dst(%arg19 : memref<200xi32, #tpu.memory_space<vmem>>)
      %dma_start3A_362 = arith.constant 0 : i32
      %dma_start3A_363 = arith.constant 0 : i32
      %dma_start3A_364 = tpu.memref_slice %arg40[%dma_start3A_362, %dma_start3A_363] : memref<10240x64xf32, #tpu.memory_space<vmem_shared>> -> memref<10240x64xf32, #tpu.memory_space<vmem_shared>>
      tpu.enqueue_indirect_dma source(%arg23 : memref<200x64xf32, #tpu.memory_space<vmem>>) target(%dma_start3A_364 : memref<10240x64xf32, #tpu.memory_space<vmem_shared>>) offsets(%arg19 : memref<200xi32, #tpu.memory_space<vmem>>) semaphore(%arg39 : memref<!tpu.dma_semaphore, #tpu.memory_space<semaphore_mem>>) {add = true}
      %lt3A_365 = arith.constant 50 : i32
      %lt3A_366 = arith.cmpi slt, %add3A_341, %lt3A_365 : i32
      %eq3A_367 = arith.constant 0 : i32
      %eq3A_368 = arith.cmpi eq, %arg0, %eq3A_367 : i32
      %eq3A_369 = arith.xori %lt3A_366, %eq3A_368 : i1
      %eq3A_370 = arith.constant true
      %eq3A_371 = arith.xori %eq3A_369, %eq3A_370 : i1
      %convert_element_type3A_372 = arith.extui %eq3A_371 : i1 to i32
      %cond3A_373 = arith.constant 0 : i32
      %cond3A_374 = arith.cmpi ne, %convert_element_type3A_372, %cond3A_373 : i32
      scf.if %cond3A_374 {
        %dma_start3A_382 = arith.constant 0 : i32
        %dma_start3A_383 = arith.constant 0 : i32
        %dma_start3A_384 = tpu.memref_slice %arg42[%dma_start3A_382, %dma_start3A_383] : memref<10240x8xf32, #tpu.memory_space<vmem_shared>> -> memref<10240x8xf32, #tpu.memory_space<vmem_shared>>
        tpu.enqueue_indirect_dma source(%arg41 : memref<200x8xf32, #tpu.memory_space<vmem>>) target(%dma_start3A_384 : memref<10240x8xf32, #tpu.memory_space<vmem_shared>>) offsets(%arg19 : memref<200xi32, #tpu.memory_space<vmem>>) semaphore(%arg39 : memref<!tpu.dma_semaphore, #tpu.memory_space<semaphore_mem>>) {add = true}
      } else {
      }
      %add3A_375 = arith.constant 1 : i32
      %add3A_376 = arith.addi %scan3A_227, %add3A_375 : i32
      %lt3A_377 = arith.constant 25 : i32
      %lt3A_378 = arith.cmpi slt, %add3A_376, %lt3A_377 : i32
      %convert_element_type3A_379 = arith.extui %lt3A_378 : i1 to i32
      %cond3A_380 = arith.constant 0 : i32
      %cond3A_381 = arith.cmpi ne, %convert_element_type3A_379, %cond3A_380 : i32
      scf.if %cond3A_381 {
        %mul3A_382 = arith.constant 4 : i32
        %mul3A_383 = arith.muli %mul3A_382, %scan3A_227 : i32
        %add3A_384 = arith.constant 0 : i32
        %add3A_385 = arith.addi %mul3A_383, %add3A_384 : i32
        %dma_wait3A_386 = arith.constant 0 : i32
        %dma_wait3A_387 = arith.constant 0 : i32
        %dma_wait3A_388 = tpu.memref_slice %arg40[%dma_wait3A_386, %dma_wait3A_387] : memref<10240x64xf32, #tpu.memory_space<vmem_shared>> -> memref<200x64xf32, #tpu.memory_space<vmem_shared>>
        %dma_wait3A_389 = arith.constant 0 : i32
        %dma_wait3A_390 = arith.constant 0 : i32
        %dma_wait3A_391 = tpu.memref_slice %arg40[%dma_wait3A_389, %dma_wait3A_390] : memref<10240x64xf32, #tpu.memory_space<vmem_shared>> -> memref<200x64xf32, #tpu.memory_space<vmem_shared>>
        tpu.wait_dma2 semaphore(%arg36 : memref<!tpu.dma_semaphore, #tpu.memory_space<semaphore_mem>>) src(%arg20 : memref<200x64xf32, #tpu.memory_space<vmem>>) dst(%dma_wait3A_391 : memref<200x64xf32, #tpu.memory_space<vmem_shared>>)
        %lt3A_392 = arith.constant 50 : i32
        %lt3A_393 = arith.cmpi slt, %add3A_385, %lt3A_392 : i32
        %eq3A_394 = arith.constant 0 : i32
        %eq3A_395 = arith.cmpi eq, %arg0, %eq3A_394 : i32
        %eq3A_396 = arith.xori %lt3A_393, %eq3A_395 : i1
        %eq3A_397 = arith.constant true
        %eq3A_398 = arith.xori %eq3A_396, %eq3A_397 : i1
        %convert_element_type3A_399 = arith.extui %eq3A_398 : i1 to i32
        %cond3A_400 = arith.constant 0 : i32
        %cond3A_401 = arith.cmpi ne, %convert_element_type3A_399, %cond3A_400 : i32
        scf.if %cond3A_401 {
          %dma_wait3A_578 = arith.constant 0 : i32
          %dma_wait3A_579 = arith.constant 0 : i32
          %dma_wait3A_580 = tpu.memref_slice %arg42[%dma_wait3A_578, %dma_wait3A_579] : memref<10240x8xf32, #tpu.memory_space<vmem_shared>> -> memref<200x8xf32, #tpu.memory_space<vmem_shared>>
          %dma_wait3A_581 = arith.constant 0 : i32
          %dma_wait3A_582 = arith.constant 0 : i32
          %dma_wait3A_583 = tpu.memref_slice %arg42[%dma_wait3A_581, %dma_wait3A_582] : memref<10240x8xf32, #tpu.memory_space<vmem_shared>> -> memref<200x8xf32, #tpu.memory_space<vmem_shared>>
          tpu.wait_dma2 semaphore(%arg36 : memref<!tpu.dma_semaphore, #tpu.memory_space<semaphore_mem>>) src(%arg41 : memref<200x8xf32, #tpu.memory_space<vmem>>) dst(%dma_wait3A_583 : memref<200x8xf32, #tpu.memory_space<vmem_shared>>)
        } else {
        }
        %add3A_402 = arith.constant 4 : i32
        %add3A_403 = arith.addi %add3A_385, %add3A_402 : i32
        %mul3A_404 = arith.constant 100 : i32
        %mul3A_405 = arith.muli %arg1, %mul3A_404 : i32
        %add3A_406 = arith.addi %mul3A_405, %add3A_403 : i32
        %mul3A_407 = arith.constant 200 : i32
        %mul3A_408 = arith.muli %add3A_406, %mul3A_407 : i32
        %dma_start3A_409 = arith.constant 1 : i32
        %dma_start3A_410 = tpu.memref_slice %arg2[%dma_start3A_409, %mul3A_408] : memref<2x320000xi32, #tpu.memory_space<hbm>> -> memref<1x200xi32, #tpu.memory_space<hbm>>
        %dma_start3A_411 = tpu.memref_squeeze %dma_start3A_410 : memref<1x200xi32, #tpu.memory_space<hbm>> -> memref<200xi32, #tpu.memory_space<hbm>>
        %dma_start3A_412 = tpu.memref_slice %arg2[%dma_start3A_409, %mul3A_408] : memref<2x320000xi32, #tpu.memory_space<hbm>> -> memref<1x200xi32, #tpu.memory_space<hbm>>
        %dma_start3A_413 = tpu.memref_squeeze %dma_start3A_412 : memref<1x200xi32, #tpu.memory_space<hbm>> -> memref<200xi32, #tpu.memory_space<hbm>>
        tpu.enqueue_dma source(%dma_start3A_413 : memref<200xi32, #tpu.memory_space<hbm>>) target(%arg16 : memref<200xi32, #tpu.memory_space<vmem>>) target_semaphore(%arg28 : memref<!tpu.dma_semaphore, #tpu.memory_space<semaphore_mem>>)
        %dma_wait3A_414 = arith.constant 0 : i32
        %dma_wait3A_415 = arith.constant 0 : i32
        %dma_wait3A_416 = tpu.memref_slice %arg2[%dma_wait3A_414, %dma_wait3A_415] : memref<2x320000xi32, #tpu.memory_space<hbm>> -> memref<1x200xi32, #tpu.memory_space<hbm>>
        %dma_wait3A_417 = tpu.memref_squeeze %dma_wait3A_416 : memref<1x200xi32, #tpu.memory_space<hbm>> -> memref<200xi32, #tpu.memory_space<hbm>>
        %dma_wait3A_418 = arith.constant 0 : i32
        %dma_wait3A_419 = tpu.memref_slice %arg2[%dma_wait3A_414, %dma_wait3A_418] : memref<2x320000xi32, #tpu.memory_space<hbm>> -> memref<1x200xi32, #tpu.memory_space<hbm>>
        %dma_wait3A_420 = tpu.memref_squeeze %dma_wait3A_419 : memref<1x200xi32, #tpu.memory_space<hbm>> -> memref<200xi32, #tpu.memory_space<hbm>>
        tpu.wait_dma2 semaphore(%arg24 : memref<!tpu.dma_semaphore, #tpu.memory_space<semaphore_mem>>) src(%dma_wait3A_420 : memref<200xi32, #tpu.memory_space<hbm>>) dst(%arg12 : memref<200xi32, #tpu.memory_space<vmem>>)
        %eq3A_421 = arith.constant 0 : i32
        %eq3A_422 = arith.cmpi eq, %arg0, %eq3A_421 : i32
        %convert_element_type3A_423 = arith.extui %eq3A_422 : i1 to i32
        %cond3A_424 = arith.constant 0 : i32
        %cond3A_425 = arith.cmpi ne, %convert_element_type3A_423, %cond3A_424 : i32
        scf.if %cond3A_425 {
          %dma_start3A_578 = arith.constant 0 : i32
          %dma_start3A_579 = arith.constant 0 : i32
          %dma_start3A_580 = tpu.memref_slice %arg3[%dma_start3A_578, %dma_start3A_579] : memref<10000x64xf32, #tpu.memory_space<hbm>> -> memref<10000x64xf32, #tpu.memory_space<hbm>>
          tpu.enqueue_indirect_dma source(%dma_start3A_580 : memref<10000x64xf32, #tpu.memory_space<hbm>>) target(%arg20 : memref<200x64xf32, #tpu.memory_space<vmem>>) offsets(%arg12 : memref<200xi32, #tpu.memory_space<vmem>>) semaphore(%arg32 : memref<!tpu.dma_semaphore, #tpu.memory_space<semaphore_mem>>)
        } else {
        }
        %eq3A_426 = arith.constant 1 : i32
        %eq3A_427 = arith.cmpi eq, %arg0, %eq3A_426 : i32
        %convert_element_type3A_428 = arith.extui %eq3A_427 : i1 to i32
        %cond3A_429 = arith.constant 0 : i32
        %cond3A_430 = arith.cmpi ne, %convert_element_type3A_428, %cond3A_429 : i32
        scf.if %cond3A_430 {
          %dma_start3A_578 = arith.constant 0 : i32
          %dma_start3A_579 = arith.constant 0 : i32
          %dma_start3A_580 = tpu.memref_slice %arg4[%dma_start3A_578, %dma_start3A_579] : memref<10000x64xf32, #tpu.memory_space<hbm>> -> memref<10000x64xf32, #tpu.memory_space<hbm>>
          tpu.enqueue_indirect_dma source(%dma_start3A_580 : memref<10000x64xf32, #tpu.memory_space<hbm>>) target(%arg20 : memref<200x64xf32, #tpu.memory_space<vmem>>) offsets(%arg12 : memref<200xi32, #tpu.memory_space<vmem>>) semaphore(%arg32 : memref<!tpu.dma_semaphore, #tpu.memory_space<semaphore_mem>>)
        } else {
        }
        %mul3A_431 = arith.constant 4 : i32
        %mul3A_432 = arith.muli %mul3A_431, %scan3A_227 : i32
        %add3A_433 = arith.constant 1 : i32
        %add3A_434 = arith.addi %mul3A_432, %add3A_433 : i32
        %dma_wait3A_435 = arith.constant 0 : i32
        %dma_wait3A_436 = arith.constant 0 : i32
        %dma_wait3A_437 = tpu.memref_slice %arg40[%dma_wait3A_435, %dma_wait3A_436] : memref<10240x64xf32, #tpu.memory_space<vmem_shared>> -> memref<200x64xf32, #tpu.memory_space<vmem_shared>>
        %dma_wait3A_438 = arith.constant 0 : i32
        %dma_wait3A_439 = arith.constant 0 : i32
        %dma_wait3A_440 = tpu.memref_slice %arg40[%dma_wait3A_438, %dma_wait3A_439] : memref<10240x64xf32, #tpu.memory_space<vmem_shared>> -> memref<200x64xf32, #tpu.memory_space<vmem_shared>>
        tpu.wait_dma2 semaphore(%arg37 : memref<!tpu.dma_semaphore, #tpu.memory_space<semaphore_mem>>) src(%arg21 : memref<200x64xf32, #tpu.memory_space<vmem>>) dst(%dma_wait3A_440 : memref<200x64xf32, #tpu.memory_space<vmem_shared>>)
        %lt3A_441 = arith.constant 50 : i32
        %lt3A_442 = arith.cmpi slt, %add3A_434, %lt3A_441 : i32
        %eq3A_443 = arith.constant 0 : i32
        %eq3A_444 = arith.cmpi eq, %arg0, %eq3A_443 : i32
        %eq3A_445 = arith.xori %lt3A_442, %eq3A_444 : i1
        %eq3A_446 = arith.constant true
        %eq3A_447 = arith.xori %eq3A_445, %eq3A_446 : i1
        %convert_element_type3A_448 = arith.extui %eq3A_447 : i1 to i32
        %cond3A_449 = arith.constant 0 : i32
        %cond3A_450 = arith.cmpi ne, %convert_element_type3A_448, %cond3A_449 : i32
        scf.if %cond3A_450 {
          %dma_wait3A_578 = arith.constant 0 : i32
          %dma_wait3A_579 = arith.constant 0 : i32
          %dma_wait3A_580 = tpu.memref_slice %arg42[%dma_wait3A_578, %dma_wait3A_579] : memref<10240x8xf32, #tpu.memory_space<vmem_shared>> -> memref<200x8xf32, #tpu.memory_space<vmem_shared>>
          %dma_wait3A_581 = arith.constant 0 : i32
          %dma_wait3A_582 = arith.constant 0 : i32
          %dma_wait3A_583 = tpu.memref_slice %arg42[%dma_wait3A_581, %dma_wait3A_582] : memref<10240x8xf32, #tpu.memory_space<vmem_shared>> -> memref<200x8xf32, #tpu.memory_space<vmem_shared>>
          tpu.wait_dma2 semaphore(%arg37 : memref<!tpu.dma_semaphore, #tpu.memory_space<semaphore_mem>>) src(%arg41 : memref<200x8xf32, #tpu.memory_space<vmem>>) dst(%dma_wait3A_583 : memref<200x8xf32, #tpu.memory_space<vmem_shared>>)
        } else {
        }
        %add3A_451 = arith.constant 4 : i32
        %add3A_452 = arith.addi %add3A_434, %add3A_451 : i32
        %mul3A_453 = arith.constant 100 : i32
        %mul3A_454 = arith.muli %arg1, %mul3A_453 : i32
        %add3A_455 = arith.addi %mul3A_454, %add3A_452 : i32
        %mul3A_456 = arith.constant 200 : i32
        %mul3A_457 = arith.muli %add3A_455, %mul3A_456 : i32
        %dma_start3A_458 = arith.constant 1 : i32
        %dma_start3A_459 = tpu.memref_slice %arg2[%dma_start3A_458, %mul3A_457] : memref<2x320000xi32, #tpu.memory_space<hbm>> -> memref<1x200xi32, #tpu.memory_space<hbm>>
        %dma_start3A_460 = tpu.memref_squeeze %dma_start3A_459 : memref<1x200xi32, #tpu.memory_space<hbm>> -> memref<200xi32, #tpu.memory_space<hbm>>
        %dma_start3A_461 = tpu.memref_slice %arg2[%dma_start3A_458, %mul3A_457] : memref<2x320000xi32, #tpu.memory_space<hbm>> -> memref<1x200xi32, #tpu.memory_space<hbm>>
        %dma_start3A_462 = tpu.memref_squeeze %dma_start3A_461 : memref<1x200xi32, #tpu.memory_space<hbm>> -> memref<200xi32, #tpu.memory_space<hbm>>
        tpu.enqueue_dma source(%dma_start3A_462 : memref<200xi32, #tpu.memory_space<hbm>>) target(%arg17 : memref<200xi32, #tpu.memory_space<vmem>>) target_semaphore(%arg29 : memref<!tpu.dma_semaphore, #tpu.memory_space<semaphore_mem>>)
        %dma_wait3A_463 = arith.constant 0 : i32
        %dma_wait3A_464 = arith.constant 0 : i32
        %dma_wait3A_465 = tpu.memref_slice %arg2[%dma_wait3A_463, %dma_wait3A_464] : memref<2x320000xi32, #tpu.memory_space<hbm>> -> memref<1x200xi32, #tpu.memory_space<hbm>>
        %dma_wait3A_466 = tpu.memref_squeeze %dma_wait3A_465 : memref<1x200xi32, #tpu.memory_space<hbm>> -> memref<200xi32, #tpu.memory_space<hbm>>
        %dma_wait3A_467 = arith.constant 0 : i32
        %dma_wait3A_468 = tpu.memref_slice %arg2[%dma_wait3A_463, %dma_wait3A_467] : memref<2x320000xi32, #tpu.memory_space<hbm>> -> memref<1x200xi32, #tpu.memory_space<hbm>>
        %dma_wait3A_469 = tpu.memref_squeeze %dma_wait3A_468 : memref<1x200xi32, #tpu.memory_space<hbm>> -> memref<200xi32, #tpu.memory_space<hbm>>
        tpu.wait_dma2 semaphore(%arg25 : memref<!tpu.dma_semaphore, #tpu.memory_space<semaphore_mem>>) src(%dma_wait3A_469 : memref<200xi32, #tpu.memory_space<hbm>>) dst(%arg13 : memref<200xi32, #tpu.memory_space<vmem>>)
        %eq3A_470 = arith.constant 0 : i32
        %eq3A_471 = arith.cmpi eq, %arg0, %eq3A_470 : i32
        %convert_element_type3A_472 = arith.extui %eq3A_471 : i1 to i32
        %cond3A_473 = arith.constant 0 : i32
        %cond3A_474 = arith.cmpi ne, %convert_element_type3A_472, %cond3A_473 : i32
        scf.if %cond3A_474 {
          %dma_start3A_578 = arith.constant 0 : i32
          %dma_start3A_579 = arith.constant 0 : i32
          %dma_start3A_580 = tpu.memref_slice %arg3[%dma_start3A_578, %dma_start3A_579] : memref<10000x64xf32, #tpu.memory_space<hbm>> -> memref<10000x64xf32, #tpu.memory_space<hbm>>
          tpu.enqueue_indirect_dma source(%dma_start3A_580 : memref<10000x64xf32, #tpu.memory_space<hbm>>) target(%arg21 : memref<200x64xf32, #tpu.memory_space<vmem>>) offsets(%arg13 : memref<200xi32, #tpu.memory_space<vmem>>) semaphore(%arg33 : memref<!tpu.dma_semaphore, #tpu.memory_space<semaphore_mem>>)
        } else {
        }
        %eq3A_475 = arith.constant 1 : i32
        %eq3A_476 = arith.cmpi eq, %arg0, %eq3A_475 : i32
        %convert_element_type3A_477 = arith.extui %eq3A_476 : i1 to i32
        %cond3A_478 = arith.constant 0 : i32
        %cond3A_479 = arith.cmpi ne, %convert_element_type3A_477, %cond3A_478 : i32
        scf.if %cond3A_479 {
          %dma_start3A_578 = arith.constant 0 : i32
          %dma_start3A_579 = arith.constant 0 : i32
          %dma_start3A_580 = tpu.memref_slice %arg4[%dma_start3A_578, %dma_start3A_579] : memref<10000x64xf32, #tpu.memory_space<hbm>> -> memref<10000x64xf32, #tpu.memory_space<hbm>>
          tpu.enqueue_indirect_dma source(%dma_start3A_580 : memref<10000x64xf32, #tpu.memory_space<hbm>>) target(%arg21 : memref<200x64xf32, #tpu.memory_space<vmem>>) offsets(%arg13 : memref<200xi32, #tpu.memory_space<vmem>>) semaphore(%arg33 : memref<!tpu.dma_semaphore, #tpu.memory_space<semaphore_mem>>)
        } else {
        }
        %mul3A_480 = arith.constant 4 : i32
        %mul3A_481 = arith.muli %mul3A_480, %scan3A_227 : i32
        %add3A_482 = arith.constant 2 : i32
        %add3A_483 = arith.addi %mul3A_481, %add3A_482 : i32
        %dma_wait3A_484 = arith.constant 0 : i32
        %dma_wait3A_485 = arith.constant 0 : i32
        %dma_wait3A_486 = tpu.memref_slice %arg40[%dma_wait3A_484, %dma_wait3A_485] : memref<10240x64xf32, #tpu.memory_space<vmem_shared>> -> memref<200x64xf32, #tpu.memory_space<vmem_shared>>
        %dma_wait3A_487 = arith.constant 0 : i32
        %dma_wait3A_488 = arith.constant 0 : i32
        %dma_wait3A_489 = tpu.memref_slice %arg40[%dma_wait3A_487, %dma_wait3A_488] : memref<10240x64xf32, #tpu.memory_space<vmem_shared>> -> memref<200x64xf32, #tpu.memory_space<vmem_shared>>
        tpu.wait_dma2 semaphore(%arg38 : memref<!tpu.dma_semaphore, #tpu.memory_space<semaphore_mem>>) src(%arg22 : memref<200x64xf32, #tpu.memory_space<vmem>>) dst(%dma_wait3A_489 : memref<200x64xf32, #tpu.memory_space<vmem_shared>>)
        %lt3A_490 = arith.constant 50 : i32
        %lt3A_491 = arith.cmpi slt, %add3A_483, %lt3A_490 : i32
        %eq3A_492 = arith.constant 0 : i32
        %eq3A_493 = arith.cmpi eq, %arg0, %eq3A_492 : i32
        %eq3A_494 = arith.xori %lt3A_491, %eq3A_493 : i1
        %eq3A_495 = arith.constant true
        %eq3A_496 = arith.xori %eq3A_494, %eq3A_495 : i1
        %convert_element_type3A_497 = arith.extui %eq3A_496 : i1 to i32
        %cond3A_498 = arith.constant 0 : i32
        %cond3A_499 = arith.cmpi ne, %convert_element_type3A_497, %cond3A_498 : i32
        scf.if %cond3A_499 {
          %dma_wait3A_578 = arith.constant 0 : i32
          %dma_wait3A_579 = arith.constant 0 : i32
          %dma_wait3A_580 = tpu.memref_slice %arg42[%dma_wait3A_578, %dma_wait3A_579] : memref<10240x8xf32, #tpu.memory_space<vmem_shared>> -> memref<200x8xf32, #tpu.memory_space<vmem_shared>>
          %dma_wait3A_581 = arith.constant 0 : i32
          %dma_wait3A_582 = arith.constant 0 : i32
          %dma_wait3A_583 = tpu.memref_slice %arg42[%dma_wait3A_581, %dma_wait3A_582] : memref<10240x8xf32, #tpu.memory_space<vmem_shared>> -> memref<200x8xf32, #tpu.memory_space<vmem_shared>>
          tpu.wait_dma2 semaphore(%arg38 : memref<!tpu.dma_semaphore, #tpu.memory_space<semaphore_mem>>) src(%arg41 : memref<200x8xf32, #tpu.memory_space<vmem>>) dst(%dma_wait3A_583 : memref<200x8xf32, #tpu.memory_space<vmem_shared>>)
        } else {
        }
        %add3A_500 = arith.constant 4 : i32
        %add3A_501 = arith.addi %add3A_483, %add3A_500 : i32
        %mul3A_502 = arith.constant 100 : i32
        %mul3A_503 = arith.muli %arg1, %mul3A_502 : i32
        %add3A_504 = arith.addi %mul3A_503, %add3A_501 : i32
        %mul3A_505 = arith.constant 200 : i32
        %mul3A_506 = arith.muli %add3A_504, %mul3A_505 : i32
        %dma_start3A_507 = arith.constant 1 : i32
        %dma_start3A_508 = tpu.memref_slice %arg2[%dma_start3A_507, %mul3A_506] : memref<2x320000xi32, #tpu.memory_space<hbm>> -> memref<1x200xi32, #tpu.memory_space<hbm>>
        %dma_start3A_509 = tpu.memref_squeeze %dma_start3A_508 : memref<1x200xi32, #tpu.memory_space<hbm>> -> memref<200xi32, #tpu.memory_space<hbm>>
        %dma_start3A_510 = tpu.memref_slice %arg2[%dma_start3A_507, %mul3A_506] : memref<2x320000xi32, #tpu.memory_space<hbm>> -> memref<1x200xi32, #tpu.memory_space<hbm>>
        %dma_start3A_511 = tpu.memref_squeeze %dma_start3A_510 : memref<1x200xi32, #tpu.memory_space<hbm>> -> memref<200xi32, #tpu.memory_space<hbm>>
        tpu.enqueue_dma source(%dma_start3A_511 : memref<200xi32, #tpu.memory_space<hbm>>) target(%arg18 : memref<200xi32, #tpu.memory_space<vmem>>) target_semaphore(%arg30 : memref<!tpu.dma_semaphore, #tpu.memory_space<semaphore_mem>>)
        %dma_wait3A_512 = arith.constant 0 : i32
        %dma_wait3A_513 = arith.constant 0 : i32
        %dma_wait3A_514 = tpu.memref_slice %arg2[%dma_wait3A_512, %dma_wait3A_513] : memref<2x320000xi32, #tpu.memory_space<hbm>> -> memref<1x200xi32, #tpu.memory_space<hbm>>
        %dma_wait3A_515 = tpu.memref_squeeze %dma_wait3A_514 : memref<1x200xi32, #tpu.memory_space<hbm>> -> memref<200xi32, #tpu.memory_space<hbm>>
        %dma_wait3A_516 = arith.constant 0 : i32
        %dma_wait3A_517 = tpu.memref_slice %arg2[%dma_wait3A_512, %dma_wait3A_516] : memref<2x320000xi32, #tpu.memory_space<hbm>> -> memref<1x200xi32, #tpu.memory_space<hbm>>
        %dma_wait3A_518 = tpu.memref_squeeze %dma_wait3A_517 : memref<1x200xi32, #tpu.memory_space<hbm>> -> memref<200xi32, #tpu.memory_space<hbm>>
        tpu.wait_dma2 semaphore(%arg26 : memref<!tpu.dma_semaphore, #tpu.memory_space<semaphore_mem>>) src(%dma_wait3A_518 : memref<200xi32, #tpu.memory_space<hbm>>) dst(%arg14 : memref<200xi32, #tpu.memory_space<vmem>>)
        %eq3A_519 = arith.constant 0 : i32
        %eq3A_520 = arith.cmpi eq, %arg0, %eq3A_519 : i32
        %convert_element_type3A_521 = arith.extui %eq3A_520 : i1 to i32
        %cond3A_522 = arith.constant 0 : i32
        %cond3A_523 = arith.cmpi ne, %convert_element_type3A_521, %cond3A_522 : i32
        scf.if %cond3A_523 {
          %dma_start3A_578 = arith.constant 0 : i32
          %dma_start3A_579 = arith.constant 0 : i32
          %dma_start3A_580 = tpu.memref_slice %arg3[%dma_start3A_578, %dma_start3A_579] : memref<10000x64xf32, #tpu.memory_space<hbm>> -> memref<10000x64xf32, #tpu.memory_space<hbm>>
          tpu.enqueue_indirect_dma source(%dma_start3A_580 : memref<10000x64xf32, #tpu.memory_space<hbm>>) target(%arg22 : memref<200x64xf32, #tpu.memory_space<vmem>>) offsets(%arg14 : memref<200xi32, #tpu.memory_space<vmem>>) semaphore(%arg34 : memref<!tpu.dma_semaphore, #tpu.memory_space<semaphore_mem>>)
        } else {
        }
        %eq3A_524 = arith.constant 1 : i32
        %eq3A_525 = arith.cmpi eq, %arg0, %eq3A_524 : i32
        %convert_element_type3A_526 = arith.extui %eq3A_525 : i1 to i32
        %cond3A_527 = arith.constant 0 : i32
        %cond3A_528 = arith.cmpi ne, %convert_element_type3A_526, %cond3A_527 : i32
        scf.if %cond3A_528 {
          %dma_start3A_578 = arith.constant 0 : i32
          %dma_start3A_579 = arith.constant 0 : i32
          %dma_start3A_580 = tpu.memref_slice %arg4[%dma_start3A_578, %dma_start3A_579] : memref<10000x64xf32, #tpu.memory_space<hbm>> -> memref<10000x64xf32, #tpu.memory_space<hbm>>
          tpu.enqueue_indirect_dma source(%dma_start3A_580 : memref<10000x64xf32, #tpu.memory_space<hbm>>) target(%arg22 : memref<200x64xf32, #tpu.memory_space<vmem>>) offsets(%arg14 : memref<200xi32, #tpu.memory_space<vmem>>) semaphore(%arg34 : memref<!tpu.dma_semaphore, #tpu.memory_space<semaphore_mem>>)
        } else {
        }
        %mul3A_529 = arith.constant 4 : i32
        %mul3A_530 = arith.muli %mul3A_529, %scan3A_227 : i32
        %add3A_531 = arith.constant 3 : i32
        %add3A_532 = arith.addi %mul3A_530, %add3A_531 : i32
        %dma_wait3A_533 = arith.constant 0 : i32
        %dma_wait3A_534 = arith.constant 0 : i32
        %dma_wait3A_535 = tpu.memref_slice %arg40[%dma_wait3A_533, %dma_wait3A_534] : memref<10240x64xf32, #tpu.memory_space<vmem_shared>> -> memref<200x64xf32, #tpu.memory_space<vmem_shared>>
        %dma_wait3A_536 = arith.constant 0 : i32
        %dma_wait3A_537 = arith.constant 0 : i32
        %dma_wait3A_538 = tpu.memref_slice %arg40[%dma_wait3A_536, %dma_wait3A_537] : memref<10240x64xf32, #tpu.memory_space<vmem_shared>> -> memref<200x64xf32, #tpu.memory_space<vmem_shared>>
        tpu.wait_dma2 semaphore(%arg39 : memref<!tpu.dma_semaphore, #tpu.memory_space<semaphore_mem>>) src(%arg23 : memref<200x64xf32, #tpu.memory_space<vmem>>) dst(%dma_wait3A_538 : memref<200x64xf32, #tpu.memory_space<vmem_shared>>)
        %lt3A_539 = arith.constant 50 : i32
        %lt3A_540 = arith.cmpi slt, %add3A_532, %lt3A_539 : i32
        %eq3A_541 = arith.constant 0 : i32
        %eq3A_542 = arith.cmpi eq, %arg0, %eq3A_541 : i32
        %eq3A_543 = arith.xori %lt3A_540, %eq3A_542 : i1
        %eq3A_544 = arith.constant true
        %eq3A_545 = arith.xori %eq3A_543, %eq3A_544 : i1
        %convert_element_type3A_546 = arith.extui %eq3A_545 : i1 to i32
        %cond3A_547 = arith.constant 0 : i32
        %cond3A_548 = arith.cmpi ne, %convert_element_type3A_546, %cond3A_547 : i32
        scf.if %cond3A_548 {
          %dma_wait3A_578 = arith.constant 0 : i32
          %dma_wait3A_579 = arith.constant 0 : i32
          %dma_wait3A_580 = tpu.memref_slice %arg42[%dma_wait3A_578, %dma_wait3A_579] : memref<10240x8xf32, #tpu.memory_space<vmem_shared>> -> memref<200x8xf32, #tpu.memory_space<vmem_shared>>
          %dma_wait3A_581 = arith.constant 0 : i32
          %dma_wait3A_582 = arith.constant 0 : i32
          %dma_wait3A_583 = tpu.memref_slice %arg42[%dma_wait3A_581, %dma_wait3A_582] : memref<10240x8xf32, #tpu.memory_space<vmem_shared>> -> memref<200x8xf32, #tpu.memory_space<vmem_shared>>
          tpu.wait_dma2 semaphore(%arg39 : memref<!tpu.dma_semaphore, #tpu.memory_space<semaphore_mem>>) src(%arg41 : memref<200x8xf32, #tpu.memory_space<vmem>>) dst(%dma_wait3A_583 : memref<200x8xf32, #tpu.memory_space<vmem_shared>>)
        } else {
        }
        %add3A_549 = arith.constant 4 : i32
        %add3A_550 = arith.addi %add3A_532, %add3A_549 : i32
        %mul3A_551 = arith.constant 100 : i32
        %mul3A_552 = arith.muli %arg1, %mul3A_551 : i32
        %add3A_553 = arith.addi %mul3A_552, %add3A_550 : i32
        %mul3A_554 = arith.constant 200 : i32
        %mul3A_555 = arith.muli %add3A_553, %mul3A_554 : i32
        %dma_start3A_556 = arith.constant 1 : i32
        %dma_start3A_557 = tpu.memref_slice %arg2[%dma_start3A_556, %mul3A_555] : memref<2x320000xi32, #tpu.memory_space<hbm>> -> memref<1x200xi32, #tpu.memory_space<hbm>>
        %dma_start3A_558 = tpu.memref_squeeze %dma_start3A_557 : memref<1x200xi32, #tpu.memory_space<hbm>> -> memref<200xi32, #tpu.memory_space<hbm>>
        %dma_start3A_559 = tpu.memref_slice %arg2[%dma_start3A_556, %mul3A_555] : memref<2x320000xi32, #tpu.memory_space<hbm>> -> memref<1x200xi32, #tpu.memory_space<hbm>>
        %dma_start3A_560 = tpu.memref_squeeze %dma_start3A_559 : memref<1x200xi32, #tpu.memory_space<hbm>> -> memref<200xi32, #tpu.memory_space<hbm>>
        tpu.enqueue_dma source(%dma_start3A_560 : memref<200xi32, #tpu.memory_space<hbm>>) target(%arg19 : memref<200xi32, #tpu.memory_space<vmem>>) target_semaphore(%arg31 : memref<!tpu.dma_semaphore, #tpu.memory_space<semaphore_mem>>)
        %dma_wait3A_561 = arith.constant 0 : i32
        %dma_wait3A_562 = arith.constant 0 : i32
        %dma_wait3A_563 = tpu.memref_slice %arg2[%dma_wait3A_561, %dma_wait3A_562] : memref<2x320000xi32, #tpu.memory_space<hbm>> -> memref<1x200xi32, #tpu.memory_space<hbm>>
        %dma_wait3A_564 = tpu.memref_squeeze %dma_wait3A_563 : memref<1x200xi32, #tpu.memory_space<hbm>> -> memref<200xi32, #tpu.memory_space<hbm>>
        %dma_wait3A_565 = arith.constant 0 : i32
        %dma_wait3A_566 = tpu.memref_slice %arg2[%dma_wait3A_561, %dma_wait3A_565] : memref<2x320000xi32, #tpu.memory_space<hbm>> -> memref<1x200xi32, #tpu.memory_space<hbm>>
        %dma_wait3A_567 = tpu.memref_squeeze %dma_wait3A_566 : memref<1x200xi32, #tpu.memory_space<hbm>> -> memref<200xi32, #tpu.memory_space<hbm>>
        tpu.wait_dma2 semaphore(%arg27 : memref<!tpu.dma_semaphore, #tpu.memory_space<semaphore_mem>>) src(%dma_wait3A_567 : memref<200xi32, #tpu.memory_space<hbm>>) dst(%arg15 : memref<200xi32, #tpu.memory_space<vmem>>)
        %eq3A_568 = arith.constant 0 : i32
        %eq3A_569 = arith.cmpi eq, %arg0, %eq3A_568 : i32
        %convert_element_type3A_570 = arith.extui %eq3A_569 : i1 to i32
        %cond3A_571 = arith.constant 0 : i32
        %cond3A_572 = arith.cmpi ne, %convert_element_type3A_570, %cond3A_571 : i32
        scf.if %cond3A_572 {
          %dma_start3A_578 = arith.constant 0 : i32
          %dma_start3A_579 = arith.constant 0 : i32
          %dma_start3A_580 = tpu.memref_slice %arg3[%dma_start3A_578, %dma_start3A_579] : memref<10000x64xf32, #tpu.memory_space<hbm>> -> memref<10000x64xf32, #tpu.memory_space<hbm>>
          tpu.enqueue_indirect_dma source(%dma_start3A_580 : memref<10000x64xf32, #tpu.memory_space<hbm>>) target(%arg23 : memref<200x64xf32, #tpu.memory_space<vmem>>) offsets(%arg15 : memref<200xi32, #tpu.memory_space<vmem>>) semaphore(%arg35 : memref<!tpu.dma_semaphore, #tpu.memory_space<semaphore_mem>>)
        } else {
        }
        %eq3A_573 = arith.constant 1 : i32
        %eq3A_574 = arith.cmpi eq, %arg0, %eq3A_573 : i32
        %convert_element_type3A_575 = arith.extui %eq3A_574 : i1 to i32
        %cond3A_576 = arith.constant 0 : i32
        %cond3A_577 = arith.cmpi ne, %convert_element_type3A_575, %cond3A_576 : i32
        scf.if %cond3A_577 {
          %dma_start3A_578 = arith.constant 0 : i32
          %dma_start3A_579 = arith.constant 0 : i32
          %dma_start3A_580 = tpu.memref_slice %arg4[%dma_start3A_578, %dma_start3A_579] : memref<10000x64xf32, #tpu.memory_space<hbm>> -> memref<10000x64xf32, #tpu.memory_space<hbm>>
          tpu.enqueue_indirect_dma source(%dma_start3A_580 : memref<10000x64xf32, #tpu.memory_space<hbm>>) target(%arg23 : memref<200x64xf32, #tpu.memory_space<vmem>>) offsets(%arg15 : memref<200xi32, #tpu.memory_space<vmem>>) semaphore(%arg35 : memref<!tpu.dma_semaphore, #tpu.memory_space<semaphore_mem>>)
        } else {
        }
      } else {
      }
    }
    %scan3A_155 = arith.constant 25 : i32
    %dma_wait3A_156 = arith.constant 0 : i32
    %dma_wait3A_157 = arith.constant 0 : i32
    %dma_wait3A_158 = tpu.memref_slice %arg40[%dma_wait3A_156, %dma_wait3A_157] : memref<10240x64xf32, #tpu.memory_space<vmem_shared>> -> memref<200x64xf32, #tpu.memory_space<vmem_shared>>
    %dma_wait3A_159 = arith.constant 0 : i32
    %dma_wait3A_160 = arith.constant 0 : i32
    %dma_wait3A_161 = tpu.memref_slice %arg40[%dma_wait3A_159, %dma_wait3A_160] : memref<10240x64xf32, #tpu.memory_space<vmem_shared>> -> memref<200x64xf32, #tpu.memory_space<vmem_shared>>
    tpu.wait_dma2 semaphore(%arg36 : memref<!tpu.dma_semaphore, #tpu.memory_space<semaphore_mem>>) src(%arg20 : memref<200x64xf32, #tpu.memory_space<vmem>>) dst(%dma_wait3A_161 : memref<200x64xf32, #tpu.memory_space<vmem_shared>>)
    %eq3A_162 = arith.constant 0 : i32
    %eq3A_163 = arith.cmpi eq, %arg0, %eq3A_162 : i32
    %eq3A_164 = arith.constant false
    %eq3A_165 = arith.xori %eq3A_163, %eq3A_164 : i1
    %eq3A_166 = arith.constant true
    %eq3A_167 = arith.xori %eq3A_165, %eq3A_166 : i1
    %convert_element_type3A_168 = arith.extui %eq3A_167 : i1 to i32
    %cond3A_169 = arith.constant 0 : i32
    %cond3A_170 = arith.cmpi ne, %convert_element_type3A_168, %cond3A_169 : i32
    scf.if %cond3A_170 {
      %dma_wait3A_227 = arith.constant 0 : i32
      %dma_wait3A_228 = arith.constant 0 : i32
      %dma_wait3A_229 = tpu.memref_slice %arg42[%dma_wait3A_227, %dma_wait3A_228] : memref<10240x8xf32, #tpu.memory_space<vmem_shared>> -> memref<200x8xf32, #tpu.memory_space<vmem_shared>>
      %dma_wait3A_230 = arith.constant 0 : i32
      %dma_wait3A_231 = arith.constant 0 : i32
      %dma_wait3A_232 = tpu.memref_slice %arg42[%dma_wait3A_230, %dma_wait3A_231] : memref<10240x8xf32, #tpu.memory_space<vmem_shared>> -> memref<200x8xf32, #tpu.memory_space<vmem_shared>>
      tpu.wait_dma2 semaphore(%arg36 : memref<!tpu.dma_semaphore, #tpu.memory_space<semaphore_mem>>) src(%arg41 : memref<200x8xf32, #tpu.memory_space<vmem>>) dst(%dma_wait3A_232 : memref<200x8xf32, #tpu.memory_space<vmem_shared>>)
    } else {
    }
    %dma_wait3A_171 = arith.constant 0 : i32
    %dma_wait3A_172 = arith.constant 0 : i32
    %dma_wait3A_173 = tpu.memref_slice %arg40[%dma_wait3A_171, %dma_wait3A_172] : memref<10240x64xf32, #tpu.memory_space<vmem_shared>> -> memref<200x64xf32, #tpu.memory_space<vmem_shared>>
    %dma_wait3A_174 = arith.constant 0 : i32
    %dma_wait3A_175 = arith.constant 0 : i32
    %dma_wait3A_176 = tpu.memref_slice %arg40[%dma_wait3A_174, %dma_wait3A_175] : memref<10240x64xf32, #tpu.memory_space<vmem_shared>> -> memref<200x64xf32, #tpu.memory_space<vmem_shared>>
    tpu.wait_dma2 semaphore(%arg37 : memref<!tpu.dma_semaphore, #tpu.memory_space<semaphore_mem>>) src(%arg21 : memref<200x64xf32, #tpu.memory_space<vmem>>) dst(%dma_wait3A_176 : memref<200x64xf32, #tpu.memory_space<vmem_shared>>)
    %eq3A_177 = arith.constant 0 : i32
    %eq3A_178 = arith.cmpi eq, %arg0, %eq3A_177 : i32
    %eq3A_179 = arith.constant false
    %eq3A_180 = arith.xori %eq3A_178, %eq3A_179 : i1
    %eq3A_181 = arith.constant true
    %eq3A_182 = arith.xori %eq3A_180, %eq3A_181 : i1
    %convert_element_type3A_183 = arith.extui %eq3A_182 : i1 to i32
    %cond3A_184 = arith.constant 0 : i32
    %cond3A_185 = arith.cmpi ne, %convert_element_type3A_183, %cond3A_184 : i32
    scf.if %cond3A_185 {
      %dma_wait3A_227 = arith.constant 0 : i32
      %dma_wait3A_228 = arith.constant 0 : i32
      %dma_wait3A_229 = tpu.memref_slice %arg42[%dma_wait3A_227, %dma_wait3A_228] : memref<10240x8xf32, #tpu.memory_space<vmem_shared>> -> memref<200x8xf32, #tpu.memory_space<vmem_shared>>
      %dma_wait3A_230 = arith.constant 0 : i32
      %dma_wait3A_231 = arith.constant 0 : i32
      %dma_wait3A_232 = tpu.memref_slice %arg42[%dma_wait3A_230, %dma_wait3A_231] : memref<10240x8xf32, #tpu.memory_space<vmem_shared>> -> memref<200x8xf32, #tpu.memory_space<vmem_shared>>
      tpu.wait_dma2 semaphore(%arg37 : memref<!tpu.dma_semaphore, #tpu.memory_space<semaphore_mem>>) src(%arg41 : memref<200x8xf32, #tpu.memory_space<vmem>>) dst(%dma_wait3A_232 : memref<200x8xf32, #tpu.memory_space<vmem_shared>>)
    } else {
    }
    %dma_wait3A_186 = arith.constant 0 : i32
    %dma_wait3A_187 = arith.constant 0 : i32
    %dma_wait3A_188 = tpu.memref_slice %arg40[%dma_wait3A_186, %dma_wait3A_187] : memref<10240x64xf32, #tpu.memory_space<vmem_shared>> -> memref<200x64xf32, #tpu.memory_space<vmem_shared>>
    %dma_wait3A_189 = arith.constant 0 : i32
    %dma_wait3A_190 = arith.constant 0 : i32
    %dma_wait3A_191 = tpu.memref_slice %arg40[%dma_wait3A_189, %dma_wait3A_190] : memref<10240x64xf32, #tpu.memory_space<vmem_shared>> -> memref<200x64xf32, #tpu.memory_space<vmem_shared>>
    tpu.wait_dma2 semaphore(%arg38 : memref<!tpu.dma_semaphore, #tpu.memory_space<semaphore_mem>>) src(%arg22 : memref<200x64xf32, #tpu.memory_space<vmem>>) dst(%dma_wait3A_191 : memref<200x64xf32, #tpu.memory_space<vmem_shared>>)
    %eq3A_192 = arith.constant 0 : i32
    %eq3A_193 = arith.cmpi eq, %arg0, %eq3A_192 : i32
    %eq3A_194 = arith.constant false
    %eq3A_195 = arith.xori %eq3A_193, %eq3A_194 : i1
    %eq3A_196 = arith.constant true
    %eq3A_197 = arith.xori %eq3A_195, %eq3A_196 : i1
    %convert_element_type3A_198 = arith.extui %eq3A_197 : i1 to i32
    %cond3A_199 = arith.constant 0 : i32
    %cond3A_200 = arith.cmpi ne, %convert_element_type3A_198, %cond3A_199 : i32
    scf.if %cond3A_200 {
      %dma_wait3A_227 = arith.constant 0 : i32
      %dma_wait3A_228 = arith.constant 0 : i32
      %dma_wait3A_229 = tpu.memref_slice %arg42[%dma_wait3A_227, %dma_wait3A_228] : memref<10240x8xf32, #tpu.memory_space<vmem_shared>> -> memref<200x8xf32, #tpu.memory_space<vmem_shared>>
      %dma_wait3A_230 = arith.constant 0 : i32
      %dma_wait3A_231 = arith.constant 0 : i32
      %dma_wait3A_232 = tpu.memref_slice %arg42[%dma_wait3A_230, %dma_wait3A_231] : memref<10240x8xf32, #tpu.memory_space<vmem_shared>> -> memref<200x8xf32, #tpu.memory_space<vmem_shared>>
      tpu.wait_dma2 semaphore(%arg38 : memref<!tpu.dma_semaphore, #tpu.memory_space<semaphore_mem>>) src(%arg41 : memref<200x8xf32, #tpu.memory_space<vmem>>) dst(%dma_wait3A_232 : memref<200x8xf32, #tpu.memory_space<vmem_shared>>)
    } else {
    }
    %dma_wait3A_201 = arith.constant 0 : i32
    %dma_wait3A_202 = arith.constant 0 : i32
    %dma_wait3A_203 = tpu.memref_slice %arg40[%dma_wait3A_201, %dma_wait3A_202] : memref<10240x64xf32, #tpu.memory_space<vmem_shared>> -> memref<200x64xf32, #tpu.memory_space<vmem_shared>>
    %dma_wait3A_204 = arith.constant 0 : i32
    %dma_wait3A_205 = arith.constant 0 : i32
    %dma_wait3A_206 = tpu.memref_slice %arg40[%dma_wait3A_204, %dma_wait3A_205] : memref<10240x64xf32, #tpu.memory_space<vmem_shared>> -> memref<200x64xf32, #tpu.memory_space<vmem_shared>>
    tpu.wait_dma2 semaphore(%arg39 : memref<!tpu.dma_semaphore, #tpu.memory_space<semaphore_mem>>) src(%arg23 : memref<200x64xf32, #tpu.memory_space<vmem>>) dst(%dma_wait3A_206 : memref<200x64xf32, #tpu.memory_space<vmem_shared>>)
    %eq3A_207 = arith.constant 0 : i32
    %eq3A_208 = arith.cmpi eq, %arg0, %eq3A_207 : i32
    %eq3A_209 = arith.constant false
    %eq3A_210 = arith.xori %eq3A_208, %eq3A_209 : i1
    %eq3A_211 = arith.constant true
    %eq3A_212 = arith.xori %eq3A_210, %eq3A_211 : i1
    %convert_element_type3A_213 = arith.extui %eq3A_212 : i1 to i32
    %cond3A_214 = arith.constant 0 : i32
    %cond3A_215 = arith.cmpi ne, %convert_element_type3A_213, %cond3A_214 : i32
    scf.if %cond3A_215 {
      %dma_wait3A_227 = arith.constant 0 : i32
      %dma_wait3A_228 = arith.constant 0 : i32
      %dma_wait3A_229 = tpu.memref_slice %arg42[%dma_wait3A_227, %dma_wait3A_228] : memref<10240x8xf32, #tpu.memory_space<vmem_shared>> -> memref<200x8xf32, #tpu.memory_space<vmem_shared>>
      %dma_wait3A_230 = arith.constant 0 : i32
      %dma_wait3A_231 = arith.constant 0 : i32
      %dma_wait3A_232 = tpu.memref_slice %arg42[%dma_wait3A_230, %dma_wait3A_231] : memref<10240x8xf32, #tpu.memory_space<vmem_shared>> -> memref<200x8xf32, #tpu.memory_space<vmem_shared>>
      tpu.wait_dma2 semaphore(%arg39 : memref<!tpu.dma_semaphore, #tpu.memory_space<semaphore_mem>>) src(%arg41 : memref<200x8xf32, #tpu.memory_space<vmem>>) dst(%dma_wait3A_232 : memref<200x8xf32, #tpu.memory_space<vmem_shared>>)
    } else {
    }
    %barrier3A_216 = arith.constant 0 : index
    tpu.barrier barrier_id(%barrier3A_216)
    %eq3A_217 = arith.constant 0 : i32
    %eq3A_218 = arith.cmpi eq, %arg0, %eq3A_217 : i32
    %convert_element_type3A_219 = arith.extui %eq3A_218 : i1 to i32
    %cond3A_220 = arith.constant 0 : i32
    %cond3A_221 = arith.cmpi ne, %convert_element_type3A_219, %cond3A_220 : i32
    scf.if %cond3A_221 {
      "tpu.region"() ({
        %run_scoped3A = tpu.sem_alloc : memref<!tpu.dma_semaphore, #tpu.memory_space<semaphore_mem>>
        %dma_start3A_227 = arith.constant 0 : i32
        %dma_start3A_228 = tpu.memref_slice %arg8[%mul3A_0, %dma_start3A_227] : memref<10240x64xf32, #tpu.memory_space<hbm>> -> memref<640x64xf32, #tpu.memory_space<hbm>>
        %dma_start3A_229 = arith.constant 0 : i32
        %dma_start3A_230 = tpu.memref_slice %arg40[%mul3A_0, %dma_start3A_229] : memref<10240x64xf32, #tpu.memory_space<vmem_shared>> -> memref<640x64xf32, #tpu.memory_space<vmem_shared>>
        tpu.enqueue_dma source(%dma_start3A_230 : memref<640x64xf32, #tpu.memory_space<vmem_shared>>) target(%dma_start3A_228 : memref<640x64xf32, #tpu.memory_space<hbm>>) target_semaphore(%run_scoped3A : memref<!tpu.dma_semaphore, #tpu.memory_space<semaphore_mem>>)
        %dma_wait3A_231 = arith.constant 0 : i32
        %dma_wait3A_232 = tpu.memref_slice %arg8[%mul3A_0, %dma_wait3A_231] : memref<10240x64xf32, #tpu.memory_space<hbm>> -> memref<640x64xf32, #tpu.memory_space<hbm>>
        %dma_wait3A_233 = arith.constant 0 : i32
        %dma_wait3A_234 = tpu.memref_slice %arg40[%mul3A_0, %dma_wait3A_233] : memref<10240x64xf32, #tpu.memory_space<vmem_shared>> -> memref<640x64xf32, #tpu.memory_space<vmem_shared>>
        tpu.wait_dma2 semaphore(%run_scoped3A : memref<!tpu.dma_semaphore, #tpu.memory_space<semaphore_mem>>) src(%dma_wait3A_234 : memref<640x64xf32, #tpu.memory_space<vmem_shared>>) dst(%dma_wait3A_232 : memref<640x64xf32, #tpu.memory_space<hbm>>)
        tpu.yield
      }) : () -> ()
      "tpu.region"() ({
        %run_scoped3A = tpu.sem_alloc : memref<!tpu.dma_semaphore, #tpu.memory_space<semaphore_mem>>
        %dma_start3A_227 = arith.constant 0 : i32
        %dma_start3A_228 = tpu.memref_slice %arg10[%mul3A_0, %dma_start3A_227] : memref<10240x8xf32, #tpu.memory_space<hbm>> -> memref<640x8xf32, #tpu.memory_space<hbm>>
        %dma_start3A_229 = arith.constant 0 : i32
        %dma_start3A_230 = tpu.memref_slice %arg42[%mul3A_0, %dma_start3A_229] : memref<10240x8xf32, #tpu.memory_space<vmem_shared>> -> memref<640x8xf32, #tpu.memory_space<vmem_shared>>
        tpu.enqueue_dma source(%dma_start3A_230 : memref<640x8xf32, #tpu.memory_space<vmem_shared>>) target(%dma_start3A_228 : memref<640x8xf32, #tpu.memory_space<hbm>>) target_semaphore(%run_scoped3A : memref<!tpu.dma_semaphore, #tpu.memory_space<semaphore_mem>>)
        %dma_wait3A_231 = arith.constant 0 : i32
        %dma_wait3A_232 = tpu.memref_slice %arg10[%mul3A_0, %dma_wait3A_231] : memref<10240x8xf32, #tpu.memory_space<hbm>> -> memref<640x8xf32, #tpu.memory_space<hbm>>
        %dma_wait3A_233 = arith.constant 0 : i32
        %dma_wait3A_234 = tpu.memref_slice %arg42[%mul3A_0, %dma_wait3A_233] : memref<10240x8xf32, #tpu.memory_space<vmem_shared>> -> memref<640x8xf32, #tpu.memory_space<vmem_shared>>
        tpu.wait_dma2 semaphore(%run_scoped3A : memref<!tpu.dma_semaphore, #tpu.memory_space<semaphore_mem>>) src(%dma_wait3A_234 : memref<640x8xf32, #tpu.memory_space<vmem_shared>>) dst(%dma_wait3A_232 : memref<640x8xf32, #tpu.memory_space<hbm>>)
        tpu.yield
      }) : () -> ()
    } else {
    }
    %eq3A_222 = arith.constant 1 : i32
    %eq3A_223 = arith.cmpi eq, %arg0, %eq3A_222 : i32
    %convert_element_type3A_224 = arith.extui %eq3A_223 : i1 to i32
    %cond3A_225 = arith.constant 0 : i32
    %cond3A_226 = arith.cmpi ne, %convert_element_type3A_224, %cond3A_225 : i32
    scf.if %cond3A_226 {
      "tpu.region"() ({
        %run_scoped3A = tpu.sem_alloc : memref<!tpu.dma_semaphore, #tpu.memory_space<semaphore_mem>>
        %dma_start3A_227 = arith.constant 0 : i32
        %dma_start3A_228 = tpu.memref_slice %arg9[%mul3A_0, %dma_start3A_227] : memref<10240x64xf32, #tpu.memory_space<hbm>> -> memref<640x64xf32, #tpu.memory_space<hbm>>
        %dma_start3A_229 = arith.constant 0 : i32
        %dma_start3A_230 = tpu.memref_slice %arg40[%mul3A_0, %dma_start3A_229] : memref<10240x64xf32, #tpu.memory_space<vmem_shared>> -> memref<640x64xf32, #tpu.memory_space<vmem_shared>>
        tpu.enqueue_dma source(%dma_start3A_230 : memref<640x64xf32, #tpu.memory_space<vmem_shared>>) target(%dma_start3A_228 : memref<640x64xf32, #tpu.memory_space<hbm>>) target_semaphore(%run_scoped3A : memref<!tpu.dma_semaphore, #tpu.memory_space<semaphore_mem>>)
        %dma_wait3A_231 = arith.constant 0 : i32
        %dma_wait3A_232 = tpu.memref_slice %arg9[%mul3A_0, %dma_wait3A_231] : memref<10240x64xf32, #tpu.memory_space<hbm>> -> memref<640x64xf32, #tpu.memory_space<hbm>>
        %dma_wait3A_233 = arith.constant 0 : i32
        %dma_wait3A_234 = tpu.memref_slice %arg40[%mul3A_0, %dma_wait3A_233] : memref<10240x64xf32, #tpu.memory_space<vmem_shared>> -> memref<640x64xf32, #tpu.memory_space<vmem_shared>>
        tpu.wait_dma2 semaphore(%run_scoped3A : memref<!tpu.dma_semaphore, #tpu.memory_space<semaphore_mem>>) src(%dma_wait3A_234 : memref<640x64xf32, #tpu.memory_space<vmem_shared>>) dst(%dma_wait3A_232 : memref<640x64xf32, #tpu.memory_space<hbm>>)
        tpu.yield
      }) : () -> ()
      "tpu.region"() ({
        %run_scoped3A = tpu.sem_alloc : memref<!tpu.dma_semaphore, #tpu.memory_space<semaphore_mem>>
        %dma_start3A_227 = arith.constant 0 : i32
        %dma_start3A_228 = tpu.memref_slice %arg11[%mul3A_0, %dma_start3A_227] : memref<10240x8xf32, #tpu.memory_space<hbm>> -> memref<640x8xf32, #tpu.memory_space<hbm>>
        %dma_start3A_229 = arith.constant 0 : i32
        %dma_start3A_230 = tpu.memref_slice %arg42[%mul3A_0, %dma_start3A_229] : memref<10240x8xf32, #tpu.memory_space<vmem_shared>> -> memref<640x8xf32, #tpu.memory_space<vmem_shared>>
        tpu.enqueue_dma source(%dma_start3A_230 : memref<640x8xf32, #tpu.memory_space<vmem_shared>>) target(%dma_start3A_228 : memref<640x8xf32, #tpu.memory_space<hbm>>) target_semaphore(%run_scoped3A : memref<!tpu.dma_semaphore, #tpu.memory_space<semaphore_mem>>)
        %dma_wait3A_231 = arith.constant 0 : i32
        %dma_wait3A_232 = tpu.memref_slice %arg11[%mul3A_0, %dma_wait3A_231] : memref<10240x8xf32, #tpu.memory_space<hbm>> -> memref<640x8xf32, #tpu.memory_space<hbm>>
        %dma_wait3A_233 = arith.constant 0 : i32
        %dma_wait3A_234 = tpu.memref_slice %arg42[%mul3A_0, %dma_wait3A_233] : memref<10240x8xf32, #tpu.memory_space<vmem_shared>> -> memref<640x8xf32, #tpu.memory_space<vmem_shared>>
        tpu.wait_dma2 semaphore(%run_scoped3A : memref<!tpu.dma_semaphore, #tpu.memory_space<semaphore_mem>>) src(%dma_wait3A_234 : memref<640x8xf32, #tpu.memory_space<vmem_shared>>) dst(%dma_wait3A_232 : memref<640x8xf32, #tpu.memory_space<hbm>>)
        tpu.yield
      }) : () -> ()
    } else {
    }
    return
  }
}

#map = affine_map<(d0, d1) -> (0, 0)>
module attributes {stable_mosaic.version = 14 : i64} {
  func.func @_sc_agg_body(%arg0: i32, %arg1: i32, %arg2: memref<2x320000xi32, #tpu.memory_space<hbm>>, %arg3: memref<10000x32xf32, #tpu.memory_space<hbm>>, %arg4: memref<10000x32xf32, #tpu.memory_space<hbm>>, %arg5: memref<10240x32xf32, #tpu.memory_space<hbm>>, %arg6: memref<10240x32xf32, #tpu.memory_space<hbm>>, %arg7: memref<10240x32xf32, #tpu.memory_space<hbm>>, %arg8: memref<200xi32, #tpu.memory_space<vmem>>, %arg9: memref<200xi32, #tpu.memory_space<vmem>>, %arg10: memref<200xi32, #tpu.memory_space<vmem>>, %arg11: memref<200xi32, #tpu.memory_space<vmem>>, %arg12: memref<200xi32, #tpu.memory_space<vmem>>, %arg13: memref<200xi32, #tpu.memory_space<vmem>>, %arg14: memref<200xi32, #tpu.memory_space<vmem>>, %arg15: memref<200xi32, #tpu.memory_space<vmem>>, %arg16: memref<200x32xf32, #tpu.memory_space<vmem>>, %arg17: memref<200x32xf32, #tpu.memory_space<vmem>>, %arg18: memref<200x32xf32, #tpu.memory_space<vmem>>, %arg19: memref<200x32xf32, #tpu.memory_space<vmem>>, %arg20: memref<!tpu.dma_semaphore, #tpu.memory_space<semaphore_mem>>, %arg21: memref<!tpu.dma_semaphore, #tpu.memory_space<semaphore_mem>>, %arg22: memref<!tpu.dma_semaphore, #tpu.memory_space<semaphore_mem>>, %arg23: memref<!tpu.dma_semaphore, #tpu.memory_space<semaphore_mem>>, %arg24: memref<!tpu.dma_semaphore, #tpu.memory_space<semaphore_mem>>, %arg25: memref<!tpu.dma_semaphore, #tpu.memory_space<semaphore_mem>>, %arg26: memref<!tpu.dma_semaphore, #tpu.memory_space<semaphore_mem>>, %arg27: memref<!tpu.dma_semaphore, #tpu.memory_space<semaphore_mem>>, %arg28: memref<!tpu.dma_semaphore, #tpu.memory_space<semaphore_mem>>, %arg29: memref<!tpu.dma_semaphore, #tpu.memory_space<semaphore_mem>>, %arg30: memref<!tpu.dma_semaphore, #tpu.memory_space<semaphore_mem>>, %arg31: memref<!tpu.dma_semaphore, #tpu.memory_space<semaphore_mem>>, %arg32: memref<!tpu.dma_semaphore, #tpu.memory_space<semaphore_mem>>, %arg33: memref<!tpu.dma_semaphore, #tpu.memory_space<semaphore_mem>>, %arg34: memref<!tpu.dma_semaphore, #tpu.memory_space<semaphore_mem>>, %arg35: memref<!tpu.dma_semaphore, #tpu.memory_space<semaphore_mem>>, %arg36: memref<10240x32xf32, #tpu.memory_space<vmem_shared>>) attributes {dimension_semantics = [#tpu.dimension_semantics<core_parallel>, #tpu.dimension_semantics<subcore_parallel>], iteration_bounds = array<i64: 2, 16>, scalar_prefetch = 0 : i64, scratch_operands = 29 : i64, tpu.core_type = #tpu.core_type<sc_vector_subcore>, window_params = [{transform_indices = #map}, {transform_indices = #map}, {transform_indices = #map}, {transform_indices = #map}, {transform_indices = #map}, {transform_indices = #map}]} {
    %mul3A = arith.constant 640 : i32
    %mul3A_0 = arith.muli %arg1, %mul3A : i32
    "tpu.region"() ({
      %run_scoped3A = tpu.sem_alloc : memref<!tpu.dma_semaphore, #tpu.memory_space<semaphore_mem>>
      %dma_start3A_191 = arith.constant 0 : i32
      %dma_start3A_192 = tpu.memref_slice %arg36[%mul3A_0, %dma_start3A_191] : memref<10240x32xf32, #tpu.memory_space<vmem_shared>> -> memref<640x32xf32, #tpu.memory_space<vmem_shared>>
      %dma_start3A_193 = arith.constant 0 : i32
      %dma_start3A_194 = tpu.memref_slice %arg5[%mul3A_0, %dma_start3A_193] : memref<10240x32xf32, #tpu.memory_space<hbm>> -> memref<640x32xf32, #tpu.memory_space<hbm>>
      tpu.enqueue_dma source(%dma_start3A_194 : memref<640x32xf32, #tpu.memory_space<hbm>>) target(%dma_start3A_192 : memref<640x32xf32, #tpu.memory_space<vmem_shared>>) target_semaphore(%run_scoped3A : memref<!tpu.dma_semaphore, #tpu.memory_space<semaphore_mem>>)
      %dma_wait3A_195 = arith.constant 0 : i32
      %dma_wait3A_196 = tpu.memref_slice %arg36[%mul3A_0, %dma_wait3A_195] : memref<10240x32xf32, #tpu.memory_space<vmem_shared>> -> memref<640x32xf32, #tpu.memory_space<vmem_shared>>
      %dma_wait3A_197 = arith.constant 0 : i32
      %dma_wait3A_198 = tpu.memref_slice %arg5[%mul3A_0, %dma_wait3A_197] : memref<10240x32xf32, #tpu.memory_space<hbm>> -> memref<640x32xf32, #tpu.memory_space<hbm>>
      tpu.wait_dma2 semaphore(%run_scoped3A : memref<!tpu.dma_semaphore, #tpu.memory_space<semaphore_mem>>) src(%dma_wait3A_198 : memref<640x32xf32, #tpu.memory_space<hbm>>) dst(%dma_wait3A_196 : memref<640x32xf32, #tpu.memory_space<vmem_shared>>)
      tpu.yield
    }) : () -> ()
    %barrier3A = arith.constant 0 : index
    tpu.barrier barrier_id(%barrier3A)
    %mul3A_1 = arith.constant 100 : i32
    %mul3A_2 = arith.muli %arg1, %mul3A_1 : i32
    %add3A = arith.constant 0 : i32
    %add3A_3 = arith.addi %mul3A_2, %add3A : i32
    %mul3A_4 = arith.constant 200 : i32
    %mul3A_5 = arith.muli %add3A_3, %mul3A_4 : i32
    %dma_start3A = arith.constant 0 : i32
    %dma_start3A_6 = tpu.memref_slice %arg2[%dma_start3A, %mul3A_5] : memref<2x320000xi32, #tpu.memory_space<hbm>> -> memref<1x200xi32, #tpu.memory_space<hbm>>
    %dma_start3A_7 = tpu.memref_squeeze %dma_start3A_6 : memref<1x200xi32, #tpu.memory_space<hbm>> -> memref<200xi32, #tpu.memory_space<hbm>>
    %dma_start3A_8 = tpu.memref_slice %arg2[%dma_start3A, %mul3A_5] : memref<2x320000xi32, #tpu.memory_space<hbm>> -> memref<1x200xi32, #tpu.memory_space<hbm>>
    %dma_start3A_9 = tpu.memref_squeeze %dma_start3A_8 : memref<1x200xi32, #tpu.memory_space<hbm>> -> memref<200xi32, #tpu.memory_space<hbm>>
    tpu.enqueue_dma source(%dma_start3A_9 : memref<200xi32, #tpu.memory_space<hbm>>) target(%arg8 : memref<200xi32, #tpu.memory_space<vmem>>) target_semaphore(%arg20 : memref<!tpu.dma_semaphore, #tpu.memory_space<semaphore_mem>>)
    %mul3A_10 = arith.constant 100 : i32
    %mul3A_11 = arith.muli %arg1, %mul3A_10 : i32
    %add3A_12 = arith.constant 0 : i32
    %add3A_13 = arith.addi %mul3A_11, %add3A_12 : i32
    %mul3A_14 = arith.constant 200 : i32
    %mul3A_15 = arith.muli %add3A_13, %mul3A_14 : i32
    %dma_start3A_16 = arith.constant 1 : i32
    %dma_start3A_17 = tpu.memref_slice %arg2[%dma_start3A_16, %mul3A_15] : memref<2x320000xi32, #tpu.memory_space<hbm>> -> memref<1x200xi32, #tpu.memory_space<hbm>>
    %dma_start3A_18 = tpu.memref_squeeze %dma_start3A_17 : memref<1x200xi32, #tpu.memory_space<hbm>> -> memref<200xi32, #tpu.memory_space<hbm>>
    %dma_start3A_19 = tpu.memref_slice %arg2[%dma_start3A_16, %mul3A_15] : memref<2x320000xi32, #tpu.memory_space<hbm>> -> memref<1x200xi32, #tpu.memory_space<hbm>>
    %dma_start3A_20 = tpu.memref_squeeze %dma_start3A_19 : memref<1x200xi32, #tpu.memory_space<hbm>> -> memref<200xi32, #tpu.memory_space<hbm>>
    tpu.enqueue_dma source(%dma_start3A_20 : memref<200xi32, #tpu.memory_space<hbm>>) target(%arg12 : memref<200xi32, #tpu.memory_space<vmem>>) target_semaphore(%arg24 : memref<!tpu.dma_semaphore, #tpu.memory_space<semaphore_mem>>)
    %mul3A_21 = arith.constant 100 : i32
    %mul3A_22 = arith.muli %arg1, %mul3A_21 : i32
    %add3A_23 = arith.constant 1 : i32
    %add3A_24 = arith.addi %mul3A_22, %add3A_23 : i32
    %mul3A_25 = arith.constant 200 : i32
    %mul3A_26 = arith.muli %add3A_24, %mul3A_25 : i32
    %dma_start3A_27 = arith.constant 0 : i32
    %dma_start3A_28 = tpu.memref_slice %arg2[%dma_start3A_27, %mul3A_26] : memref<2x320000xi32, #tpu.memory_space<hbm>> -> memref<1x200xi32, #tpu.memory_space<hbm>>
    %dma_start3A_29 = tpu.memref_squeeze %dma_start3A_28 : memref<1x200xi32, #tpu.memory_space<hbm>> -> memref<200xi32, #tpu.memory_space<hbm>>
    %dma_start3A_30 = tpu.memref_slice %arg2[%dma_start3A_27, %mul3A_26] : memref<2x320000xi32, #tpu.memory_space<hbm>> -> memref<1x200xi32, #tpu.memory_space<hbm>>
    %dma_start3A_31 = tpu.memref_squeeze %dma_start3A_30 : memref<1x200xi32, #tpu.memory_space<hbm>> -> memref<200xi32, #tpu.memory_space<hbm>>
    tpu.enqueue_dma source(%dma_start3A_31 : memref<200xi32, #tpu.memory_space<hbm>>) target(%arg9 : memref<200xi32, #tpu.memory_space<vmem>>) target_semaphore(%arg21 : memref<!tpu.dma_semaphore, #tpu.memory_space<semaphore_mem>>)
    %mul3A_32 = arith.constant 100 : i32
    %mul3A_33 = arith.muli %arg1, %mul3A_32 : i32
    %add3A_34 = arith.constant 1 : i32
    %add3A_35 = arith.addi %mul3A_33, %add3A_34 : i32
    %mul3A_36 = arith.constant 200 : i32
    %mul3A_37 = arith.muli %add3A_35, %mul3A_36 : i32
    %dma_start3A_38 = arith.constant 1 : i32
    %dma_start3A_39 = tpu.memref_slice %arg2[%dma_start3A_38, %mul3A_37] : memref<2x320000xi32, #tpu.memory_space<hbm>> -> memref<1x200xi32, #tpu.memory_space<hbm>>
    %dma_start3A_40 = tpu.memref_squeeze %dma_start3A_39 : memref<1x200xi32, #tpu.memory_space<hbm>> -> memref<200xi32, #tpu.memory_space<hbm>>
    %dma_start3A_41 = tpu.memref_slice %arg2[%dma_start3A_38, %mul3A_37] : memref<2x320000xi32, #tpu.memory_space<hbm>> -> memref<1x200xi32, #tpu.memory_space<hbm>>
    %dma_start3A_42 = tpu.memref_squeeze %dma_start3A_41 : memref<1x200xi32, #tpu.memory_space<hbm>> -> memref<200xi32, #tpu.memory_space<hbm>>
    tpu.enqueue_dma source(%dma_start3A_42 : memref<200xi32, #tpu.memory_space<hbm>>) target(%arg13 : memref<200xi32, #tpu.memory_space<vmem>>) target_semaphore(%arg25 : memref<!tpu.dma_semaphore, #tpu.memory_space<semaphore_mem>>)
    %mul3A_43 = arith.constant 100 : i32
    %mul3A_44 = arith.muli %arg1, %mul3A_43 : i32
    %add3A_45 = arith.constant 2 : i32
    %add3A_46 = arith.addi %mul3A_44, %add3A_45 : i32
    %mul3A_47 = arith.constant 200 : i32
    %mul3A_48 = arith.muli %add3A_46, %mul3A_47 : i32
    %dma_start3A_49 = arith.constant 0 : i32
    %dma_start3A_50 = tpu.memref_slice %arg2[%dma_start3A_49, %mul3A_48] : memref<2x320000xi32, #tpu.memory_space<hbm>> -> memref<1x200xi32, #tpu.memory_space<hbm>>
    %dma_start3A_51 = tpu.memref_squeeze %dma_start3A_50 : memref<1x200xi32, #tpu.memory_space<hbm>> -> memref<200xi32, #tpu.memory_space<hbm>>
    %dma_start3A_52 = tpu.memref_slice %arg2[%dma_start3A_49, %mul3A_48] : memref<2x320000xi32, #tpu.memory_space<hbm>> -> memref<1x200xi32, #tpu.memory_space<hbm>>
    %dma_start3A_53 = tpu.memref_squeeze %dma_start3A_52 : memref<1x200xi32, #tpu.memory_space<hbm>> -> memref<200xi32, #tpu.memory_space<hbm>>
    tpu.enqueue_dma source(%dma_start3A_53 : memref<200xi32, #tpu.memory_space<hbm>>) target(%arg10 : memref<200xi32, #tpu.memory_space<vmem>>) target_semaphore(%arg22 : memref<!tpu.dma_semaphore, #tpu.memory_space<semaphore_mem>>)
    %mul3A_54 = arith.constant 100 : i32
    %mul3A_55 = arith.muli %arg1, %mul3A_54 : i32
    %add3A_56 = arith.constant 2 : i32
    %add3A_57 = arith.addi %mul3A_55, %add3A_56 : i32
    %mul3A_58 = arith.constant 200 : i32
    %mul3A_59 = arith.muli %add3A_57, %mul3A_58 : i32
    %dma_start3A_60 = arith.constant 1 : i32
    %dma_start3A_61 = tpu.memref_slice %arg2[%dma_start3A_60, %mul3A_59] : memref<2x320000xi32, #tpu.memory_space<hbm>> -> memref<1x200xi32, #tpu.memory_space<hbm>>
    %dma_start3A_62 = tpu.memref_squeeze %dma_start3A_61 : memref<1x200xi32, #tpu.memory_space<hbm>> -> memref<200xi32, #tpu.memory_space<hbm>>
    %dma_start3A_63 = tpu.memref_slice %arg2[%dma_start3A_60, %mul3A_59] : memref<2x320000xi32, #tpu.memory_space<hbm>> -> memref<1x200xi32, #tpu.memory_space<hbm>>
    %dma_start3A_64 = tpu.memref_squeeze %dma_start3A_63 : memref<1x200xi32, #tpu.memory_space<hbm>> -> memref<200xi32, #tpu.memory_space<hbm>>
    tpu.enqueue_dma source(%dma_start3A_64 : memref<200xi32, #tpu.memory_space<hbm>>) target(%arg14 : memref<200xi32, #tpu.memory_space<vmem>>) target_semaphore(%arg26 : memref<!tpu.dma_semaphore, #tpu.memory_space<semaphore_mem>>)
    %mul3A_65 = arith.constant 100 : i32
    %mul3A_66 = arith.muli %arg1, %mul3A_65 : i32
    %add3A_67 = arith.constant 3 : i32
    %add3A_68 = arith.addi %mul3A_66, %add3A_67 : i32
    %mul3A_69 = arith.constant 200 : i32
    %mul3A_70 = arith.muli %add3A_68, %mul3A_69 : i32
    %dma_start3A_71 = arith.constant 0 : i32
    %dma_start3A_72 = tpu.memref_slice %arg2[%dma_start3A_71, %mul3A_70] : memref<2x320000xi32, #tpu.memory_space<hbm>> -> memref<1x200xi32, #tpu.memory_space<hbm>>
    %dma_start3A_73 = tpu.memref_squeeze %dma_start3A_72 : memref<1x200xi32, #tpu.memory_space<hbm>> -> memref<200xi32, #tpu.memory_space<hbm>>
    %dma_start3A_74 = tpu.memref_slice %arg2[%dma_start3A_71, %mul3A_70] : memref<2x320000xi32, #tpu.memory_space<hbm>> -> memref<1x200xi32, #tpu.memory_space<hbm>>
    %dma_start3A_75 = tpu.memref_squeeze %dma_start3A_74 : memref<1x200xi32, #tpu.memory_space<hbm>> -> memref<200xi32, #tpu.memory_space<hbm>>
    tpu.enqueue_dma source(%dma_start3A_75 : memref<200xi32, #tpu.memory_space<hbm>>) target(%arg11 : memref<200xi32, #tpu.memory_space<vmem>>) target_semaphore(%arg23 : memref<!tpu.dma_semaphore, #tpu.memory_space<semaphore_mem>>)
    %mul3A_76 = arith.constant 100 : i32
    %mul3A_77 = arith.muli %arg1, %mul3A_76 : i32
    %add3A_78 = arith.constant 3 : i32
    %add3A_79 = arith.addi %mul3A_77, %add3A_78 : i32
    %mul3A_80 = arith.constant 200 : i32
    %mul3A_81 = arith.muli %add3A_79, %mul3A_80 : i32
    %dma_start3A_82 = arith.constant 1 : i32
    %dma_start3A_83 = tpu.memref_slice %arg2[%dma_start3A_82, %mul3A_81] : memref<2x320000xi32, #tpu.memory_space<hbm>> -> memref<1x200xi32, #tpu.memory_space<hbm>>
    %dma_start3A_84 = tpu.memref_squeeze %dma_start3A_83 : memref<1x200xi32, #tpu.memory_space<hbm>> -> memref<200xi32, #tpu.memory_space<hbm>>
    %dma_start3A_85 = tpu.memref_slice %arg2[%dma_start3A_82, %mul3A_81] : memref<2x320000xi32, #tpu.memory_space<hbm>> -> memref<1x200xi32, #tpu.memory_space<hbm>>
    %dma_start3A_86 = tpu.memref_squeeze %dma_start3A_85 : memref<1x200xi32, #tpu.memory_space<hbm>> -> memref<200xi32, #tpu.memory_space<hbm>>
    tpu.enqueue_dma source(%dma_start3A_86 : memref<200xi32, #tpu.memory_space<hbm>>) target(%arg15 : memref<200xi32, #tpu.memory_space<vmem>>) target_semaphore(%arg27 : memref<!tpu.dma_semaphore, #tpu.memory_space<semaphore_mem>>)
    %dma_wait3A = arith.constant 0 : i32
    %dma_wait3A_87 = arith.constant 0 : i32
    %dma_wait3A_88 = tpu.memref_slice %arg2[%dma_wait3A, %dma_wait3A_87] : memref<2x320000xi32, #tpu.memory_space<hbm>> -> memref<1x200xi32, #tpu.memory_space<hbm>>
    %dma_wait3A_89 = tpu.memref_squeeze %dma_wait3A_88 : memref<1x200xi32, #tpu.memory_space<hbm>> -> memref<200xi32, #tpu.memory_space<hbm>>
    %dma_wait3A_90 = arith.constant 0 : i32
    %dma_wait3A_91 = tpu.memref_slice %arg2[%dma_wait3A, %dma_wait3A_90] : memref<2x320000xi32, #tpu.memory_space<hbm>> -> memref<1x200xi32, #tpu.memory_space<hbm>>
    %dma_wait3A_92 = tpu.memref_squeeze %dma_wait3A_91 : memref<1x200xi32, #tpu.memory_space<hbm>> -> memref<200xi32, #tpu.memory_space<hbm>>
    tpu.wait_dma2 semaphore(%arg20 : memref<!tpu.dma_semaphore, #tpu.memory_space<semaphore_mem>>) src(%dma_wait3A_92 : memref<200xi32, #tpu.memory_space<hbm>>) dst(%arg8 : memref<200xi32, #tpu.memory_space<vmem>>)
    %eq3A = arith.constant 0 : i32
    %eq3A_93 = arith.cmpi eq, %arg0, %eq3A : i32
    %convert_element_type3A = arith.extui %eq3A_93 : i1 to i32
    %cond3A = arith.constant 0 : i32
    %cond3A_94 = arith.cmpi ne, %convert_element_type3A, %cond3A : i32
    scf.if %cond3A_94 {
      %dma_start3A_191 = arith.constant 0 : i32
      %dma_start3A_192 = arith.constant 0 : i32
      %dma_start3A_193 = tpu.memref_slice %arg3[%dma_start3A_191, %dma_start3A_192] : memref<10000x32xf32, #tpu.memory_space<hbm>> -> memref<10000x32xf32, #tpu.memory_space<hbm>>
      tpu.enqueue_indirect_dma source(%dma_start3A_193 : memref<10000x32xf32, #tpu.memory_space<hbm>>) target(%arg16 : memref<200x32xf32, #tpu.memory_space<vmem>>) offsets(%arg8 : memref<200xi32, #tpu.memory_space<vmem>>) semaphore(%arg28 : memref<!tpu.dma_semaphore, #tpu.memory_space<semaphore_mem>>)
    } else {
    }
    %eq3A_95 = arith.constant 1 : i32
    %eq3A_96 = arith.cmpi eq, %arg0, %eq3A_95 : i32
    %convert_element_type3A_97 = arith.extui %eq3A_96 : i1 to i32
    %cond3A_98 = arith.constant 0 : i32
    %cond3A_99 = arith.cmpi ne, %convert_element_type3A_97, %cond3A_98 : i32
    scf.if %cond3A_99 {
      %dma_start3A_191 = arith.constant 0 : i32
      %dma_start3A_192 = arith.constant 0 : i32
      %dma_start3A_193 = tpu.memref_slice %arg4[%dma_start3A_191, %dma_start3A_192] : memref<10000x32xf32, #tpu.memory_space<hbm>> -> memref<10000x32xf32, #tpu.memory_space<hbm>>
      tpu.enqueue_indirect_dma source(%dma_start3A_193 : memref<10000x32xf32, #tpu.memory_space<hbm>>) target(%arg16 : memref<200x32xf32, #tpu.memory_space<vmem>>) offsets(%arg8 : memref<200xi32, #tpu.memory_space<vmem>>) semaphore(%arg28 : memref<!tpu.dma_semaphore, #tpu.memory_space<semaphore_mem>>)
    } else {
    }
    %dma_wait3A_100 = arith.constant 0 : i32
    %dma_wait3A_101 = arith.constant 0 : i32
    %dma_wait3A_102 = tpu.memref_slice %arg2[%dma_wait3A_100, %dma_wait3A_101] : memref<2x320000xi32, #tpu.memory_space<hbm>> -> memref<1x200xi32, #tpu.memory_space<hbm>>
    %dma_wait3A_103 = tpu.memref_squeeze %dma_wait3A_102 : memref<1x200xi32, #tpu.memory_space<hbm>> -> memref<200xi32, #tpu.memory_space<hbm>>
    %dma_wait3A_104 = arith.constant 0 : i32
    %dma_wait3A_105 = tpu.memref_slice %arg2[%dma_wait3A_100, %dma_wait3A_104] : memref<2x320000xi32, #tpu.memory_space<hbm>> -> memref<1x200xi32, #tpu.memory_space<hbm>>
    %dma_wait3A_106 = tpu.memref_squeeze %dma_wait3A_105 : memref<1x200xi32, #tpu.memory_space<hbm>> -> memref<200xi32, #tpu.memory_space<hbm>>
    tpu.wait_dma2 semaphore(%arg21 : memref<!tpu.dma_semaphore, #tpu.memory_space<semaphore_mem>>) src(%dma_wait3A_106 : memref<200xi32, #tpu.memory_space<hbm>>) dst(%arg9 : memref<200xi32, #tpu.memory_space<vmem>>)
    %eq3A_107 = arith.constant 0 : i32
    %eq3A_108 = arith.cmpi eq, %arg0, %eq3A_107 : i32
    %convert_element_type3A_109 = arith.extui %eq3A_108 : i1 to i32
    %cond3A_110 = arith.constant 0 : i32
    %cond3A_111 = arith.cmpi ne, %convert_element_type3A_109, %cond3A_110 : i32
    scf.if %cond3A_111 {
      %dma_start3A_191 = arith.constant 0 : i32
      %dma_start3A_192 = arith.constant 0 : i32
      %dma_start3A_193 = tpu.memref_slice %arg3[%dma_start3A_191, %dma_start3A_192] : memref<10000x32xf32, #tpu.memory_space<hbm>> -> memref<10000x32xf32, #tpu.memory_space<hbm>>
      tpu.enqueue_indirect_dma source(%dma_start3A_193 : memref<10000x32xf32, #tpu.memory_space<hbm>>) target(%arg17 : memref<200x32xf32, #tpu.memory_space<vmem>>) offsets(%arg9 : memref<200xi32, #tpu.memory_space<vmem>>) semaphore(%arg29 : memref<!tpu.dma_semaphore, #tpu.memory_space<semaphore_mem>>)
    } else {
    }
    %eq3A_112 = arith.constant 1 : i32
    %eq3A_113 = arith.cmpi eq, %arg0, %eq3A_112 : i32
    %convert_element_type3A_114 = arith.extui %eq3A_113 : i1 to i32
    %cond3A_115 = arith.constant 0 : i32
    %cond3A_116 = arith.cmpi ne, %convert_element_type3A_114, %cond3A_115 : i32
    scf.if %cond3A_116 {
      %dma_start3A_191 = arith.constant 0 : i32
      %dma_start3A_192 = arith.constant 0 : i32
      %dma_start3A_193 = tpu.memref_slice %arg4[%dma_start3A_191, %dma_start3A_192] : memref<10000x32xf32, #tpu.memory_space<hbm>> -> memref<10000x32xf32, #tpu.memory_space<hbm>>
      tpu.enqueue_indirect_dma source(%dma_start3A_193 : memref<10000x32xf32, #tpu.memory_space<hbm>>) target(%arg17 : memref<200x32xf32, #tpu.memory_space<vmem>>) offsets(%arg9 : memref<200xi32, #tpu.memory_space<vmem>>) semaphore(%arg29 : memref<!tpu.dma_semaphore, #tpu.memory_space<semaphore_mem>>)
    } else {
    }
    %dma_wait3A_117 = arith.constant 0 : i32
    %dma_wait3A_118 = arith.constant 0 : i32
    %dma_wait3A_119 = tpu.memref_slice %arg2[%dma_wait3A_117, %dma_wait3A_118] : memref<2x320000xi32, #tpu.memory_space<hbm>> -> memref<1x200xi32, #tpu.memory_space<hbm>>
    %dma_wait3A_120 = tpu.memref_squeeze %dma_wait3A_119 : memref<1x200xi32, #tpu.memory_space<hbm>> -> memref<200xi32, #tpu.memory_space<hbm>>
    %dma_wait3A_121 = arith.constant 0 : i32
    %dma_wait3A_122 = tpu.memref_slice %arg2[%dma_wait3A_117, %dma_wait3A_121] : memref<2x320000xi32, #tpu.memory_space<hbm>> -> memref<1x200xi32, #tpu.memory_space<hbm>>
    %dma_wait3A_123 = tpu.memref_squeeze %dma_wait3A_122 : memref<1x200xi32, #tpu.memory_space<hbm>> -> memref<200xi32, #tpu.memory_space<hbm>>
    tpu.wait_dma2 semaphore(%arg22 : memref<!tpu.dma_semaphore, #tpu.memory_space<semaphore_mem>>) src(%dma_wait3A_123 : memref<200xi32, #tpu.memory_space<hbm>>) dst(%arg10 : memref<200xi32, #tpu.memory_space<vmem>>)
    %eq3A_124 = arith.constant 0 : i32
    %eq3A_125 = arith.cmpi eq, %arg0, %eq3A_124 : i32
    %convert_element_type3A_126 = arith.extui %eq3A_125 : i1 to i32
    %cond3A_127 = arith.constant 0 : i32
    %cond3A_128 = arith.cmpi ne, %convert_element_type3A_126, %cond3A_127 : i32
    scf.if %cond3A_128 {
      %dma_start3A_191 = arith.constant 0 : i32
      %dma_start3A_192 = arith.constant 0 : i32
      %dma_start3A_193 = tpu.memref_slice %arg3[%dma_start3A_191, %dma_start3A_192] : memref<10000x32xf32, #tpu.memory_space<hbm>> -> memref<10000x32xf32, #tpu.memory_space<hbm>>
      tpu.enqueue_indirect_dma source(%dma_start3A_193 : memref<10000x32xf32, #tpu.memory_space<hbm>>) target(%arg18 : memref<200x32xf32, #tpu.memory_space<vmem>>) offsets(%arg10 : memref<200xi32, #tpu.memory_space<vmem>>) semaphore(%arg30 : memref<!tpu.dma_semaphore, #tpu.memory_space<semaphore_mem>>)
    } else {
    }
    %eq3A_129 = arith.constant 1 : i32
    %eq3A_130 = arith.cmpi eq, %arg0, %eq3A_129 : i32
    %convert_element_type3A_131 = arith.extui %eq3A_130 : i1 to i32
    %cond3A_132 = arith.constant 0 : i32
    %cond3A_133 = arith.cmpi ne, %convert_element_type3A_131, %cond3A_132 : i32
    scf.if %cond3A_133 {
      %dma_start3A_191 = arith.constant 0 : i32
      %dma_start3A_192 = arith.constant 0 : i32
      %dma_start3A_193 = tpu.memref_slice %arg4[%dma_start3A_191, %dma_start3A_192] : memref<10000x32xf32, #tpu.memory_space<hbm>> -> memref<10000x32xf32, #tpu.memory_space<hbm>>
      tpu.enqueue_indirect_dma source(%dma_start3A_193 : memref<10000x32xf32, #tpu.memory_space<hbm>>) target(%arg18 : memref<200x32xf32, #tpu.memory_space<vmem>>) offsets(%arg10 : memref<200xi32, #tpu.memory_space<vmem>>) semaphore(%arg30 : memref<!tpu.dma_semaphore, #tpu.memory_space<semaphore_mem>>)
    } else {
    }
    %dma_wait3A_134 = arith.constant 0 : i32
    %dma_wait3A_135 = arith.constant 0 : i32
    %dma_wait3A_136 = tpu.memref_slice %arg2[%dma_wait3A_134, %dma_wait3A_135] : memref<2x320000xi32, #tpu.memory_space<hbm>> -> memref<1x200xi32, #tpu.memory_space<hbm>>
    %dma_wait3A_137 = tpu.memref_squeeze %dma_wait3A_136 : memref<1x200xi32, #tpu.memory_space<hbm>> -> memref<200xi32, #tpu.memory_space<hbm>>
    %dma_wait3A_138 = arith.constant 0 : i32
    %dma_wait3A_139 = tpu.memref_slice %arg2[%dma_wait3A_134, %dma_wait3A_138] : memref<2x320000xi32, #tpu.memory_space<hbm>> -> memref<1x200xi32, #tpu.memory_space<hbm>>
    %dma_wait3A_140 = tpu.memref_squeeze %dma_wait3A_139 : memref<1x200xi32, #tpu.memory_space<hbm>> -> memref<200xi32, #tpu.memory_space<hbm>>
    tpu.wait_dma2 semaphore(%arg23 : memref<!tpu.dma_semaphore, #tpu.memory_space<semaphore_mem>>) src(%dma_wait3A_140 : memref<200xi32, #tpu.memory_space<hbm>>) dst(%arg11 : memref<200xi32, #tpu.memory_space<vmem>>)
    %eq3A_141 = arith.constant 0 : i32
    %eq3A_142 = arith.cmpi eq, %arg0, %eq3A_141 : i32
    %convert_element_type3A_143 = arith.extui %eq3A_142 : i1 to i32
    %cond3A_144 = arith.constant 0 : i32
    %cond3A_145 = arith.cmpi ne, %convert_element_type3A_143, %cond3A_144 : i32
    scf.if %cond3A_145 {
      %dma_start3A_191 = arith.constant 0 : i32
      %dma_start3A_192 = arith.constant 0 : i32
      %dma_start3A_193 = tpu.memref_slice %arg3[%dma_start3A_191, %dma_start3A_192] : memref<10000x32xf32, #tpu.memory_space<hbm>> -> memref<10000x32xf32, #tpu.memory_space<hbm>>
      tpu.enqueue_indirect_dma source(%dma_start3A_193 : memref<10000x32xf32, #tpu.memory_space<hbm>>) target(%arg19 : memref<200x32xf32, #tpu.memory_space<vmem>>) offsets(%arg11 : memref<200xi32, #tpu.memory_space<vmem>>) semaphore(%arg31 : memref<!tpu.dma_semaphore, #tpu.memory_space<semaphore_mem>>)
    } else {
    }
    %eq3A_146 = arith.constant 1 : i32
    %eq3A_147 = arith.cmpi eq, %arg0, %eq3A_146 : i32
    %convert_element_type3A_148 = arith.extui %eq3A_147 : i1 to i32
    %cond3A_149 = arith.constant 0 : i32
    %cond3A_150 = arith.cmpi ne, %convert_element_type3A_148, %cond3A_149 : i32
    scf.if %cond3A_150 {
      %dma_start3A_191 = arith.constant 0 : i32
      %dma_start3A_192 = arith.constant 0 : i32
      %dma_start3A_193 = tpu.memref_slice %arg4[%dma_start3A_191, %dma_start3A_192] : memref<10000x32xf32, #tpu.memory_space<hbm>> -> memref<10000x32xf32, #tpu.memory_space<hbm>>
      tpu.enqueue_indirect_dma source(%dma_start3A_193 : memref<10000x32xf32, #tpu.memory_space<hbm>>) target(%arg19 : memref<200x32xf32, #tpu.memory_space<vmem>>) offsets(%arg11 : memref<200xi32, #tpu.memory_space<vmem>>) semaphore(%arg31 : memref<!tpu.dma_semaphore, #tpu.memory_space<semaphore_mem>>)
    } else {
    }
    %scan3A = arith.constant 0 : i32
    %scan3A_151 = arith.constant 0 : i32
    %scan3A_152 = arith.constant 25 : i32
    %scan3A_153 = arith.addi %scan3A_151, %scan3A_152 : i32
    %scan3A_154 = arith.constant 1 : i32
    scf.for %scan3A_191 = %scan3A_151 to %scan3A_153 step %scan3A_154  : i32 {
      %mul3A_192 = arith.constant 4 : i32
      %mul3A_193 = arith.muli %mul3A_192, %scan3A_191 : i32
      %add3A_194 = arith.constant 0 : i32
      %add3A_195 = arith.addi %mul3A_193, %add3A_194 : i32
      %dma_wait3A_196 = arith.constant 0 : i32
      %dma_wait3A_197 = arith.constant 0 : i32
      %dma_wait3A_198 = tpu.memref_slice %arg3[%dma_wait3A_196, %dma_wait3A_197] : memref<10000x32xf32, #tpu.memory_space<hbm>> -> memref<200x32xf32, #tpu.memory_space<hbm>>
      %dma_wait3A_199 = arith.constant 0 : i32
      %dma_wait3A_200 = arith.constant 0 : i32
      %dma_wait3A_201 = tpu.memref_slice %arg3[%dma_wait3A_199, %dma_wait3A_200] : memref<10000x32xf32, #tpu.memory_space<hbm>> -> memref<200x32xf32, #tpu.memory_space<hbm>>
      tpu.wait_dma2 semaphore(%arg28 : memref<!tpu.dma_semaphore, #tpu.memory_space<semaphore_mem>>) src(%dma_wait3A_201 : memref<200x32xf32, #tpu.memory_space<hbm>>) dst(%arg16 : memref<200x32xf32, #tpu.memory_space<vmem>>)
      %add3A_202 = arith.constant 1 : i32
      %add3A_203 = arith.addi %scan3A_191, %add3A_202 : i32
      %lt3A = arith.constant 25 : i32
      %lt3A_204 = arith.cmpi slt, %add3A_203, %lt3A : i32
      %convert_element_type3A_205 = arith.extui %lt3A_204 : i1 to i32
      %cond3A_206 = arith.constant 0 : i32
      %cond3A_207 = arith.cmpi ne, %convert_element_type3A_205, %cond3A_206 : i32
      scf.if %cond3A_207 {
        %add3A_306 = arith.constant 4 : i32
        %add3A_307 = arith.addi %add3A_195, %add3A_306 : i32
        %mul3A_308 = arith.constant 100 : i32
        %mul3A_309 = arith.muli %arg1, %mul3A_308 : i32
        %add3A_310 = arith.addi %mul3A_309, %add3A_307 : i32
        %mul3A_311 = arith.constant 200 : i32
        %mul3A_312 = arith.muli %add3A_310, %mul3A_311 : i32
        %dma_start3A_313 = arith.constant 0 : i32
        %dma_start3A_314 = tpu.memref_slice %arg2[%dma_start3A_313, %mul3A_312] : memref<2x320000xi32, #tpu.memory_space<hbm>> -> memref<1x200xi32, #tpu.memory_space<hbm>>
        %dma_start3A_315 = tpu.memref_squeeze %dma_start3A_314 : memref<1x200xi32, #tpu.memory_space<hbm>> -> memref<200xi32, #tpu.memory_space<hbm>>
        %dma_start3A_316 = tpu.memref_slice %arg2[%dma_start3A_313, %mul3A_312] : memref<2x320000xi32, #tpu.memory_space<hbm>> -> memref<1x200xi32, #tpu.memory_space<hbm>>
        %dma_start3A_317 = tpu.memref_squeeze %dma_start3A_316 : memref<1x200xi32, #tpu.memory_space<hbm>> -> memref<200xi32, #tpu.memory_space<hbm>>
        tpu.enqueue_dma source(%dma_start3A_317 : memref<200xi32, #tpu.memory_space<hbm>>) target(%arg8 : memref<200xi32, #tpu.memory_space<vmem>>) target_semaphore(%arg20 : memref<!tpu.dma_semaphore, #tpu.memory_space<semaphore_mem>>)
      } else {
      }
      %dma_wait3A_208 = arith.constant 1 : i32
      %dma_wait3A_209 = arith.constant 0 : i32
      %dma_wait3A_210 = tpu.memref_slice %arg2[%dma_wait3A_208, %dma_wait3A_209] : memref<2x320000xi32, #tpu.memory_space<hbm>> -> memref<1x200xi32, #tpu.memory_space<hbm>>
      %dma_wait3A_211 = tpu.memref_squeeze %dma_wait3A_210 : memref<1x200xi32, #tpu.memory_space<hbm>> -> memref<200xi32, #tpu.memory_space<hbm>>
      %dma_wait3A_212 = arith.constant 0 : i32
      %dma_wait3A_213 = tpu.memref_slice %arg2[%dma_wait3A_208, %dma_wait3A_212] : memref<2x320000xi32, #tpu.memory_space<hbm>> -> memref<1x200xi32, #tpu.memory_space<hbm>>
      %dma_wait3A_214 = tpu.memref_squeeze %dma_wait3A_213 : memref<1x200xi32, #tpu.memory_space<hbm>> -> memref<200xi32, #tpu.memory_space<hbm>>
      tpu.wait_dma2 semaphore(%arg24 : memref<!tpu.dma_semaphore, #tpu.memory_space<semaphore_mem>>) src(%dma_wait3A_214 : memref<200xi32, #tpu.memory_space<hbm>>) dst(%arg12 : memref<200xi32, #tpu.memory_space<vmem>>)
      %dma_start3A_215 = arith.constant 0 : i32
      %dma_start3A_216 = arith.constant 0 : i32
      %dma_start3A_217 = tpu.memref_slice %arg36[%dma_start3A_215, %dma_start3A_216] : memref<10240x32xf32, #tpu.memory_space<vmem_shared>> -> memref<10240x32xf32, #tpu.memory_space<vmem_shared>>
      tpu.enqueue_indirect_dma source(%arg16 : memref<200x32xf32, #tpu.memory_space<vmem>>) target(%dma_start3A_217 : memref<10240x32xf32, #tpu.memory_space<vmem_shared>>) offsets(%arg12 : memref<200xi32, #tpu.memory_space<vmem>>) semaphore(%arg32 : memref<!tpu.dma_semaphore, #tpu.memory_space<semaphore_mem>>) {add = true}
      %mul3A_218 = arith.constant 4 : i32
      %mul3A_219 = arith.muli %mul3A_218, %scan3A_191 : i32
      %add3A_220 = arith.constant 1 : i32
      %add3A_221 = arith.addi %mul3A_219, %add3A_220 : i32
      %dma_wait3A_222 = arith.constant 0 : i32
      %dma_wait3A_223 = arith.constant 0 : i32
      %dma_wait3A_224 = tpu.memref_slice %arg3[%dma_wait3A_222, %dma_wait3A_223] : memref<10000x32xf32, #tpu.memory_space<hbm>> -> memref<200x32xf32, #tpu.memory_space<hbm>>
      %dma_wait3A_225 = arith.constant 0 : i32
      %dma_wait3A_226 = arith.constant 0 : i32
      %dma_wait3A_227 = tpu.memref_slice %arg3[%dma_wait3A_225, %dma_wait3A_226] : memref<10000x32xf32, #tpu.memory_space<hbm>> -> memref<200x32xf32, #tpu.memory_space<hbm>>
      tpu.wait_dma2 semaphore(%arg29 : memref<!tpu.dma_semaphore, #tpu.memory_space<semaphore_mem>>) src(%dma_wait3A_227 : memref<200x32xf32, #tpu.memory_space<hbm>>) dst(%arg17 : memref<200x32xf32, #tpu.memory_space<vmem>>)
      %add3A_228 = arith.constant 1 : i32
      %add3A_229 = arith.addi %scan3A_191, %add3A_228 : i32
      %lt3A_230 = arith.constant 25 : i32
      %lt3A_231 = arith.cmpi slt, %add3A_229, %lt3A_230 : i32
      %convert_element_type3A_232 = arith.extui %lt3A_231 : i1 to i32
      %cond3A_233 = arith.constant 0 : i32
      %cond3A_234 = arith.cmpi ne, %convert_element_type3A_232, %cond3A_233 : i32
      scf.if %cond3A_234 {
        %add3A_306 = arith.constant 4 : i32
        %add3A_307 = arith.addi %add3A_221, %add3A_306 : i32
        %mul3A_308 = arith.constant 100 : i32
        %mul3A_309 = arith.muli %arg1, %mul3A_308 : i32
        %add3A_310 = arith.addi %mul3A_309, %add3A_307 : i32
        %mul3A_311 = arith.constant 200 : i32
        %mul3A_312 = arith.muli %add3A_310, %mul3A_311 : i32
        %dma_start3A_313 = arith.constant 0 : i32
        %dma_start3A_314 = tpu.memref_slice %arg2[%dma_start3A_313, %mul3A_312] : memref<2x320000xi32, #tpu.memory_space<hbm>> -> memref<1x200xi32, #tpu.memory_space<hbm>>
        %dma_start3A_315 = tpu.memref_squeeze %dma_start3A_314 : memref<1x200xi32, #tpu.memory_space<hbm>> -> memref<200xi32, #tpu.memory_space<hbm>>
        %dma_start3A_316 = tpu.memref_slice %arg2[%dma_start3A_313, %mul3A_312] : memref<2x320000xi32, #tpu.memory_space<hbm>> -> memref<1x200xi32, #tpu.memory_space<hbm>>
        %dma_start3A_317 = tpu.memref_squeeze %dma_start3A_316 : memref<1x200xi32, #tpu.memory_space<hbm>> -> memref<200xi32, #tpu.memory_space<hbm>>
        tpu.enqueue_dma source(%dma_start3A_317 : memref<200xi32, #tpu.memory_space<hbm>>) target(%arg9 : memref<200xi32, #tpu.memory_space<vmem>>) target_semaphore(%arg21 : memref<!tpu.dma_semaphore, #tpu.memory_space<semaphore_mem>>)
      } else {
      }
      %dma_wait3A_235 = arith.constant 1 : i32
      %dma_wait3A_236 = arith.constant 0 : i32
      %dma_wait3A_237 = tpu.memref_slice %arg2[%dma_wait3A_235, %dma_wait3A_236] : memref<2x320000xi32, #tpu.memory_space<hbm>> -> memref<1x200xi32, #tpu.memory_space<hbm>>
      %dma_wait3A_238 = tpu.memref_squeeze %dma_wait3A_237 : memref<1x200xi32, #tpu.memory_space<hbm>> -> memref<200xi32, #tpu.memory_space<hbm>>
      %dma_wait3A_239 = arith.constant 0 : i32
      %dma_wait3A_240 = tpu.memref_slice %arg2[%dma_wait3A_235, %dma_wait3A_239] : memref<2x320000xi32, #tpu.memory_space<hbm>> -> memref<1x200xi32, #tpu.memory_space<hbm>>
      %dma_wait3A_241 = tpu.memref_squeeze %dma_wait3A_240 : memref<1x200xi32, #tpu.memory_space<hbm>> -> memref<200xi32, #tpu.memory_space<hbm>>
      tpu.wait_dma2 semaphore(%arg25 : memref<!tpu.dma_semaphore, #tpu.memory_space<semaphore_mem>>) src(%dma_wait3A_241 : memref<200xi32, #tpu.memory_space<hbm>>) dst(%arg13 : memref<200xi32, #tpu.memory_space<vmem>>)
      %dma_start3A_242 = arith.constant 0 : i32
      %dma_start3A_243 = arith.constant 0 : i32
      %dma_start3A_244 = tpu.memref_slice %arg36[%dma_start3A_242, %dma_start3A_243] : memref<10240x32xf32, #tpu.memory_space<vmem_shared>> -> memref<10240x32xf32, #tpu.memory_space<vmem_shared>>
      tpu.enqueue_indirect_dma source(%arg17 : memref<200x32xf32, #tpu.memory_space<vmem>>) target(%dma_start3A_244 : memref<10240x32xf32, #tpu.memory_space<vmem_shared>>) offsets(%arg13 : memref<200xi32, #tpu.memory_space<vmem>>) semaphore(%arg33 : memref<!tpu.dma_semaphore, #tpu.memory_space<semaphore_mem>>) {add = true}
      %mul3A_245 = arith.constant 4 : i32
      %mul3A_246 = arith.muli %mul3A_245, %scan3A_191 : i32
      %add3A_247 = arith.constant 2 : i32
      %add3A_248 = arith.addi %mul3A_246, %add3A_247 : i32
      %dma_wait3A_249 = arith.constant 0 : i32
      %dma_wait3A_250 = arith.constant 0 : i32
      %dma_wait3A_251 = tpu.memref_slice %arg3[%dma_wait3A_249, %dma_wait3A_250] : memref<10000x32xf32, #tpu.memory_space<hbm>> -> memref<200x32xf32, #tpu.memory_space<hbm>>
      %dma_wait3A_252 = arith.constant 0 : i32
      %dma_wait3A_253 = arith.constant 0 : i32
      %dma_wait3A_254 = tpu.memref_slice %arg3[%dma_wait3A_252, %dma_wait3A_253] : memref<10000x32xf32, #tpu.memory_space<hbm>> -> memref<200x32xf32, #tpu.memory_space<hbm>>
      tpu.wait_dma2 semaphore(%arg30 : memref<!tpu.dma_semaphore, #tpu.memory_space<semaphore_mem>>) src(%dma_wait3A_254 : memref<200x32xf32, #tpu.memory_space<hbm>>) dst(%arg18 : memref<200x32xf32, #tpu.memory_space<vmem>>)
      %add3A_255 = arith.constant 1 : i32
      %add3A_256 = arith.addi %scan3A_191, %add3A_255 : i32
      %lt3A_257 = arith.constant 25 : i32
      %lt3A_258 = arith.cmpi slt, %add3A_256, %lt3A_257 : i32
      %convert_element_type3A_259 = arith.extui %lt3A_258 : i1 to i32
      %cond3A_260 = arith.constant 0 : i32
      %cond3A_261 = arith.cmpi ne, %convert_element_type3A_259, %cond3A_260 : i32
      scf.if %cond3A_261 {
        %add3A_306 = arith.constant 4 : i32
        %add3A_307 = arith.addi %add3A_248, %add3A_306 : i32
        %mul3A_308 = arith.constant 100 : i32
        %mul3A_309 = arith.muli %arg1, %mul3A_308 : i32
        %add3A_310 = arith.addi %mul3A_309, %add3A_307 : i32
        %mul3A_311 = arith.constant 200 : i32
        %mul3A_312 = arith.muli %add3A_310, %mul3A_311 : i32
        %dma_start3A_313 = arith.constant 0 : i32
        %dma_start3A_314 = tpu.memref_slice %arg2[%dma_start3A_313, %mul3A_312] : memref<2x320000xi32, #tpu.memory_space<hbm>> -> memref<1x200xi32, #tpu.memory_space<hbm>>
        %dma_start3A_315 = tpu.memref_squeeze %dma_start3A_314 : memref<1x200xi32, #tpu.memory_space<hbm>> -> memref<200xi32, #tpu.memory_space<hbm>>
        %dma_start3A_316 = tpu.memref_slice %arg2[%dma_start3A_313, %mul3A_312] : memref<2x320000xi32, #tpu.memory_space<hbm>> -> memref<1x200xi32, #tpu.memory_space<hbm>>
        %dma_start3A_317 = tpu.memref_squeeze %dma_start3A_316 : memref<1x200xi32, #tpu.memory_space<hbm>> -> memref<200xi32, #tpu.memory_space<hbm>>
        tpu.enqueue_dma source(%dma_start3A_317 : memref<200xi32, #tpu.memory_space<hbm>>) target(%arg10 : memref<200xi32, #tpu.memory_space<vmem>>) target_semaphore(%arg22 : memref<!tpu.dma_semaphore, #tpu.memory_space<semaphore_mem>>)
      } else {
      }
      %dma_wait3A_262 = arith.constant 1 : i32
      %dma_wait3A_263 = arith.constant 0 : i32
      %dma_wait3A_264 = tpu.memref_slice %arg2[%dma_wait3A_262, %dma_wait3A_263] : memref<2x320000xi32, #tpu.memory_space<hbm>> -> memref<1x200xi32, #tpu.memory_space<hbm>>
      %dma_wait3A_265 = tpu.memref_squeeze %dma_wait3A_264 : memref<1x200xi32, #tpu.memory_space<hbm>> -> memref<200xi32, #tpu.memory_space<hbm>>
      %dma_wait3A_266 = arith.constant 0 : i32
      %dma_wait3A_267 = tpu.memref_slice %arg2[%dma_wait3A_262, %dma_wait3A_266] : memref<2x320000xi32, #tpu.memory_space<hbm>> -> memref<1x200xi32, #tpu.memory_space<hbm>>
      %dma_wait3A_268 = tpu.memref_squeeze %dma_wait3A_267 : memref<1x200xi32, #tpu.memory_space<hbm>> -> memref<200xi32, #tpu.memory_space<hbm>>
      tpu.wait_dma2 semaphore(%arg26 : memref<!tpu.dma_semaphore, #tpu.memory_space<semaphore_mem>>) src(%dma_wait3A_268 : memref<200xi32, #tpu.memory_space<hbm>>) dst(%arg14 : memref<200xi32, #tpu.memory_space<vmem>>)
      %dma_start3A_269 = arith.constant 0 : i32
      %dma_start3A_270 = arith.constant 0 : i32
      %dma_start3A_271 = tpu.memref_slice %arg36[%dma_start3A_269, %dma_start3A_270] : memref<10240x32xf32, #tpu.memory_space<vmem_shared>> -> memref<10240x32xf32, #tpu.memory_space<vmem_shared>>
      tpu.enqueue_indirect_dma source(%arg18 : memref<200x32xf32, #tpu.memory_space<vmem>>) target(%dma_start3A_271 : memref<10240x32xf32, #tpu.memory_space<vmem_shared>>) offsets(%arg14 : memref<200xi32, #tpu.memory_space<vmem>>) semaphore(%arg34 : memref<!tpu.dma_semaphore, #tpu.memory_space<semaphore_mem>>) {add = true}
      %mul3A_272 = arith.constant 4 : i32
      %mul3A_273 = arith.muli %mul3A_272, %scan3A_191 : i32
      %add3A_274 = arith.constant 3 : i32
      %add3A_275 = arith.addi %mul3A_273, %add3A_274 : i32
      %dma_wait3A_276 = arith.constant 0 : i32
      %dma_wait3A_277 = arith.constant 0 : i32
      %dma_wait3A_278 = tpu.memref_slice %arg3[%dma_wait3A_276, %dma_wait3A_277] : memref<10000x32xf32, #tpu.memory_space<hbm>> -> memref<200x32xf32, #tpu.memory_space<hbm>>
      %dma_wait3A_279 = arith.constant 0 : i32
      %dma_wait3A_280 = arith.constant 0 : i32
      %dma_wait3A_281 = tpu.memref_slice %arg3[%dma_wait3A_279, %dma_wait3A_280] : memref<10000x32xf32, #tpu.memory_space<hbm>> -> memref<200x32xf32, #tpu.memory_space<hbm>>
      tpu.wait_dma2 semaphore(%arg31 : memref<!tpu.dma_semaphore, #tpu.memory_space<semaphore_mem>>) src(%dma_wait3A_281 : memref<200x32xf32, #tpu.memory_space<hbm>>) dst(%arg19 : memref<200x32xf32, #tpu.memory_space<vmem>>)
      %add3A_282 = arith.constant 1 : i32
      %add3A_283 = arith.addi %scan3A_191, %add3A_282 : i32
      %lt3A_284 = arith.constant 25 : i32
      %lt3A_285 = arith.cmpi slt, %add3A_283, %lt3A_284 : i32
      %convert_element_type3A_286 = arith.extui %lt3A_285 : i1 to i32
      %cond3A_287 = arith.constant 0 : i32
      %cond3A_288 = arith.cmpi ne, %convert_element_type3A_286, %cond3A_287 : i32
      scf.if %cond3A_288 {
        %add3A_306 = arith.constant 4 : i32
        %add3A_307 = arith.addi %add3A_275, %add3A_306 : i32
        %mul3A_308 = arith.constant 100 : i32
        %mul3A_309 = arith.muli %arg1, %mul3A_308 : i32
        %add3A_310 = arith.addi %mul3A_309, %add3A_307 : i32
        %mul3A_311 = arith.constant 200 : i32
        %mul3A_312 = arith.muli %add3A_310, %mul3A_311 : i32
        %dma_start3A_313 = arith.constant 0 : i32
        %dma_start3A_314 = tpu.memref_slice %arg2[%dma_start3A_313, %mul3A_312] : memref<2x320000xi32, #tpu.memory_space<hbm>> -> memref<1x200xi32, #tpu.memory_space<hbm>>
        %dma_start3A_315 = tpu.memref_squeeze %dma_start3A_314 : memref<1x200xi32, #tpu.memory_space<hbm>> -> memref<200xi32, #tpu.memory_space<hbm>>
        %dma_start3A_316 = tpu.memref_slice %arg2[%dma_start3A_313, %mul3A_312] : memref<2x320000xi32, #tpu.memory_space<hbm>> -> memref<1x200xi32, #tpu.memory_space<hbm>>
        %dma_start3A_317 = tpu.memref_squeeze %dma_start3A_316 : memref<1x200xi32, #tpu.memory_space<hbm>> -> memref<200xi32, #tpu.memory_space<hbm>>
        tpu.enqueue_dma source(%dma_start3A_317 : memref<200xi32, #tpu.memory_space<hbm>>) target(%arg11 : memref<200xi32, #tpu.memory_space<vmem>>) target_semaphore(%arg23 : memref<!tpu.dma_semaphore, #tpu.memory_space<semaphore_mem>>)
      } else {
      }
      %dma_wait3A_289 = arith.constant 1 : i32
      %dma_wait3A_290 = arith.constant 0 : i32
      %dma_wait3A_291 = tpu.memref_slice %arg2[%dma_wait3A_289, %dma_wait3A_290] : memref<2x320000xi32, #tpu.memory_space<hbm>> -> memref<1x200xi32, #tpu.memory_space<hbm>>
      %dma_wait3A_292 = tpu.memref_squeeze %dma_wait3A_291 : memref<1x200xi32, #tpu.memory_space<hbm>> -> memref<200xi32, #tpu.memory_space<hbm>>
      %dma_wait3A_293 = arith.constant 0 : i32
      %dma_wait3A_294 = tpu.memref_slice %arg2[%dma_wait3A_289, %dma_wait3A_293] : memref<2x320000xi32, #tpu.memory_space<hbm>> -> memref<1x200xi32, #tpu.memory_space<hbm>>
      %dma_wait3A_295 = tpu.memref_squeeze %dma_wait3A_294 : memref<1x200xi32, #tpu.memory_space<hbm>> -> memref<200xi32, #tpu.memory_space<hbm>>
      tpu.wait_dma2 semaphore(%arg27 : memref<!tpu.dma_semaphore, #tpu.memory_space<semaphore_mem>>) src(%dma_wait3A_295 : memref<200xi32, #tpu.memory_space<hbm>>) dst(%arg15 : memref<200xi32, #tpu.memory_space<vmem>>)
      %dma_start3A_296 = arith.constant 0 : i32
      %dma_start3A_297 = arith.constant 0 : i32
      %dma_start3A_298 = tpu.memref_slice %arg36[%dma_start3A_296, %dma_start3A_297] : memref<10240x32xf32, #tpu.memory_space<vmem_shared>> -> memref<10240x32xf32, #tpu.memory_space<vmem_shared>>
      tpu.enqueue_indirect_dma source(%arg19 : memref<200x32xf32, #tpu.memory_space<vmem>>) target(%dma_start3A_298 : memref<10240x32xf32, #tpu.memory_space<vmem_shared>>) offsets(%arg15 : memref<200xi32, #tpu.memory_space<vmem>>) semaphore(%arg35 : memref<!tpu.dma_semaphore, #tpu.memory_space<semaphore_mem>>) {add = true}
      %add3A_299 = arith.constant 1 : i32
      %add3A_300 = arith.addi %scan3A_191, %add3A_299 : i32
      %lt3A_301 = arith.constant 25 : i32
      %lt3A_302 = arith.cmpi slt, %add3A_300, %lt3A_301 : i32
      %convert_element_type3A_303 = arith.extui %lt3A_302 : i1 to i32
      %cond3A_304 = arith.constant 0 : i32
      %cond3A_305 = arith.cmpi ne, %convert_element_type3A_303, %cond3A_304 : i32
      scf.if %cond3A_305 {
        %mul3A_306 = arith.constant 4 : i32
        %mul3A_307 = arith.muli %mul3A_306, %scan3A_191 : i32
        %add3A_308 = arith.constant 0 : i32
        %add3A_309 = arith.addi %mul3A_307, %add3A_308 : i32
        %dma_wait3A_310 = arith.constant 0 : i32
        %dma_wait3A_311 = arith.constant 0 : i32
        %dma_wait3A_312 = tpu.memref_slice %arg36[%dma_wait3A_310, %dma_wait3A_311] : memref<10240x32xf32, #tpu.memory_space<vmem_shared>> -> memref<200x32xf32, #tpu.memory_space<vmem_shared>>
        %dma_wait3A_313 = arith.constant 0 : i32
        %dma_wait3A_314 = arith.constant 0 : i32
        %dma_wait3A_315 = tpu.memref_slice %arg36[%dma_wait3A_313, %dma_wait3A_314] : memref<10240x32xf32, #tpu.memory_space<vmem_shared>> -> memref<200x32xf32, #tpu.memory_space<vmem_shared>>
        tpu.wait_dma2 semaphore(%arg32 : memref<!tpu.dma_semaphore, #tpu.memory_space<semaphore_mem>>) src(%arg16 : memref<200x32xf32, #tpu.memory_space<vmem>>) dst(%dma_wait3A_315 : memref<200x32xf32, #tpu.memory_space<vmem_shared>>)
        %add3A_316 = arith.constant 4 : i32
        %add3A_317 = arith.addi %add3A_309, %add3A_316 : i32
        %mul3A_318 = arith.constant 100 : i32
        %mul3A_319 = arith.muli %arg1, %mul3A_318 : i32
        %add3A_320 = arith.addi %mul3A_319, %add3A_317 : i32
        %mul3A_321 = arith.constant 200 : i32
        %mul3A_322 = arith.muli %add3A_320, %mul3A_321 : i32
        %dma_start3A_323 = arith.constant 1 : i32
        %dma_start3A_324 = tpu.memref_slice %arg2[%dma_start3A_323, %mul3A_322] : memref<2x320000xi32, #tpu.memory_space<hbm>> -> memref<1x200xi32, #tpu.memory_space<hbm>>
        %dma_start3A_325 = tpu.memref_squeeze %dma_start3A_324 : memref<1x200xi32, #tpu.memory_space<hbm>> -> memref<200xi32, #tpu.memory_space<hbm>>
        %dma_start3A_326 = tpu.memref_slice %arg2[%dma_start3A_323, %mul3A_322] : memref<2x320000xi32, #tpu.memory_space<hbm>> -> memref<1x200xi32, #tpu.memory_space<hbm>>
        %dma_start3A_327 = tpu.memref_squeeze %dma_start3A_326 : memref<1x200xi32, #tpu.memory_space<hbm>> -> memref<200xi32, #tpu.memory_space<hbm>>
        tpu.enqueue_dma source(%dma_start3A_327 : memref<200xi32, #tpu.memory_space<hbm>>) target(%arg12 : memref<200xi32, #tpu.memory_space<vmem>>) target_semaphore(%arg24 : memref<!tpu.dma_semaphore, #tpu.memory_space<semaphore_mem>>)
        %dma_wait3A_328 = arith.constant 0 : i32
        %dma_wait3A_329 = arith.constant 0 : i32
        %dma_wait3A_330 = tpu.memref_slice %arg2[%dma_wait3A_328, %dma_wait3A_329] : memref<2x320000xi32, #tpu.memory_space<hbm>> -> memref<1x200xi32, #tpu.memory_space<hbm>>
        %dma_wait3A_331 = tpu.memref_squeeze %dma_wait3A_330 : memref<1x200xi32, #tpu.memory_space<hbm>> -> memref<200xi32, #tpu.memory_space<hbm>>
        %dma_wait3A_332 = arith.constant 0 : i32
        %dma_wait3A_333 = tpu.memref_slice %arg2[%dma_wait3A_328, %dma_wait3A_332] : memref<2x320000xi32, #tpu.memory_space<hbm>> -> memref<1x200xi32, #tpu.memory_space<hbm>>
        %dma_wait3A_334 = tpu.memref_squeeze %dma_wait3A_333 : memref<1x200xi32, #tpu.memory_space<hbm>> -> memref<200xi32, #tpu.memory_space<hbm>>
        tpu.wait_dma2 semaphore(%arg20 : memref<!tpu.dma_semaphore, #tpu.memory_space<semaphore_mem>>) src(%dma_wait3A_334 : memref<200xi32, #tpu.memory_space<hbm>>) dst(%arg8 : memref<200xi32, #tpu.memory_space<vmem>>)
        %eq3A_335 = arith.constant 0 : i32
        %eq3A_336 = arith.cmpi eq, %arg0, %eq3A_335 : i32
        %convert_element_type3A_337 = arith.extui %eq3A_336 : i1 to i32
        %cond3A_338 = arith.constant 0 : i32
        %cond3A_339 = arith.cmpi ne, %convert_element_type3A_337, %cond3A_338 : i32
        scf.if %cond3A_339 {
          %dma_start3A_462 = arith.constant 0 : i32
          %dma_start3A_463 = arith.constant 0 : i32
          %dma_start3A_464 = tpu.memref_slice %arg3[%dma_start3A_462, %dma_start3A_463] : memref<10000x32xf32, #tpu.memory_space<hbm>> -> memref<10000x32xf32, #tpu.memory_space<hbm>>
          tpu.enqueue_indirect_dma source(%dma_start3A_464 : memref<10000x32xf32, #tpu.memory_space<hbm>>) target(%arg16 : memref<200x32xf32, #tpu.memory_space<vmem>>) offsets(%arg8 : memref<200xi32, #tpu.memory_space<vmem>>) semaphore(%arg28 : memref<!tpu.dma_semaphore, #tpu.memory_space<semaphore_mem>>)
        } else {
        }
        %eq3A_340 = arith.constant 1 : i32
        %eq3A_341 = arith.cmpi eq, %arg0, %eq3A_340 : i32
        %convert_element_type3A_342 = arith.extui %eq3A_341 : i1 to i32
        %cond3A_343 = arith.constant 0 : i32
        %cond3A_344 = arith.cmpi ne, %convert_element_type3A_342, %cond3A_343 : i32
        scf.if %cond3A_344 {
          %dma_start3A_462 = arith.constant 0 : i32
          %dma_start3A_463 = arith.constant 0 : i32
          %dma_start3A_464 = tpu.memref_slice %arg4[%dma_start3A_462, %dma_start3A_463] : memref<10000x32xf32, #tpu.memory_space<hbm>> -> memref<10000x32xf32, #tpu.memory_space<hbm>>
          tpu.enqueue_indirect_dma source(%dma_start3A_464 : memref<10000x32xf32, #tpu.memory_space<hbm>>) target(%arg16 : memref<200x32xf32, #tpu.memory_space<vmem>>) offsets(%arg8 : memref<200xi32, #tpu.memory_space<vmem>>) semaphore(%arg28 : memref<!tpu.dma_semaphore, #tpu.memory_space<semaphore_mem>>)
        } else {
        }
        %mul3A_345 = arith.constant 4 : i32
        %mul3A_346 = arith.muli %mul3A_345, %scan3A_191 : i32
        %add3A_347 = arith.constant 1 : i32
        %add3A_348 = arith.addi %mul3A_346, %add3A_347 : i32
        %dma_wait3A_349 = arith.constant 0 : i32
        %dma_wait3A_350 = arith.constant 0 : i32
        %dma_wait3A_351 = tpu.memref_slice %arg36[%dma_wait3A_349, %dma_wait3A_350] : memref<10240x32xf32, #tpu.memory_space<vmem_shared>> -> memref<200x32xf32, #tpu.memory_space<vmem_shared>>
        %dma_wait3A_352 = arith.constant 0 : i32
        %dma_wait3A_353 = arith.constant 0 : i32
        %dma_wait3A_354 = tpu.memref_slice %arg36[%dma_wait3A_352, %dma_wait3A_353] : memref<10240x32xf32, #tpu.memory_space<vmem_shared>> -> memref<200x32xf32, #tpu.memory_space<vmem_shared>>
        tpu.wait_dma2 semaphore(%arg33 : memref<!tpu.dma_semaphore, #tpu.memory_space<semaphore_mem>>) src(%arg17 : memref<200x32xf32, #tpu.memory_space<vmem>>) dst(%dma_wait3A_354 : memref<200x32xf32, #tpu.memory_space<vmem_shared>>)
        %add3A_355 = arith.constant 4 : i32
        %add3A_356 = arith.addi %add3A_348, %add3A_355 : i32
        %mul3A_357 = arith.constant 100 : i32
        %mul3A_358 = arith.muli %arg1, %mul3A_357 : i32
        %add3A_359 = arith.addi %mul3A_358, %add3A_356 : i32
        %mul3A_360 = arith.constant 200 : i32
        %mul3A_361 = arith.muli %add3A_359, %mul3A_360 : i32
        %dma_start3A_362 = arith.constant 1 : i32
        %dma_start3A_363 = tpu.memref_slice %arg2[%dma_start3A_362, %mul3A_361] : memref<2x320000xi32, #tpu.memory_space<hbm>> -> memref<1x200xi32, #tpu.memory_space<hbm>>
        %dma_start3A_364 = tpu.memref_squeeze %dma_start3A_363 : memref<1x200xi32, #tpu.memory_space<hbm>> -> memref<200xi32, #tpu.memory_space<hbm>>
        %dma_start3A_365 = tpu.memref_slice %arg2[%dma_start3A_362, %mul3A_361] : memref<2x320000xi32, #tpu.memory_space<hbm>> -> memref<1x200xi32, #tpu.memory_space<hbm>>
        %dma_start3A_366 = tpu.memref_squeeze %dma_start3A_365 : memref<1x200xi32, #tpu.memory_space<hbm>> -> memref<200xi32, #tpu.memory_space<hbm>>
        tpu.enqueue_dma source(%dma_start3A_366 : memref<200xi32, #tpu.memory_space<hbm>>) target(%arg13 : memref<200xi32, #tpu.memory_space<vmem>>) target_semaphore(%arg25 : memref<!tpu.dma_semaphore, #tpu.memory_space<semaphore_mem>>)
        %dma_wait3A_367 = arith.constant 0 : i32
        %dma_wait3A_368 = arith.constant 0 : i32
        %dma_wait3A_369 = tpu.memref_slice %arg2[%dma_wait3A_367, %dma_wait3A_368] : memref<2x320000xi32, #tpu.memory_space<hbm>> -> memref<1x200xi32, #tpu.memory_space<hbm>>
        %dma_wait3A_370 = tpu.memref_squeeze %dma_wait3A_369 : memref<1x200xi32, #tpu.memory_space<hbm>> -> memref<200xi32, #tpu.memory_space<hbm>>
        %dma_wait3A_371 = arith.constant 0 : i32
        %dma_wait3A_372 = tpu.memref_slice %arg2[%dma_wait3A_367, %dma_wait3A_371] : memref<2x320000xi32, #tpu.memory_space<hbm>> -> memref<1x200xi32, #tpu.memory_space<hbm>>
        %dma_wait3A_373 = tpu.memref_squeeze %dma_wait3A_372 : memref<1x200xi32, #tpu.memory_space<hbm>> -> memref<200xi32, #tpu.memory_space<hbm>>
        tpu.wait_dma2 semaphore(%arg21 : memref<!tpu.dma_semaphore, #tpu.memory_space<semaphore_mem>>) src(%dma_wait3A_373 : memref<200xi32, #tpu.memory_space<hbm>>) dst(%arg9 : memref<200xi32, #tpu.memory_space<vmem>>)
        %eq3A_374 = arith.constant 0 : i32
        %eq3A_375 = arith.cmpi eq, %arg0, %eq3A_374 : i32
        %convert_element_type3A_376 = arith.extui %eq3A_375 : i1 to i32
        %cond3A_377 = arith.constant 0 : i32
        %cond3A_378 = arith.cmpi ne, %convert_element_type3A_376, %cond3A_377 : i32
        scf.if %cond3A_378 {
          %dma_start3A_462 = arith.constant 0 : i32
          %dma_start3A_463 = arith.constant 0 : i32
          %dma_start3A_464 = tpu.memref_slice %arg3[%dma_start3A_462, %dma_start3A_463] : memref<10000x32xf32, #tpu.memory_space<hbm>> -> memref<10000x32xf32, #tpu.memory_space<hbm>>
          tpu.enqueue_indirect_dma source(%dma_start3A_464 : memref<10000x32xf32, #tpu.memory_space<hbm>>) target(%arg17 : memref<200x32xf32, #tpu.memory_space<vmem>>) offsets(%arg9 : memref<200xi32, #tpu.memory_space<vmem>>) semaphore(%arg29 : memref<!tpu.dma_semaphore, #tpu.memory_space<semaphore_mem>>)
        } else {
        }
        %eq3A_379 = arith.constant 1 : i32
        %eq3A_380 = arith.cmpi eq, %arg0, %eq3A_379 : i32
        %convert_element_type3A_381 = arith.extui %eq3A_380 : i1 to i32
        %cond3A_382 = arith.constant 0 : i32
        %cond3A_383 = arith.cmpi ne, %convert_element_type3A_381, %cond3A_382 : i32
        scf.if %cond3A_383 {
          %dma_start3A_462 = arith.constant 0 : i32
          %dma_start3A_463 = arith.constant 0 : i32
          %dma_start3A_464 = tpu.memref_slice %arg4[%dma_start3A_462, %dma_start3A_463] : memref<10000x32xf32, #tpu.memory_space<hbm>> -> memref<10000x32xf32, #tpu.memory_space<hbm>>
          tpu.enqueue_indirect_dma source(%dma_start3A_464 : memref<10000x32xf32, #tpu.memory_space<hbm>>) target(%arg17 : memref<200x32xf32, #tpu.memory_space<vmem>>) offsets(%arg9 : memref<200xi32, #tpu.memory_space<vmem>>) semaphore(%arg29 : memref<!tpu.dma_semaphore, #tpu.memory_space<semaphore_mem>>)
        } else {
        }
        %mul3A_384 = arith.constant 4 : i32
        %mul3A_385 = arith.muli %mul3A_384, %scan3A_191 : i32
        %add3A_386 = arith.constant 2 : i32
        %add3A_387 = arith.addi %mul3A_385, %add3A_386 : i32
        %dma_wait3A_388 = arith.constant 0 : i32
        %dma_wait3A_389 = arith.constant 0 : i32
        %dma_wait3A_390 = tpu.memref_slice %arg36[%dma_wait3A_388, %dma_wait3A_389] : memref<10240x32xf32, #tpu.memory_space<vmem_shared>> -> memref<200x32xf32, #tpu.memory_space<vmem_shared>>
        %dma_wait3A_391 = arith.constant 0 : i32
        %dma_wait3A_392 = arith.constant 0 : i32
        %dma_wait3A_393 = tpu.memref_slice %arg36[%dma_wait3A_391, %dma_wait3A_392] : memref<10240x32xf32, #tpu.memory_space<vmem_shared>> -> memref<200x32xf32, #tpu.memory_space<vmem_shared>>
        tpu.wait_dma2 semaphore(%arg34 : memref<!tpu.dma_semaphore, #tpu.memory_space<semaphore_mem>>) src(%arg18 : memref<200x32xf32, #tpu.memory_space<vmem>>) dst(%dma_wait3A_393 : memref<200x32xf32, #tpu.memory_space<vmem_shared>>)
        %add3A_394 = arith.constant 4 : i32
        %add3A_395 = arith.addi %add3A_387, %add3A_394 : i32
        %mul3A_396 = arith.constant 100 : i32
        %mul3A_397 = arith.muli %arg1, %mul3A_396 : i32
        %add3A_398 = arith.addi %mul3A_397, %add3A_395 : i32
        %mul3A_399 = arith.constant 200 : i32
        %mul3A_400 = arith.muli %add3A_398, %mul3A_399 : i32
        %dma_start3A_401 = arith.constant 1 : i32
        %dma_start3A_402 = tpu.memref_slice %arg2[%dma_start3A_401, %mul3A_400] : memref<2x320000xi32, #tpu.memory_space<hbm>> -> memref<1x200xi32, #tpu.memory_space<hbm>>
        %dma_start3A_403 = tpu.memref_squeeze %dma_start3A_402 : memref<1x200xi32, #tpu.memory_space<hbm>> -> memref<200xi32, #tpu.memory_space<hbm>>
        %dma_start3A_404 = tpu.memref_slice %arg2[%dma_start3A_401, %mul3A_400] : memref<2x320000xi32, #tpu.memory_space<hbm>> -> memref<1x200xi32, #tpu.memory_space<hbm>>
        %dma_start3A_405 = tpu.memref_squeeze %dma_start3A_404 : memref<1x200xi32, #tpu.memory_space<hbm>> -> memref<200xi32, #tpu.memory_space<hbm>>
        tpu.enqueue_dma source(%dma_start3A_405 : memref<200xi32, #tpu.memory_space<hbm>>) target(%arg14 : memref<200xi32, #tpu.memory_space<vmem>>) target_semaphore(%arg26 : memref<!tpu.dma_semaphore, #tpu.memory_space<semaphore_mem>>)
        %dma_wait3A_406 = arith.constant 0 : i32
        %dma_wait3A_407 = arith.constant 0 : i32
        %dma_wait3A_408 = tpu.memref_slice %arg2[%dma_wait3A_406, %dma_wait3A_407] : memref<2x320000xi32, #tpu.memory_space<hbm>> -> memref<1x200xi32, #tpu.memory_space<hbm>>
        %dma_wait3A_409 = tpu.memref_squeeze %dma_wait3A_408 : memref<1x200xi32, #tpu.memory_space<hbm>> -> memref<200xi32, #tpu.memory_space<hbm>>
        %dma_wait3A_410 = arith.constant 0 : i32
        %dma_wait3A_411 = tpu.memref_slice %arg2[%dma_wait3A_406, %dma_wait3A_410] : memref<2x320000xi32, #tpu.memory_space<hbm>> -> memref<1x200xi32, #tpu.memory_space<hbm>>
        %dma_wait3A_412 = tpu.memref_squeeze %dma_wait3A_411 : memref<1x200xi32, #tpu.memory_space<hbm>> -> memref<200xi32, #tpu.memory_space<hbm>>
        tpu.wait_dma2 semaphore(%arg22 : memref<!tpu.dma_semaphore, #tpu.memory_space<semaphore_mem>>) src(%dma_wait3A_412 : memref<200xi32, #tpu.memory_space<hbm>>) dst(%arg10 : memref<200xi32, #tpu.memory_space<vmem>>)
        %eq3A_413 = arith.constant 0 : i32
        %eq3A_414 = arith.cmpi eq, %arg0, %eq3A_413 : i32
        %convert_element_type3A_415 = arith.extui %eq3A_414 : i1 to i32
        %cond3A_416 = arith.constant 0 : i32
        %cond3A_417 = arith.cmpi ne, %convert_element_type3A_415, %cond3A_416 : i32
        scf.if %cond3A_417 {
          %dma_start3A_462 = arith.constant 0 : i32
          %dma_start3A_463 = arith.constant 0 : i32
          %dma_start3A_464 = tpu.memref_slice %arg3[%dma_start3A_462, %dma_start3A_463] : memref<10000x32xf32, #tpu.memory_space<hbm>> -> memref<10000x32xf32, #tpu.memory_space<hbm>>
          tpu.enqueue_indirect_dma source(%dma_start3A_464 : memref<10000x32xf32, #tpu.memory_space<hbm>>) target(%arg18 : memref<200x32xf32, #tpu.memory_space<vmem>>) offsets(%arg10 : memref<200xi32, #tpu.memory_space<vmem>>) semaphore(%arg30 : memref<!tpu.dma_semaphore, #tpu.memory_space<semaphore_mem>>)
        } else {
        }
        %eq3A_418 = arith.constant 1 : i32
        %eq3A_419 = arith.cmpi eq, %arg0, %eq3A_418 : i32
        %convert_element_type3A_420 = arith.extui %eq3A_419 : i1 to i32
        %cond3A_421 = arith.constant 0 : i32
        %cond3A_422 = arith.cmpi ne, %convert_element_type3A_420, %cond3A_421 : i32
        scf.if %cond3A_422 {
          %dma_start3A_462 = arith.constant 0 : i32
          %dma_start3A_463 = arith.constant 0 : i32
          %dma_start3A_464 = tpu.memref_slice %arg4[%dma_start3A_462, %dma_start3A_463] : memref<10000x32xf32, #tpu.memory_space<hbm>> -> memref<10000x32xf32, #tpu.memory_space<hbm>>
          tpu.enqueue_indirect_dma source(%dma_start3A_464 : memref<10000x32xf32, #tpu.memory_space<hbm>>) target(%arg18 : memref<200x32xf32, #tpu.memory_space<vmem>>) offsets(%arg10 : memref<200xi32, #tpu.memory_space<vmem>>) semaphore(%arg30 : memref<!tpu.dma_semaphore, #tpu.memory_space<semaphore_mem>>)
        } else {
        }
        %mul3A_423 = arith.constant 4 : i32
        %mul3A_424 = arith.muli %mul3A_423, %scan3A_191 : i32
        %add3A_425 = arith.constant 3 : i32
        %add3A_426 = arith.addi %mul3A_424, %add3A_425 : i32
        %dma_wait3A_427 = arith.constant 0 : i32
        %dma_wait3A_428 = arith.constant 0 : i32
        %dma_wait3A_429 = tpu.memref_slice %arg36[%dma_wait3A_427, %dma_wait3A_428] : memref<10240x32xf32, #tpu.memory_space<vmem_shared>> -> memref<200x32xf32, #tpu.memory_space<vmem_shared>>
        %dma_wait3A_430 = arith.constant 0 : i32
        %dma_wait3A_431 = arith.constant 0 : i32
        %dma_wait3A_432 = tpu.memref_slice %arg36[%dma_wait3A_430, %dma_wait3A_431] : memref<10240x32xf32, #tpu.memory_space<vmem_shared>> -> memref<200x32xf32, #tpu.memory_space<vmem_shared>>
        tpu.wait_dma2 semaphore(%arg35 : memref<!tpu.dma_semaphore, #tpu.memory_space<semaphore_mem>>) src(%arg19 : memref<200x32xf32, #tpu.memory_space<vmem>>) dst(%dma_wait3A_432 : memref<200x32xf32, #tpu.memory_space<vmem_shared>>)
        %add3A_433 = arith.constant 4 : i32
        %add3A_434 = arith.addi %add3A_426, %add3A_433 : i32
        %mul3A_435 = arith.constant 100 : i32
        %mul3A_436 = arith.muli %arg1, %mul3A_435 : i32
        %add3A_437 = arith.addi %mul3A_436, %add3A_434 : i32
        %mul3A_438 = arith.constant 200 : i32
        %mul3A_439 = arith.muli %add3A_437, %mul3A_438 : i32
        %dma_start3A_440 = arith.constant 1 : i32
        %dma_start3A_441 = tpu.memref_slice %arg2[%dma_start3A_440, %mul3A_439] : memref<2x320000xi32, #tpu.memory_space<hbm>> -> memref<1x200xi32, #tpu.memory_space<hbm>>
        %dma_start3A_442 = tpu.memref_squeeze %dma_start3A_441 : memref<1x200xi32, #tpu.memory_space<hbm>> -> memref<200xi32, #tpu.memory_space<hbm>>
        %dma_start3A_443 = tpu.memref_slice %arg2[%dma_start3A_440, %mul3A_439] : memref<2x320000xi32, #tpu.memory_space<hbm>> -> memref<1x200xi32, #tpu.memory_space<hbm>>
        %dma_start3A_444 = tpu.memref_squeeze %dma_start3A_443 : memref<1x200xi32, #tpu.memory_space<hbm>> -> memref<200xi32, #tpu.memory_space<hbm>>
        tpu.enqueue_dma source(%dma_start3A_444 : memref<200xi32, #tpu.memory_space<hbm>>) target(%arg15 : memref<200xi32, #tpu.memory_space<vmem>>) target_semaphore(%arg27 : memref<!tpu.dma_semaphore, #tpu.memory_space<semaphore_mem>>)
        %dma_wait3A_445 = arith.constant 0 : i32
        %dma_wait3A_446 = arith.constant 0 : i32
        %dma_wait3A_447 = tpu.memref_slice %arg2[%dma_wait3A_445, %dma_wait3A_446] : memref<2x320000xi32, #tpu.memory_space<hbm>> -> memref<1x200xi32, #tpu.memory_space<hbm>>
        %dma_wait3A_448 = tpu.memref_squeeze %dma_wait3A_447 : memref<1x200xi32, #tpu.memory_space<hbm>> -> memref<200xi32, #tpu.memory_space<hbm>>
        %dma_wait3A_449 = arith.constant 0 : i32
        %dma_wait3A_450 = tpu.memref_slice %arg2[%dma_wait3A_445, %dma_wait3A_449] : memref<2x320000xi32, #tpu.memory_space<hbm>> -> memref<1x200xi32, #tpu.memory_space<hbm>>
        %dma_wait3A_451 = tpu.memref_squeeze %dma_wait3A_450 : memref<1x200xi32, #tpu.memory_space<hbm>> -> memref<200xi32, #tpu.memory_space<hbm>>
        tpu.wait_dma2 semaphore(%arg23 : memref<!tpu.dma_semaphore, #tpu.memory_space<semaphore_mem>>) src(%dma_wait3A_451 : memref<200xi32, #tpu.memory_space<hbm>>) dst(%arg11 : memref<200xi32, #tpu.memory_space<vmem>>)
        %eq3A_452 = arith.constant 0 : i32
        %eq3A_453 = arith.cmpi eq, %arg0, %eq3A_452 : i32
        %convert_element_type3A_454 = arith.extui %eq3A_453 : i1 to i32
        %cond3A_455 = arith.constant 0 : i32
        %cond3A_456 = arith.cmpi ne, %convert_element_type3A_454, %cond3A_455 : i32
        scf.if %cond3A_456 {
          %dma_start3A_462 = arith.constant 0 : i32
          %dma_start3A_463 = arith.constant 0 : i32
          %dma_start3A_464 = tpu.memref_slice %arg3[%dma_start3A_462, %dma_start3A_463] : memref<10000x32xf32, #tpu.memory_space<hbm>> -> memref<10000x32xf32, #tpu.memory_space<hbm>>
          tpu.enqueue_indirect_dma source(%dma_start3A_464 : memref<10000x32xf32, #tpu.memory_space<hbm>>) target(%arg19 : memref<200x32xf32, #tpu.memory_space<vmem>>) offsets(%arg11 : memref<200xi32, #tpu.memory_space<vmem>>) semaphore(%arg31 : memref<!tpu.dma_semaphore, #tpu.memory_space<semaphore_mem>>)
        } else {
        }
        %eq3A_457 = arith.constant 1 : i32
        %eq3A_458 = arith.cmpi eq, %arg0, %eq3A_457 : i32
        %convert_element_type3A_459 = arith.extui %eq3A_458 : i1 to i32
        %cond3A_460 = arith.constant 0 : i32
        %cond3A_461 = arith.cmpi ne, %convert_element_type3A_459, %cond3A_460 : i32
        scf.if %cond3A_461 {
          %dma_start3A_462 = arith.constant 0 : i32
          %dma_start3A_463 = arith.constant 0 : i32
          %dma_start3A_464 = tpu.memref_slice %arg4[%dma_start3A_462, %dma_start3A_463] : memref<10000x32xf32, #tpu.memory_space<hbm>> -> memref<10000x32xf32, #tpu.memory_space<hbm>>
          tpu.enqueue_indirect_dma source(%dma_start3A_464 : memref<10000x32xf32, #tpu.memory_space<hbm>>) target(%arg19 : memref<200x32xf32, #tpu.memory_space<vmem>>) offsets(%arg11 : memref<200xi32, #tpu.memory_space<vmem>>) semaphore(%arg31 : memref<!tpu.dma_semaphore, #tpu.memory_space<semaphore_mem>>)
        } else {
        }
      } else {
      }
    }
    %scan3A_155 = arith.constant 25 : i32
    %dma_wait3A_156 = arith.constant 0 : i32
    %dma_wait3A_157 = arith.constant 0 : i32
    %dma_wait3A_158 = tpu.memref_slice %arg36[%dma_wait3A_156, %dma_wait3A_157] : memref<10240x32xf32, #tpu.memory_space<vmem_shared>> -> memref<200x32xf32, #tpu.memory_space<vmem_shared>>
    %dma_wait3A_159 = arith.constant 0 : i32
    %dma_wait3A_160 = arith.constant 0 : i32
    %dma_wait3A_161 = tpu.memref_slice %arg36[%dma_wait3A_159, %dma_wait3A_160] : memref<10240x32xf32, #tpu.memory_space<vmem_shared>> -> memref<200x32xf32, #tpu.memory_space<vmem_shared>>
    tpu.wait_dma2 semaphore(%arg32 : memref<!tpu.dma_semaphore, #tpu.memory_space<semaphore_mem>>) src(%arg16 : memref<200x32xf32, #tpu.memory_space<vmem>>) dst(%dma_wait3A_161 : memref<200x32xf32, #tpu.memory_space<vmem_shared>>)
    %dma_wait3A_162 = arith.constant 0 : i32
    %dma_wait3A_163 = arith.constant 0 : i32
    %dma_wait3A_164 = tpu.memref_slice %arg36[%dma_wait3A_162, %dma_wait3A_163] : memref<10240x32xf32, #tpu.memory_space<vmem_shared>> -> memref<200x32xf32, #tpu.memory_space<vmem_shared>>
    %dma_wait3A_165 = arith.constant 0 : i32
    %dma_wait3A_166 = arith.constant 0 : i32
    %dma_wait3A_167 = tpu.memref_slice %arg36[%dma_wait3A_165, %dma_wait3A_166] : memref<10240x32xf32, #tpu.memory_space<vmem_shared>> -> memref<200x32xf32, #tpu.memory_space<vmem_shared>>
    tpu.wait_dma2 semaphore(%arg33 : memref<!tpu.dma_semaphore, #tpu.memory_space<semaphore_mem>>) src(%arg17 : memref<200x32xf32, #tpu.memory_space<vmem>>) dst(%dma_wait3A_167 : memref<200x32xf32, #tpu.memory_space<vmem_shared>>)
    %dma_wait3A_168 = arith.constant 0 : i32
    %dma_wait3A_169 = arith.constant 0 : i32
    %dma_wait3A_170 = tpu.memref_slice %arg36[%dma_wait3A_168, %dma_wait3A_169] : memref<10240x32xf32, #tpu.memory_space<vmem_shared>> -> memref<200x32xf32, #tpu.memory_space<vmem_shared>>
    %dma_wait3A_171 = arith.constant 0 : i32
    %dma_wait3A_172 = arith.constant 0 : i32
    %dma_wait3A_173 = tpu.memref_slice %arg36[%dma_wait3A_171, %dma_wait3A_172] : memref<10240x32xf32, #tpu.memory_space<vmem_shared>> -> memref<200x32xf32, #tpu.memory_space<vmem_shared>>
    tpu.wait_dma2 semaphore(%arg34 : memref<!tpu.dma_semaphore, #tpu.memory_space<semaphore_mem>>) src(%arg18 : memref<200x32xf32, #tpu.memory_space<vmem>>) dst(%dma_wait3A_173 : memref<200x32xf32, #tpu.memory_space<vmem_shared>>)
    %dma_wait3A_174 = arith.constant 0 : i32
    %dma_wait3A_175 = arith.constant 0 : i32
    %dma_wait3A_176 = tpu.memref_slice %arg36[%dma_wait3A_174, %dma_wait3A_175] : memref<10240x32xf32, #tpu.memory_space<vmem_shared>> -> memref<200x32xf32, #tpu.memory_space<vmem_shared>>
    %dma_wait3A_177 = arith.constant 0 : i32
    %dma_wait3A_178 = arith.constant 0 : i32
    %dma_wait3A_179 = tpu.memref_slice %arg36[%dma_wait3A_177, %dma_wait3A_178] : memref<10240x32xf32, #tpu.memory_space<vmem_shared>> -> memref<200x32xf32, #tpu.memory_space<vmem_shared>>
    tpu.wait_dma2 semaphore(%arg35 : memref<!tpu.dma_semaphore, #tpu.memory_space<semaphore_mem>>) src(%arg19 : memref<200x32xf32, #tpu.memory_space<vmem>>) dst(%dma_wait3A_179 : memref<200x32xf32, #tpu.memory_space<vmem_shared>>)
    %barrier3A_180 = arith.constant 0 : index
    tpu.barrier barrier_id(%barrier3A_180)
    %eq3A_181 = arith.constant 0 : i32
    %eq3A_182 = arith.cmpi eq, %arg0, %eq3A_181 : i32
    %convert_element_type3A_183 = arith.extui %eq3A_182 : i1 to i32
    %cond3A_184 = arith.constant 0 : i32
    %cond3A_185 = arith.cmpi ne, %convert_element_type3A_183, %cond3A_184 : i32
    scf.if %cond3A_185 {
      "tpu.region"() ({
        %run_scoped3A = tpu.sem_alloc : memref<!tpu.dma_semaphore, #tpu.memory_space<semaphore_mem>>
        %dma_start3A_191 = arith.constant 0 : i32
        %dma_start3A_192 = tpu.memref_slice %arg6[%mul3A_0, %dma_start3A_191] : memref<10240x32xf32, #tpu.memory_space<hbm>> -> memref<640x32xf32, #tpu.memory_space<hbm>>
        %dma_start3A_193 = arith.constant 0 : i32
        %dma_start3A_194 = tpu.memref_slice %arg36[%mul3A_0, %dma_start3A_193] : memref<10240x32xf32, #tpu.memory_space<vmem_shared>> -> memref<640x32xf32, #tpu.memory_space<vmem_shared>>
        tpu.enqueue_dma source(%dma_start3A_194 : memref<640x32xf32, #tpu.memory_space<vmem_shared>>) target(%dma_start3A_192 : memref<640x32xf32, #tpu.memory_space<hbm>>) target_semaphore(%run_scoped3A : memref<!tpu.dma_semaphore, #tpu.memory_space<semaphore_mem>>)
        %dma_wait3A_195 = arith.constant 0 : i32
        %dma_wait3A_196 = tpu.memref_slice %arg6[%mul3A_0, %dma_wait3A_195] : memref<10240x32xf32, #tpu.memory_space<hbm>> -> memref<640x32xf32, #tpu.memory_space<hbm>>
        %dma_wait3A_197 = arith.constant 0 : i32
        %dma_wait3A_198 = tpu.memref_slice %arg36[%mul3A_0, %dma_wait3A_197] : memref<10240x32xf32, #tpu.memory_space<vmem_shared>> -> memref<640x32xf32, #tpu.memory_space<vmem_shared>>
        tpu.wait_dma2 semaphore(%run_scoped3A : memref<!tpu.dma_semaphore, #tpu.memory_space<semaphore_mem>>) src(%dma_wait3A_198 : memref<640x32xf32, #tpu.memory_space<vmem_shared>>) dst(%dma_wait3A_196 : memref<640x32xf32, #tpu.memory_space<hbm>>)
        tpu.yield
      }) : () -> ()
    } else {
    }
    %eq3A_186 = arith.constant 1 : i32
    %eq3A_187 = arith.cmpi eq, %arg0, %eq3A_186 : i32
    %convert_element_type3A_188 = arith.extui %eq3A_187 : i1 to i32
    %cond3A_189 = arith.constant 0 : i32
    %cond3A_190 = arith.cmpi ne, %convert_element_type3A_188, %cond3A_189 : i32
    scf.if %cond3A_190 {
      "tpu.region"() ({
        %run_scoped3A = tpu.sem_alloc : memref<!tpu.dma_semaphore, #tpu.memory_space<semaphore_mem>>
        %dma_start3A_191 = arith.constant 0 : i32
        %dma_start3A_192 = tpu.memref_slice %arg7[%mul3A_0, %dma_start3A_191] : memref<10240x32xf32, #tpu.memory_space<hbm>> -> memref<640x32xf32, #tpu.memory_space<hbm>>
        %dma_start3A_193 = arith.constant 0 : i32
        %dma_start3A_194 = tpu.memref_slice %arg36[%mul3A_0, %dma_start3A_193] : memref<10240x32xf32, #tpu.memory_space<vmem_shared>> -> memref<640x32xf32, #tpu.memory_space<vmem_shared>>
        tpu.enqueue_dma source(%dma_start3A_194 : memref<640x32xf32, #tpu.memory_space<vmem_shared>>) target(%dma_start3A_192 : memref<640x32xf32, #tpu.memory_space<hbm>>) target_semaphore(%run_scoped3A : memref<!tpu.dma_semaphore, #tpu.memory_space<semaphore_mem>>)
        %dma_wait3A_195 = arith.constant 0 : i32
        %dma_wait3A_196 = tpu.memref_slice %arg7[%mul3A_0, %dma_wait3A_195] : memref<10240x32xf32, #tpu.memory_space<hbm>> -> memref<640x32xf32, #tpu.memory_space<hbm>>
        %dma_wait3A_197 = arith.constant 0 : i32
        %dma_wait3A_198 = tpu.memref_slice %arg36[%mul3A_0, %dma_wait3A_197] : memref<10240x32xf32, #tpu.memory_space<vmem_shared>> -> memref<640x32xf32, #tpu.memory_space<vmem_shared>>
        tpu.wait_dma2 semaphore(%run_scoped3A : memref<!tpu.dma_semaphore, #tpu.memory_space<semaphore_mem>>) src(%dma_wait3A_198 : memref<640x32xf32, #tpu.memory_space<vmem_shared>>) dst(%dma_wait3A_196 : memref<640x32xf32, #tpu.memory_space<hbm>>)
        tpu.yield
      }) : () -> ()
    } else {
    }
    return
  }
}

module attributes {stable_mosaic.version = 14 : i64} {
  func.func @_mm1_body(%arg0: i32, %arg1: memref<2000x128xf32, #tpu.memory_space<vmem>>, %arg2: memref<128x128xf32, #tpu.memory_space<vmem>>, %arg3: memref<2000x64xf32, #tpu.memory_space<vmem>>, %arg4: memref<2000x64xf32, #tpu.memory_space<vmem>>) attributes {dimension_semantics = [#tpu.dimension_semantics<arbitrary>], iteration_bounds = array<i64: 5>, scalar_prefetch = 0 : i64, scratch_operands = 0 : i64, tpu.core_type = #tpu.core_type<tc>, window_params = [{transform_indices = @transform_0, window_bounds = array<i64: 2000, 128>}, {pipeline_mode = #tpu.pipeline_mode<synchronous>, transform_indices = @transform_1, window_bounds = array<i64: 128, 128>}, {transform_indices = @transform_2, window_bounds = array<i64: 2000, 64>}, {transform_indices = @transform_3, window_bounds = array<i64: 2000, 64>}]} {
    %get3A = arith.constant 0 : index
    %get3A_0 = arith.constant 0 : index
    %get3A_1 = vector.load %arg1[%get3A, %get3A_0] : memref<2000x128xf32, #tpu.memory_space<vmem>>, vector<2000x128xf32>
    %get3A_2 = arith.constant 0 : index
    %get3A_3 = arith.constant 0 : index
    %get3A_4 = vector.load %arg2[%get3A_2, %get3A_3] : memref<128x128xf32, #tpu.memory_space<vmem>>, vector<128x128xf32>
    %dot_general3A = arith.constant dense<0.000000e+00> : vector<2000x128xf32>
    %dot_general3A_5 = tpu.matmul %get3A_1, %get3A_4, %dot_general3A {dimension_numbers = #tpu.dot_dimension_numbers<[1], [0], [0], [1], [0, 0, 1, 1], [], []>, transpose_lhs_hint = false} : vector<2000x128xf32>, vector<128x128xf32>, vector<2000x128xf32> -> vector<2000x128xf32>
    %slice3A = vector.extract_strided_slice %dot_general3A_5 {offsets = [0, 0], sizes = [2000, 64], strides = [1, 1]} : vector<2000x128xf32> to vector<2000x64xf32>
    %swap3A = arith.constant 0 : index
    %swap3A_6 = arith.constant 0 : index
    %swap3A_7 = vector.load %arg3[%swap3A, %swap3A_6] : memref<2000x64xf32, #tpu.memory_space<vmem>>, vector<2000x64xf32>
    tpu.vector_store %arg3[%swap3A, %swap3A_6], %slice3A {strides = array<i32>} : memref<2000x64xf32, #tpu.memory_space<vmem>>, vector<2000x64xf32>,
    %slice3A_8 = vector.extract_strided_slice %dot_general3A_5 {offsets = [0, 64], sizes = [2000, 64], strides = [1, 1]} : vector<2000x128xf32> to vector<2000x64xf32>
    %swap3A_9 = arith.constant 0 : index
    %swap3A_10 = arith.constant 0 : index
    %swap3A_11 = vector.load %arg4[%swap3A_9, %swap3A_10] : memref<2000x64xf32, #tpu.memory_space<vmem>>, vector<2000x64xf32>
    tpu.vector_store %arg4[%swap3A_9, %swap3A_10], %slice3A_8 {strides = array<i32>} : memref<2000x64xf32, #tpu.memory_space<vmem>>, vector<2000x64xf32>,
    return
  }
  func.func @transform_0(%arg0: i32) -> (i32, i32) {
    %c0_i32 = arith.constant 0 : i32
    %c0_i32_0 = arith.constant 0 : i32
    return %arg0, %c0_i32 : i32, i32
  }
  func.func @transform_1(%arg0: i32) -> (i32, i32) {
    %c0_i32 = arith.constant 0 : i32
    %c0_i32_0 = arith.constant 0 : i32
    %c0_i32_1 = arith.constant 0 : i32
    return %c0_i32, %c0_i32_0 : i32, i32
  }
  func.func @transform_2(%arg0: i32) -> (i32, i32) {
    %c0_i32 = arith.constant 0 : i32
    %c0_i32_0 = arith.constant 0 : i32
    return %arg0, %c0_i32 : i32, i32
  }
  func.func @transform_3(%arg0: i32) -> (i32, i32) {
    %c0_i32 = arith.constant 0 : i32
    %c0_i32_0 = arith.constant 0 : i32
    return %arg0, %c0_i32 : i32, i32
  }
}

module attributes {stable_mosaic.version = 14 : i64} {
  func.func @_mid_body(%arg0: i32, %arg1: memref<2000x64xf32, #tpu.memory_space<vmem>>, %arg2: memref<2000x64xf32, #tpu.memory_space<vmem>>, %arg3: memref<2000x8xf32, #tpu.memory_space<vmem>>, %arg4: memref<2000x8xf32, #tpu.memory_space<vmem>>, %arg5: memref<1x128xf32, #tpu.memory_space<vmem>>, %arg6: memref<2x64x64xf32, #tpu.memory_space<vmem>>, %arg7: memref<2000x32xf32, #tpu.memory_space<vmem>>, %arg8: memref<2000x32xf32, #tpu.memory_space<vmem>>) attributes {dimension_semantics = [#tpu.dimension_semantics<arbitrary>], iteration_bounds = array<i64: 5>, scalar_prefetch = 0 : i64, scratch_operands = 0 : i64, tpu.core_type = #tpu.core_type<tc>, window_params = [{transform_indices = @transform_0, window_bounds = array<i64: 2000, 64>}, {transform_indices = @transform_1, window_bounds = array<i64: 2000, 64>}, {transform_indices = @transform_2, window_bounds = array<i64: 2000, 8>}, {transform_indices = @transform_3, window_bounds = array<i64: 2000, 8>}, {pipeline_mode = #tpu.pipeline_mode<synchronous>, transform_indices = @transform_4, window_bounds = array<i64: 1, 128>}, {pipeline_mode = #tpu.pipeline_mode<synchronous>, transform_indices = @transform_5, window_bounds = array<i64: 2, 64, 64>}, {transform_indices = @transform_6, window_bounds = array<i64: 2000, 32>}, {transform_indices = @transform_7, window_bounds = array<i64: 2000, 32>}]} {
    %get3A = arith.constant 0 : index
    %get3A_0 = arith.constant 0 : index
    %get3A_1 = vector.load %arg3[%get3A, %get3A_0] : memref<2000x8xf32, #tpu.memory_space<vmem>>, vector<2000x1xf32>
    %get3A_2 = arith.constant 0 : index
    %get3A_3 = arith.constant 0 : index
    %get3A_4 = vector.load %arg4[%get3A_2, %get3A_3] : memref<2000x8xf32, #tpu.memory_space<vmem>>, vector<2000x1xf32>
    %add3A = arith.addf %get3A_1, %get3A_4 : vector<2000x1xf32>
    %max3A = arith.constant 1.000000e+00 : f32
    %max3A_5 = vector.broadcast %max3A : f32 to vector<2000x1xf32>
    %max3A_6 = arith.maximumf %add3A, %max3A_5 : vector<2000x1xf32>
    %div3A = arith.constant 1.000000e+00 : f32
    %div3A_7 = vector.broadcast %div3A : f32 to vector<2000x1xf32>
    %div3A_8 = arith.divf %div3A_7, %max3A_6 : vector<2000x1xf32>
    %get3A_9 = arith.constant 0 : index
    %get3A_10 = arith.constant 0 : index
    %get3A_11 = vector.load %arg1[%get3A_9, %get3A_10] : memref<2000x64xf32, #tpu.memory_space<vmem>>, vector<2000x64xf32>
    %mul3A = vector.broadcast %div3A_8 : vector<2000x1xf32> to vector<2000x64xf32>
    %mul3A_12 = arith.mulf %get3A_11, %mul3A : vector<2000x64xf32>
    %get3A_13 = arith.constant 0 : index
    %get3A_14 = arith.constant 0 : index
    %get3A_15 = vector.load %arg5[%get3A_13, %get3A_14] : memref<1x128xf32, #tpu.memory_space<vmem>>, vector<1x64xf32>
    %add3A_16 = vector.broadcast %get3A_15 : vector<1x64xf32> to vector<2000x64xf32>
    %add3A_17 = arith.addf %mul3A_12, %add3A_16 : vector<2000x64xf32>
    %max3A_18 = arith.constant 0.000000e+00 : f32
    %max3A_19 = vector.broadcast %max3A_18 : f32 to vector<2000x64xf32>
    %max3A_20 = arith.maximumf %add3A_17, %max3A_19 : vector<2000x64xf32>
    %get3A_21 = arith.constant 0 : index
    %get3A_22 = arith.constant 0 : index
    %get3A_23 = vector.load %arg2[%get3A_21, %get3A_22] : memref<2000x64xf32, #tpu.memory_space<vmem>>, vector<2000x64xf32>
    %mul3A_24 = vector.broadcast %div3A_8 : vector<2000x1xf32> to vector<2000x64xf32>
    %mul3A_25 = arith.mulf %get3A_23, %mul3A_24 : vector<2000x64xf32>
    %get3A_26 = arith.constant 0 : index
    %get3A_27 = arith.constant 64 : index
    %get3A_28 = vector.load %arg5[%get3A_26, %get3A_27] : memref<1x128xf32, #tpu.memory_space<vmem>>, vector<1x64xf32>
    %add3A_29 = vector.broadcast %get3A_28 : vector<1x64xf32> to vector<2000x64xf32>
    %add3A_30 = arith.addf %mul3A_25, %add3A_29 : vector<2000x64xf32>
    %max3A_31 = arith.constant 0.000000e+00 : f32
    %max3A_32 = vector.broadcast %max3A_31 : f32 to vector<2000x64xf32>
    %max3A_33 = arith.maximumf %add3A_30, %max3A_32 : vector<2000x64xf32>
    %get3A_34 = arith.constant 0 : index
    %get3A_35 = arith.constant 0 : index
    %get3A_36 = arith.constant 0 : index
    %get3A_37 = vector.load %arg6[%get3A_34, %get3A_35, %get3A_36] : memref<2x64x64xf32, #tpu.memory_space<vmem>>, vector<1x64x64xf32>
    %get3A_38 = vector.shape_cast %get3A_37 : vector<1x64x64xf32> to vector<64x64xf32>
    %dot_general3A = arith.constant dense<0.000000e+00> : vector<2000x64xf32>
    %dot_general3A_39 = tpu.matmul %max3A_20, %get3A_38, %dot_general3A {dimension_numbers = #tpu.dot_dimension_numbers<[1], [0], [0], [1], [0, 0, 1, 1], [], []>, transpose_lhs_hint = false} : vector<2000x64xf32>, vector<64x64xf32>, vector<2000x64xf32> -> vector<2000x64xf32>
    %get3A_40 = arith.constant 1 : index
    %get3A_41 = arith.constant 0 : index
    %get3A_42 = arith.constant 0 : index
    %get3A_43 = vector.load %arg6[%get3A_40, %get3A_41, %get3A_42] : memref<2x64x64xf32, #tpu.memory_space<vmem>>, vector<1x64x64xf32>
    %get3A_44 = vector.shape_cast %get3A_43 : vector<1x64x64xf32> to vector<64x64xf32>
    %dot_general3A_45 = arith.constant dense<0.000000e+00> : vector<2000x64xf32>
    %dot_general3A_46 = tpu.matmul %max3A_33, %get3A_44, %dot_general3A_45 {dimension_numbers = #tpu.dot_dimension_numbers<[1], [0], [0], [1], [0, 0, 1, 1], [], []>, transpose_lhs_hint = false} : vector<2000x64xf32>, vector<64x64xf32>, vector<2000x64xf32> -> vector<2000x64xf32>
    %add3A_47 = arith.addf %dot_general3A_39, %dot_general3A_46 : vector<2000x64xf32>
    %slice3A = vector.extract_strided_slice %add3A_47 {offsets = [0, 0], sizes = [2000, 32], strides = [1, 1]} : vector<2000x64xf32> to vector<2000x32xf32>
    %swap3A = arith.constant 0 : index
    %swap3A_48 = arith.constant 0 : index
    %swap3A_49 = vector.load %arg7[%swap3A, %swap3A_48] : memref<2000x32xf32, #tpu.memory_space<vmem>>, vector<2000x32xf32>
    tpu.vector_store %arg7[%swap3A, %swap3A_48], %slice3A {strides = array<i32>} : memref<2000x32xf32, #tpu.memory_space<vmem>>, vector<2000x32xf32>,
    %slice3A_50 = vector.extract_strided_slice %add3A_47 {offsets = [0, 32], sizes = [2000, 32], strides = [1, 1]} : vector<2000x64xf32> to vector<2000x32xf32>
    %swap3A_51 = arith.constant 0 : index
    %swap3A_52 = arith.constant 0 : index
    %swap3A_53 = vector.load %arg8[%swap3A_51, %swap3A_52] : memref<2000x32xf32, #tpu.memory_space<vmem>>, vector<2000x32xf32>
    tpu.vector_store %arg8[%swap3A_51, %swap3A_52], %slice3A_50 {strides = array<i32>} : memref<2000x32xf32, #tpu.memory_space<vmem>>, vector<2000x32xf32>,
    return
  }
  func.func @transform_0(%arg0: i32) -> (i32, i32) {
    %c0_i32 = arith.constant 0 : i32
    %c0_i32_0 = arith.constant 0 : i32
    return %arg0, %c0_i32 : i32, i32
  }
  func.func @transform_1(%arg0: i32) -> (i32, i32) {
    %c0_i32 = arith.constant 0 : i32
    %c0_i32_0 = arith.constant 0 : i32
    return %arg0, %c0_i32 : i32, i32
  }
  func.func @transform_2(%arg0: i32) -> (i32, i32) {
    %c0_i32 = arith.constant 0 : i32
    %c0_i32_0 = arith.constant 0 : i32
    return %arg0, %c0_i32 : i32, i32
  }
  func.func @transform_3(%arg0: i32) -> (i32, i32) {
    %c0_i32 = arith.constant 0 : i32
    %c0_i32_0 = arith.constant 0 : i32
    return %arg0, %c0_i32 : i32, i32
  }
  func.func @transform_4(%arg0: i32) -> (i32, i32) {
    %c0_i32 = arith.constant 0 : i32
    %c0_i32_0 = arith.constant 0 : i32
    %c0_i32_1 = arith.constant 0 : i32
    return %c0_i32, %c0_i32_0 : i32, i32
  }
  func.func @transform_5(%arg0: i32) -> (i32, i32, i32) {
    %c0_i32 = arith.constant 0 : i32
    %c0_i32_0 = arith.constant 0 : i32
    %c0_i32_1 = arith.constant 0 : i32
    %c0_i32_2 = arith.constant 0 : i32
    return %c0_i32, %c0_i32_0, %c0_i32_1 : i32, i32, i32
  }
  func.func @transform_6(%arg0: i32) -> (i32, i32) {
    %c0_i32 = arith.constant 0 : i32
    %c0_i32_0 = arith.constant 0 : i32
    return %arg0, %c0_i32 : i32, i32
  }
  func.func @transform_7(%arg0: i32) -> (i32, i32) {
    %c0_i32 = arith.constant 0 : i32
    %c0_i32_0 = arith.constant 0 : i32
    return %arg0, %c0_i32 : i32, i32
  }
}

module attributes {stable_mosaic.version = 14 : i64} {
  func.func @_out_body(%arg0: i32, %arg1: memref<2000x32xf32, #tpu.memory_space<vmem>>, %arg2: memref<2000x32xf32, #tpu.memory_space<vmem>>, %arg3: memref<2000x8xf32, #tpu.memory_space<vmem>>, %arg4: memref<2000x8xf32, #tpu.memory_space<vmem>>, %arg5: memref<1x64xf32, #tpu.memory_space<vmem>>, %arg6: memref<2000x64xf32, #tpu.memory_space<vmem>>) attributes {dimension_semantics = [#tpu.dimension_semantics<arbitrary>], iteration_bounds = array<i64: 5>, scalar_prefetch = 0 : i64, scratch_operands = 0 : i64, tpu.core_type = #tpu.core_type<tc>, window_params = [{transform_indices = @transform_0, window_bounds = array<i64: 2000, 32>}, {transform_indices = @transform_1, window_bounds = array<i64: 2000, 32>}, {transform_indices = @transform_2, window_bounds = array<i64: 2000, 8>}, {transform_indices = @transform_3, window_bounds = array<i64: 2000, 8>}, {pipeline_mode = #tpu.pipeline_mode<synchronous>, transform_indices = @transform_4, window_bounds = array<i64: 1, 64>}, {transform_indices = @transform_5, window_bounds = array<i64: 2000, 64>}]} {
    %get3A = arith.constant 0 : index
    %get3A_0 = arith.constant 0 : index
    %get3A_1 = vector.load %arg3[%get3A, %get3A_0] : memref<2000x8xf32, #tpu.memory_space<vmem>>, vector<2000x1xf32>
    %get3A_2 = arith.constant 0 : index
    %get3A_3 = arith.constant 0 : index
    %get3A_4 = vector.load %arg4[%get3A_2, %get3A_3] : memref<2000x8xf32, #tpu.memory_space<vmem>>, vector<2000x1xf32>
    %add3A = arith.addf %get3A_1, %get3A_4 : vector<2000x1xf32>
    %max3A = arith.constant 1.000000e+00 : f32
    %max3A_5 = vector.broadcast %max3A : f32 to vector<2000x1xf32>
    %max3A_6 = arith.maximumf %add3A, %max3A_5 : vector<2000x1xf32>
    %div3A = arith.constant 1.000000e+00 : f32
    %div3A_7 = vector.broadcast %div3A : f32 to vector<2000x1xf32>
    %div3A_8 = arith.divf %div3A_7, %max3A_6 : vector<2000x1xf32>
    %get3A_9 = arith.constant 0 : index
    %get3A_10 = arith.constant 0 : index
    %get3A_11 = vector.load %arg1[%get3A_9, %get3A_10] : memref<2000x32xf32, #tpu.memory_space<vmem>>, vector<2000x32xf32>
    %mul3A = vector.broadcast %div3A_8 : vector<2000x1xf32> to vector<2000x32xf32>
    %mul3A_12 = arith.mulf %get3A_11, %mul3A : vector<2000x32xf32>
    %get3A_13 = arith.constant 0 : index
    %get3A_14 = arith.constant 0 : index
    %get3A_15 = vector.load %arg5[%get3A_13, %get3A_14] : memref<1x64xf32, #tpu.memory_space<vmem>>, vector<1x32xf32>
    %add3A_16 = vector.broadcast %get3A_15 : vector<1x32xf32> to vector<2000x32xf32>
    %add3A_17 = arith.addf %mul3A_12, %add3A_16 : vector<2000x32xf32>
    %get3A_18 = arith.constant 0 : index
    %get3A_19 = arith.constant 0 : index
    %get3A_20 = vector.load %arg2[%get3A_18, %get3A_19] : memref<2000x32xf32, #tpu.memory_space<vmem>>, vector<2000x32xf32>
    %mul3A_21 = vector.broadcast %div3A_8 : vector<2000x1xf32> to vector<2000x32xf32>
    %mul3A_22 = arith.mulf %get3A_20, %mul3A_21 : vector<2000x32xf32>
    %get3A_23 = arith.constant 0 : index
    %get3A_24 = arith.constant 32 : index
    %get3A_25 = vector.load %arg5[%get3A_23, %get3A_24] : memref<1x64xf32, #tpu.memory_space<vmem>>, vector<1x32xf32>
    %add3A_26 = vector.broadcast %get3A_25 : vector<1x32xf32> to vector<2000x32xf32>
    %add3A_27 = arith.addf %mul3A_22, %add3A_26 : vector<2000x32xf32>
    %reduce_max3A = arith.constant dense<0xFF800000> : vector<2000xf32>
    %reduce_max3A_28 = vector.multi_reduction <maximumf>, %add3A_17, %reduce_max3A [1] : vector<2000x32xf32> to vector<2000xf32>
    %broadcast_in_dim3A = vector.shape_cast %reduce_max3A_28 : vector<2000xf32> to vector<2000x1xf32>
    %reduce_max3A_29 = arith.constant dense<0xFF800000> : vector<2000xf32>
    %reduce_max3A_30 = vector.multi_reduction <maximumf>, %add3A_27, %reduce_max3A_29 [1] : vector<2000x32xf32> to vector<2000xf32>
    %broadcast_in_dim3A_31 = vector.shape_cast %reduce_max3A_30 : vector<2000xf32> to vector<2000x1xf32>
    %max3A_32 = arith.maximumf %broadcast_in_dim3A, %broadcast_in_dim3A_31 : vector<2000x1xf32>
    %sub3A = vector.broadcast %max3A_32 : vector<2000x1xf32> to vector<2000x32xf32>
    %sub3A_33 = arith.subf %add3A_17, %sub3A : vector<2000x32xf32>
    %exp3A = math.exp %sub3A_33 : vector<2000x32xf32>
    %reduce_sum3A = arith.constant dense<0.000000e+00> : vector<2000xf32>
    %reduce_sum3A_34 = vector.multi_reduction <add>, %exp3A, %reduce_sum3A [1] : vector<2000x32xf32> to vector<2000xf32>
    %broadcast_in_dim3A_35 = vector.shape_cast %reduce_sum3A_34 : vector<2000xf32> to vector<2000x1xf32>
    %sub3A_36 = vector.broadcast %max3A_32 : vector<2000x1xf32> to vector<2000x32xf32>
    %sub3A_37 = arith.subf %add3A_27, %sub3A_36 : vector<2000x32xf32>
    %exp3A_38 = math.exp %sub3A_37 : vector<2000x32xf32>
    %reduce_sum3A_39 = arith.constant dense<0.000000e+00> : vector<2000xf32>
    %reduce_sum3A_40 = vector.multi_reduction <add>, %exp3A_38, %reduce_sum3A_39 [1] : vector<2000x32xf32> to vector<2000xf32>
    %broadcast_in_dim3A_41 = vector.shape_cast %reduce_sum3A_40 : vector<2000xf32> to vector<2000x1xf32>
    %add3A_42 = arith.addf %broadcast_in_dim3A_35, %broadcast_in_dim3A_41 : vector<2000x1xf32>
    %log3A = math.log %add3A_42 : vector<2000x1xf32>
    %sub3A_43 = vector.broadcast %max3A_32 : vector<2000x1xf32> to vector<2000x32xf32>
    %sub3A_44 = arith.subf %add3A_17, %sub3A_43 : vector<2000x32xf32>
    %sub3A_45 = vector.broadcast %log3A : vector<2000x1xf32> to vector<2000x32xf32>
    %sub3A_46 = arith.subf %sub3A_44, %sub3A_45 : vector<2000x32xf32>
    %swap3A = arith.constant 0 : index
    %swap3A_47 = arith.constant 0 : index
    %swap3A_48 = vector.load %arg6[%swap3A, %swap3A_47] : memref<2000x64xf32, #tpu.memory_space<vmem>>, vector<2000x32xf32>
    tpu.vector_store %arg6[%swap3A, %swap3A_47], %sub3A_46 {strides = array<i32>} : memref<2000x64xf32, #tpu.memory_space<vmem>>, vector<2000x32xf32>,
    %sub3A_49 = vector.broadcast %max3A_32 : vector<2000x1xf32> to vector<2000x32xf32>
    %sub3A_50 = arith.subf %add3A_27, %sub3A_49 : vector<2000x32xf32>
    %sub3A_51 = vector.broadcast %log3A : vector<2000x1xf32> to vector<2000x32xf32>
    %sub3A_52 = arith.subf %sub3A_50, %sub3A_51 : vector<2000x32xf32>
    %swap3A_53 = arith.constant 0 : index
    %swap3A_54 = arith.constant 32 : index
    %swap3A_55 = vector.load %arg6[%swap3A_53, %swap3A_54] : memref<2000x64xf32, #tpu.memory_space<vmem>>, vector<2000x32xf32>
    tpu.vector_store %arg6[%swap3A_53, %swap3A_54], %sub3A_52 {strides = array<i32>} : memref<2000x64xf32, #tpu.memory_space<vmem>>, vector<2000x32xf32>,
    return
  }
  func.func @transform_0(%arg0: i32) -> (i32, i32) {
    %c0_i32 = arith.constant 0 : i32
    %c0_i32_0 = arith.constant 0 : i32
    return %arg0, %c0_i32 : i32, i32
  }
  func.func @transform_1(%arg0: i32) -> (i32, i32) {
    %c0_i32 = arith.constant 0 : i32
    %c0_i32_0 = arith.constant 0 : i32
    return %arg0, %c0_i32 : i32, i32
  }
  func.func @transform_2(%arg0: i32) -> (i32, i32) {
    %c0_i32 = arith.constant 0 : i32
    %c0_i32_0 = arith.constant 0 : i32
    return %arg0, %c0_i32 : i32, i32
  }
  func.func @transform_3(%arg0: i32) -> (i32, i32) {
    %c0_i32 = arith.constant 0 : i32
    %c0_i32_0 = arith.constant 0 : i32
    return %arg0, %c0_i32 : i32, i32
  }
  func.func @transform_4(%arg0: i32) -> (i32, i32) {
    %c0_i32 = arith.constant 0 : i32
    %c0_i32_0 = arith.constant 0 : i32
    %c0_i32_1 = arith.constant 0 : i32
    return %c0_i32, %c0_i32_0 : i32, i32
  }
  func.func @transform_5(%arg0: i32) -> (i32, i32) {
    %c0_i32 = arith.constant 0 : i32
    %c0_i32_0 = arith.constant 0 : i32
    return %arg0, %c0_i32 : i32, i32
  }
}

</mosaic_0001>

<sc_bundles>
// kernel: kernel.10.cloned.1.call-start
scs
__scs_entry_jumppad:
0x0: {  	(pc) =	sbr.rel $0x88, $3  }
0x1: {  	(tag) =	ssettag $0x0;
	lr =	simm.s32 $0x1  }
0x2: {  	[smem:$0x3F9B] =	sst lr;
	_ =	strace $0xD0000000  }
0x3: {  	_ = 	snop  }
0x4: {  	_ = 	snop  }
0x5: {  	_ = 	snop  }
0x6: {  	_ = 	snop  }
0x7: {  	_ = 	snop  }
__scs_overlays_trampoline_lowered:
0x8: {  	[smem:$0x3FAA] =	sst s0  }
0x9: {  	[smem:$0x3FAB] =	sst s1  }
0xa: {  	[smem:$0x3FAC] =	sst s2  }
0xb: {  	[smem:$0x3FAD] =	sst s3  }
0xc: {  	[smem:$0x3FAE] =	sst s4  }
0xd: {  	[smem:$0x3FAF] =	sst s5  }
0xe: {  	[smem:$0x3FB0] =	sst s6  }
0xf: {  	[smem:$0x3FB1] =	sst s7  }
0x10: {  	[smem:$0x3FB2] =	sst s8  }
0x11: {  	[smem:$0x3FB3] =	sst s9;
	s0 =	simm.s32 @!p0 $0x0  }
0x12: {  	s1 =	sld [smem:$0x3F99];
	s0 =	simm.s32 @p0 $0x1  }
0x13: {  	[smem:$0x3FB4] =	sst s0;
	s0 =	simm.s32 @!p1 $0x0  }
0x14: {  	s2 =	sld [smem:$0x3F98];
	s0 =	simm.s32 @p1 $0x1  }
0x15: {  	[smem:$0x3FB5] =	sst s0;
	s0 =	simm.s32 @!p2 $0x0  }
0x16: {  	s3 =	sld [smem:$0x3FDB];
	s0 =	simm.s32 @p2 $0x1  }
0x17: {  	s4 =	simm.s32 $0x1BF5;
	[smem:$0x3FB7] =	sst s0  }
0x18: {  	s0 =	sld [smem:$0x3F9A];
	_ =	swait.ge [sflag:s4], $0x0  }
0x19: {  	s7 =	sld [smem:$0x3F9B]  }
0x1a: {  	s8 =	sadd.s32 $0xFFFFE003, lr  }
0x1b: {  	s9 =	sadd.s32 $0xFFFFFEF7, lr;
	s5 =	simm.s32 $0xFFFFFFFF;
	p2 =	slt.u32 s8, $0xFFFFF086  }
0x1c: {  	p1 =	slt.u32 s9, $0xF7A;
	s5 =	simm.s32 @!p2 $0x0  }
0x1d: {  	s5 =	simm.s32 @p1 $0x1;
	p0 =	seq.s32 s7, s2  }
0x1e: {  	s7 =	smul.u32 @!p0 $0xF7A, s2;
	p2 =	seq.s32 @!p0 s5, $0x0  }
0x1f: {  	s9 =	smul.u32 $0xF7A, s1;
	s8 =	simm.s32 @!p0 $0x1BF5;
	p2 =	por !p2, p0  }
0x20: {  	[sflag:s8] =	ssyncset.s32 @!p0 $0xFFFFF086;
	s6 =	sadd.s32 @!p0 s3, s7;
	s7 =	simm.s32 @!p0 $0x108  }
0x21: {  	s3 =	sadd.s32 s3, s9;
	s6 =	sadd.s32 @!p0 $0x88, s6;
	s7 =	simm.s32 @p2 $0x1082  }
0x22: {  	[simem:s7], [sflag:s8] =	dma.local @!p0 [hbm:s6], $0xF7A  }
0x23: {  	s9 =	sor.u32 $0xD0000000, s2;
	s6 =	simm.s32 $0x108;
	_ =	swait.ge @!p0 [sflag:s8], $0x0  }
0x24: {  	s3 =	sadd.s32 $0x88, s3;
	s6 =	simm.s32 @!p1 $0x1082;
	[sflag:s4] =	ssyncset.s32 $0xFFFFF086  }
0x25: {  	[simem:s6], [sflag:s4] =	dma.local [hbm:s3], $0xF7A  }
0x26: {  	[smem:$0x3F9B] =	sst s1;
	(tag) =	ssettag s2;
	_ =	strace s9  }
0x27: {  	s1 =	sld [smem:$0x3FAB]  }
0x28: {  	s2 =	sld [smem:$0x3FAC]  }
0x29: {  	s4 =	sld [smem:$0x3FAE]  }
0x2a: {  	p0 =	seq.s32 s5, $0x0;
	s5 =	sld [smem:$0x3FAF]  }
0x2b: {  	s6 =	sld [smem:$0x3FB0]  }
0x2c: {  	s7 =	sld [smem:$0x3FB1]  }
0x2d: {  	s3 =	simm.s32 $0x108;
	s8 =	sld [smem:$0x3FB2]  }
0x2e: {  	s3 =	simm.s32 @!p0 $0x1082;
	s9 =	sld [smem:$0x3FB3]  }
0x2f: {  	lr =	sadd.s32 s0, s3;
	s0 =	sld [smem:$0x3FAA]  }
0x30: {  	s3 =	sld [smem:$0x3FAD]  }
0x31: {  	[smem:$0x3FB6] =	sst s10  }
0x32: {  	s10 =	sld [smem:$0x3FB4];
	_ =	sdelay $0x3  }
0x33: {  	p0 =	seq.s32 s10, $0x1;
	s10 =	sld [smem:$0x3FB6];
	_ =	sdelay $0x3  }
0x34: {  	[smem:$0x3FB6] =	sst s10  }
0x35: {  	s10 =	sld [smem:$0x3FB5];
	_ =	sdelay $0x3  }
0x36: {  	p1 =	seq.s32 s10, $0x1;
	s10 =	sld [smem:$0x3FB6];
	_ =	sdelay $0x3  }
0x37: {  	[smem:$0x3FB6] =	sst s10  }
0x38: {  	s10 =	sld [smem:$0x3FB7]  }
0x39: {  	_ = 	snop;
	(pc) =	sbr.ind lr, $3  }
0x3a: {  	_ = 	snop  }
0x3b: {  	_ = 	snop  }
0x3c: {  	p2 =	seq.s32 s10, $0x1;
	s10 =	sld [smem:$0x3FB6]  }
0x3d: {  	_ =	shalt  }
0x3e: {  	_ =	shalt  }
0x3f: {  	_ =	shalt  }
0x40: {  	_ =	shalt  }
0x41: {  	_ =	shalt  }
0x42: {  	_ =	shalt  }
0x43: {  	_ =	shalt  }
0x44: {  	_ =	shalt  }
0x45: {  	_ =	shalt  }
0x46: {  	_ =	shalt  }
0x47: {  	_ =	shalt  }
0x48: {  	_ =	shalt  }
0x49: {  	_ =	shalt  }
0x4a: {  	_ =	shalt  }
0x4b: {  	_ =	shalt  }
0x4c: {  	_ =	shalt  }
0x4d: {  	_ =	shalt  }
0x4e: {  	_ =	shalt  }
0x4f: {  	_ =	shalt  }
0x50: {  	_ =	shalt  }
0x51: {  	_ =	shalt  }
0x52: {  	_ =	shalt  }
0x53: {  	_ =	shalt  }
0x54: {  	_ =	shalt  }
0x55: {  	_ =	shalt  }
0x56: {  	_ =	shalt  }
0x57: {  	_ =	shalt  }
0x58: {  	_ =	shalt  }
0x59: {  	_ =	shalt  }
0x5a: {  	_ =	shalt  }
0x5b: {  	_ =	shalt  }
0x5c: {  	_ =	shalt  }
0x5d: {  	_ =	shalt  }
0x5e: {  	_ =	shalt  }
0x5f: {  	_ =	shalt  }
0x60: {  	_ =	shalt  }
0x61: {  	_ =	shalt  }
0x62: {  	_ =	shalt  }
0x63: {  	_ =	shalt  }
0x64: {  	_ =	shalt  }
0x65: {  	_ =	shalt  }
0x66: {  	_ =	shalt  }
0x67: {  	_ =	shalt  }
0x68: {  	_ =	shalt  }
0x69: {  	_ =	shalt  }
0x6a: {  	_ =	shalt  }
0x6b: {  	_ =	shalt  }
0x6c: {  	_ =	shalt  }
0x6d: {  	_ =	shalt  }
0x6e: {  	_ =	shalt  }
0x6f: {  	_ =	shalt  }
0x70: {  	_ =	shalt  }
0x71: {  	_ =	shalt  }
0x72: {  	_ =	shalt  }
0x73: {  	_ =	shalt  }
0x74: {  	_ =	shalt  }
0x75: {  	_ =	shalt  }
0x76: {  	_ =	shalt  }
0x77: {  	_ =	shalt  }
0x78: {  	_ =	shalt  }
0x79: {  	_ =	shalt  }
0x7a: {  	_ =	shalt  }
0x7b: {  	_ =	shalt  }
0x7c: {  	_ =	shalt  }
0x7d: {  	_ =	shalt  }
0x7e: {  	_ =	shalt  }
0x7f: {  	_ =	shalt  }
0x80: {  	_ =	shalt  }
0x81: {  	_ =	shalt  }
0x82: {  	_ =	shalt  }
0x83: {  	_ =	shalt  }
0x84: {  	_ =	shalt  }
0x85: {  	_ =	shalt  }
0x86: {  	_ =	shalt  }
0x87: {  	_ =	shalt  }
.Lfunc_end0:
.L_simem_size_0:
called_computation.1_lowered:
.L_overlay_start_0:
0x88: {  	s2 =	sld [smem:$0x3FD9]  }
0x89: {  	s3 =	sld [smem:$0x3FFE];
	_ =	sdelay $0x1  }
0x8a: {  	s1 =	srdreg.scid  }
0x8b: {  	s0 =	sand.u32 $0x1, s1  }
0x8c: {  	s17 =	sshll.u32 s0, $0xA;
	s2 =	sadd.s32 s3, s2  }
0x8d: {  	s2 =	sadd.s32 s2, s17  }
0x8e: {  	[smem:$0x3FC2] =	sst s2  }
0x8f: {  	_ = 	snop  }
0x90: {  	s2 =	sld [smem:$0x3FD0];
	(tm) =	ssettm $0x1  }
0x91: {  	s18 =	sld [smem:$0x3FFB];
	_ =	sdelay $0x3  }
0x92: {  	_ =	strace s18  }
0x93: {  	s3 =	sld [smem:$0x3FFC];
	_ =	sdelay $0x3  }
0x94: {  	_ =	strace s3  }
0x95: {  	s3 =	sld [smem:$0x3FFD];
	_ =	sdelay $0x3  }
0x96: {  	_ =	strace s3  }
0x97: {  	_ =	strace $0x8FFFFFFF  }
0x98: {  	s19 =	sld [smem:$0x3FDB];
	_ =	sdelay $0x1  }
0x99: {  	s4 =	simm.s32 $_scs_section_size  }
0x9a: {  	s5 =	simm.s32 $_size__tile_overlayer_lowered;
	s6 =	simm.s32 $_tile_overlayer_lowered  }
0x9b: {  	s22 =	simm.s32 $0x1BFF;
	s21 =	sshll.u32 s6, $0x1;
	s3 =	sadd.s32 s4, s19  }
0x9c: {  	s7 =	simm.s32 $0x0;
	s20 =	sshll.u32 s5, $0x1;
	s5 =	sadd.s32 s21, s3  }
0x9d: {  	[timem:s7], [sflag:s22] =	dma.local [hbm:s5], s20  }
0x9e: {  	_ =	swait.ge [sflag:s22], s20  }
0x9f: {  	s4 =	ssub.s32 $0x0, s20;
	[sflag:s22] =	ssyncset.done $0x0  }
0xa0: {  	[sflag:s22] =	ssyncadd.s32 s4;
	_ =	sdelay $0x1  }
0xa1: {  	s23 =	simm.s32 $0x1B8B  }
0xa2: {  	_ =	swait.ge [sflag:s23], $0x1  }
0xa3: {  	[sflag:s23] =	ssyncset.done $0x0  }
0xa4: {  	s25 =	simm.s32 $0x1B8E;
	s24 =	sld [smem:$0x3FFE];
	[sflag:s23] =	ssyncadd.s32 $0xFFFFFFFF  }
0xa5: {  	s26 =	simm.s32 $execute0_lowered;
	[smem:$0x3FD2] =	sst s25  }
0xa6: {  	s5 =	sshll.u32 s26, $0x1;
	_ =	strace $0x80000049;
	[dreg:$0x1] =	wrdreg $0xFFFFFFFF  }
0xa7: {  	s28 =	simm.s32 $_size_execute0_lowered;
	s3 =	sadd.s32 s3, s5;
	[dreg:$0x0] =	wrdreg $0x0  }
0xa8: {  	s5 =	sshll.u32 s28, $0x1;
	[dreg:$0x2] =	wrdreg s3  }
0xa9: {  	[dreg:$0x3] =	wrdreg s5  }
0xaa: {  	[dreg:$0x4] =	wrdreg $0xC0  }
0xab: {  	_ =	task [dreg:s7], $0x5FFFF  }
0xac: {  	[dreg:$0x1] =	wrdreg $0xFFFFFFFF  }
0xad: {  	[dreg:$0x0] =	wrdreg $0x60  }
0xae: {  	[dreg:$0x2] =	wrdreg s2  }
0xaf: {  	[dreg:$0x3] =	wrdreg s24  }
0xb0: {  	[dreg:$0x4] =	wrdreg $0x6A400  }
0xb1: {  	[dreg:$0x5] =	wrdreg $0x9  }
0xb2: {  	_ =	task.clear_ibuf [dreg:s7], $0x6FFFF;
	_ =	strace $0x90000049  }
0xb3: {  	s29 =	simm.s32 $0x9;
	_ =	strace $0x8000004B  }
0xb4: {  	_ =	swait.ge [sflag:s29], $0x1  }
0xb5: {  	[sflag:s29] =	ssyncadd.s32 $0xFFFFFFFF  }
0xb6: {  	_ =	strace $0x9000004B  }
0xb7: {  	_ =	sfence  }
0xb8: {  	s30 =	sld [smem:$0x0];
	_ =	sdelay $0x2  }
0xb9: {  	s31 =	sshll.u32 s1, $0xD;
	s1 =	sshrl.u32 s1, $0x2  }
0xba: {  	s3 =	sand.u32 $0x4000, s31;
	s1 =	sadd.s32 s1, s30  }
0xbb: {  	s0 =	sor.u32 s3, s0;
	s1 =	sshll.u32 s1, $0x11  }
0xbc: {  	s0 =	sor.u32 s1, s0  }
0xbd: {  	s0 =	sadd.s32 $0x8F2B, s0  }
0xbe: {  	[sflag:s0] =	ssyncadd.remote.s32 $0x1  }
0xbf: {  	_ =	sfence.sel $0xFFFF  }
0xc0: {  	[dreg:$0x0] =	wrdreg $0xFFFFFFFF;
	(pc) =	sbr.abs _section_cstart, $3  }
0xc1: {  	[dreg:$0x1] =	wrdreg $0xFFFFFFFF  }
0xc2: {  	_ =	task.clear_ibuf [dreg:s7], $0x2FFFF;
	_ =	strace $0x9FFFFFFF  }
0xc3: {  	(tm) =	ssettm $0x7FFFFFFF  }
tec
execute0_lowered:
.L_overlay_start_1:
0x0: {  	(tag) =	ssettag $0x1  }
0x1: {  	s0 =	rddreg [dreg:$0x0]  }
0x2: {  	s1 =	rddreg [dreg:$0x1]  }
0x3: {  	s2 =	rddreg [dreg:$0x2];
	s3 =	simm.s32 $0x0;
	s15 =	stileid.u32  }
0x4: {  	s4 =	srdreg.scid;
	s31 =	simm.s32 $0x1F40;
	s29 =	simm.s32 $0x9  }
0x5: {  	[smem:$0x7FF] =	sst s3;
	s5 =	smul.u32 $0x5000, s15;
	s7 =	sadd.s32 $0x34E00, s1  }
0x6: {  	s8 =	sand.u32 $0x1, s4;
	s4 =	sadd.s32 $0x2B000, s1;
	s13 =	smul.u32 $0x4E20, s15  }
0x7: {  	s11 =	sadd.s32 $0x52C00, s1;
	s17 =	sshll.u32 s15, $0x6;
	s28 =	smul.u32 $0x9C4, s15  }
0x8: {  	_ =	strace $0x8000004A;
	s6 =	ssub.s32 $0x2, s8;
	p0 =	seq.s32 s8, $0x0  }
0x9: {  	s8 =	simm.s32 $0x8;
	s9 =	sshrl.u32 s5, $0x3;
	s12 =	sshrl.u32 s6, $0x1  }
0xa: {  	s5 =	sadd.s32 s5, s2;
	s18 =	sshrl.u32 s13, $0x3;
	s14 =	sadd.s32 $0xC8, s13  }
0xb: {  	s20 =	sadd.s32 $0x4E2C8, s13;
	s23 =	sadd.s32 $0x258, s13;
	s13 =	sadd.s32 $0x4E458, s13  }
0xc: {  	s4 =	smov.u32 @p0 s7;
	s10 =	sadd.s32 s9, s1;
	s1 =	sadd.s32 $0x48C00, s1  }
0xd: {  	s12 =	ssub.s32 s6, s12;
	s6 =	sor.u32 $0x1C11, s17;
	s19 =	sshrl.u32 s14, $0x3  }
0xe: {  	s21 =	sshrl.u32 s20, $0x3;
	s25 =	sshrl.u32 s13, $0x3;
	s16 =	sadd.s32 $0x3EC00, s10  }
0xf: {  	s13 =	simm.s32 $0x0;
	s10 =	sadd.s32 s0, s19;
	[dreg:$0x4] =	wrdreg s16  }
0x10: {  	s26 =	sadd.s32 s0, s25;
	s1 =	smov.u32 @p0 s11;
	[dreg:$0x7] =	wrdreg s10  }
0x11: {  	s30 =	smax.u32 s12, $0x1;
	s19 =	simm.s32 $0x11;
	[dreg:$0xc] =	wrdreg s26  }
0x12: {  	s11 =	simm.s32 $0xF;
	s10 =	sadd.s32 s0, s21;
	[dreg:$0xd] =	wrdreg s30  }
0x13: {  	s12 =	simm.s32 $0x10;
	s16 =	sadd.s32 s0, s18;
	[dreg:$0x8] =	wrdreg s10  }
0x14: {  	s1 =	sadd.s32 s1, s9;
	s18 =	sshrl.u32 s5, $0x3;
	[dreg:$0x5] =	wrdreg s16  }
0x15: {  	s21 =	simm.s32 $0xC8;
	s17 =	sadd.s32 $0x9C40, s16;
	[dreg:$0xe] =	wrdreg s1  }
0x16: {  	s26 =	simm.s32 $0x578;
	s22 =	sadd.s32 $0x32, s16;
	[dreg:$0x6] =	wrdreg s17  }
0x17: {  	s5 =	simm.s32 $0xB;
	s24 =	sadd.s32 $0x9C72, s16;
	[dreg:$0x9] =	wrdreg s22  }
0x18: {  	s10 =	sshrl.u32 s23, $0x3;
	s1 =	simm.s32 $0x6;
	[dreg:$0xa] =	wrdreg s24  }
0x19: {  	s10 =	sadd.s32 s0, s10;
	s17 =	sadd.s32 s28, s0;
	s22 =	simm.s32 $0x3E8  }
0x1a: {  	s24 =	simm.s32 $0x5140;
	[dreg:$0xb] =	wrdreg s10;
	s10 =	simm.s32 $0xE  }
.LBB2_1:
0x1b: {  	s0 =	rddreg [dreg:$0x4]  }
0x1c: {  	[spmem:s18], [sflag:s6] =	dma.local [hbm:s0], $0xA00  }
0x1d: {  	_ =	swait.ge [sflag:s19], $0xA00  }
0x1e: {  	[sflag:s19] =	ssyncset.done $0x0  }
0x1f: {  	[sflag:s19] =	ssyncadd.s32 $0xFFFFF600  }
0x20: {  	[bflag:$0x0] =	sbarrier.arrive $0xFFFF  }
0x21: {  	s16 =	rddreg [dreg:$0x5]  }
0x22: {  	[tilespmem:s3], [sflag:$0x1] =	stream.linear.gather [hbm4b:s16+s3], $0xC8, $0x38;
	[tilespmem:$0xBA40] =	vst v63  }
0x23: {  	s7 =	simm.s32 $0x320;
	s20 =	rddreg [dreg:$0x6]  }
0x24: {  	[tilespmem:s7], [sflag:$0x5] =	stream.linear.gather [hbm4b:s20+s3], $0xC8, $0x38;
	[tilespmem:$0xBA40] =	vst v63  }
0x25: {  	s23 =	rddreg [dreg:$0x7]  }
0x26: {  	[tilespmem:s21], [sflag:$0x2] =	stream.linear.gather [hbm4b:s23+s3], $0xC8, $0x38;
	[tilespmem:$0xBA40] =	vst v63  }
0x27: {  	s25 =	rddreg [dreg:$0x8]  }
0x28: {  	[tilespmem:s22], [sflag:$0x6] =	stream.linear.gather [hbm4b:s25+s3], $0xC8, $0x38;
	[tilespmem:$0xBA40] =	vst v63  }
0x29: {  	s28 =	rddreg [dreg:$0x9];
	s7 =	simm.s32 $0x190  }
0x2a: {  	[tilespmem:s7], [sflag:$0x3] =	stream.linear.gather [hbm4b:s28+s3], $0xC8, $0x38;
	[tilespmem:$0xBA40] =	vst v63  }
0x2b: {  	s9 =	simm.s32 $0x4B0;
	s30 =	rddreg [dreg:$0xa]  }
0x2c: {  	[tilespmem:s9], [sflag:$0x7] =	stream.linear.gather [hbm4b:s30+s3], $0xC8, $0x38;
	[tilespmem:$0xBA40] =	vst v63  }
0x2d: {  	s14 =	simm.s32 $0x258;
	s9 =	rddreg [dreg:$0xb]  }
0x2e: {  	[tilespmem:s14], [sflag:$0x4] =	stream.linear.gather [hbm4b:s9+s3], $0xC8, $0x38;
	[tilespmem:$0xBA40] =	vst v63  }
0x2f: {  	s15 =	rddreg [dreg:$0xc];
	s16 =	simm.s32 $0x1  }
0x30: {  	[tilespmem:s26], [sflag:$0x8] =	stream.linear.gather [hbm4b:s15+s3], $0xC8, $0x38;
	[tilespmem:$0xBA40] =	vst v63  }
0x31: {  	_ =	swait.ge [sflag:s16], $0xC8  }
0x32: {  	[sflag:s16] =	ssyncset.done $0x0  }
0x33: {  	s20 =	simm.s32 $0x640;
	s23 =	simm.s32 $0x2;
	[sflag:s16] =	ssyncadd.s32 $0xFFFFFF38  }
0x34: {  	[tilespmem:s20], [sflag:$0x9] =	stream.indirect.gather [hbm4b:s4+s21], $0x20, s3, s21, $0xb8;
	[tilespmem:$0xBA40] =	vst v63  }
0x35: {  	_ =	swait.ge [sflag:s23], $0xC8  }
0x36: {  	[sflag:s23] =	ssyncset.done $0x0  }
0x37: {  	s25 =	simm.s32 $0x3;
	[sflag:s23] =	ssyncadd.s32 $0xFFFFFF38  }
0x38: {  	[tilespmem:s31], [sflag:$0xA] =	stream.indirect.gather [hbm4b:s4+s21], $0x20, s21, s21, $0xb8;
	[tilespmem:$0xBA40] =	vst v63  }
0x39: {  	_ =	swait.ge [sflag:s25], $0xC8  }
0x3a: {  	[sflag:s25] =	ssyncset.done $0x0  }
0x3b: {  	s28 =	simm.s32 $0x3840;
	s30 =	simm.s32 $0x4;
	[sflag:s25] =	ssyncadd.s32 $0xFFFFFF38  }
0x3c: {  	[tilespmem:s28], [sflag:$0xB] =	stream.indirect.gather [hbm4b:s4+s21], $0x20, s7, s21, $0xb8;
	[tilespmem:$0xBA40] =	vst v63  }
0x3d: {  	_ =	swait.ge [sflag:s30], $0xC8  }
0x3e: {  	[sflag:s30] =	ssyncset.done $0x0  }
0x3f: {  	[sflag:s30] =	ssyncadd.s32 $0xFFFFFF38  }
0x40: {  	[tilespmem:s24], [sflag:$0xC] =	stream.indirect.gather [hbm4b:s4+s21], $0x20, s14, s21, $0xb8;
	[tilespmem:$0xBA40] =	vst v63  }
0x41: {  	s14 =	simm.s32 $0x0  }
.LBB2_2:
0x42: {  	_ =	swait.ge [sflag:s29], $0x1900  }
0x43: {  	p0 =	seq.s32 s14, $0x960;
	[sflag:s29] =	ssyncset.done $0x0  }
0x44: {  	s7 =	simm.s32 @p0 $0x5;
	[sflag:s29] =	ssyncadd.s32 $0xFFFFE700  }
0x45: {  	_ =	swait.ge @p0 [sflag:s7], $0xC8  }
0x46: {  	s23 =	simm.s32 @p0 $0xC8;
	[sflag:s7] =	ssyncset.done @p0 $0x0  }
0x47: {  	s15 =	simm.s32 @p0 $0x640;
	[sflag:s7] =	ssyncadd.s32 @p0 $0xFFFFFF38;
	s7 =	simm.s32 @p0 $0x320  }
0x48: {  	[spmem:s2] =	stream.indirect.scatter.add.f32 @p0 [tilespmem:s15], [sflag:$0xD], $0x20, s7, s23, $0xb8;
	[tilespmem:$0xBA40] =	vst v63  }
0x49: {  	s7 =	simm.s32 @p0 $0xA  }
0x4a: {  	_ =	swait.ge @p0 [sflag:s7], $0x1900  }
0x4b: {  	s15 =	sadd.s32 @!p0 s14, s17;
	[sflag:s7] =	ssyncset.done @p0 $0x0  }
0x4c: {  	s16 =	simm.s32 @!p0 $0x0;
	[sflag:s7] =	ssyncadd.s32 @p0 $0xFFFFE700;
	s7 =	sadd.s32 @!p0 $0x64, s15  }
0x4d: {  	[tilespmem:s16], [sflag:$0x1] =	stream.linear.gather @!p0 [hbm4b:s7+s16], $0xC8, $0x38;
	[tilespmem:$0xBA40] =	vst v63  }
0x4e: {  	s7 =	simm.s32 @!p0 $0x5  }
0x4f: {  	_ =	swait.ge @!p0 [sflag:s7], $0xC8  }
0x50: {  	s25 =	simm.s32 @!p0 $0x320;
	s28 =	simm.s32 @!p0 $0x640;
	[sflag:s7] =	ssyncset.done @!p0 $0x0  }
0x51: {  	s30 =	simm.s32 @!p0 $0xA;
	[sflag:s7] =	ssyncadd.s32 @!p0 $0xFFFFFF38;
	s7 =	simm.s32 @!p0 $0xC8  }
0x52: {  	[spmem:s2] =	stream.indirect.scatter.add.f32 @!p0 [tilespmem:s28], [sflag:$0xD], $0x20, s25, s7, $0xb8;
	[tilespmem:$0xBA40] =	vst v63  }
0x53: {  	_ =	swait.ge @!p0 [sflag:s30], $0x1900  }
0x54: {  	[sflag:s30] =	ssyncset.done @!p0 $0x0  }
0x55: {  	[sflag:s30] =	ssyncadd.s32 @!p0 $0xFFFFE700;
	s30 =	sadd.s32 @!p0 $0x7D, s15  }
0x56: {  	[tilespmem:s7], [sflag:$0x2] =	stream.linear.gather @!p0 [hbm4b:s30+s16], $0xC8, $0x38;
	[tilespmem:$0xBA40] =	vst v63  }
0x57: {  	_ =	swait.ge [sflag:s1], $0xC8  }
0x58: {  	[sflag:s1] =	ssyncset.done $0x0  }
0x59: {  	[sflag:s1] =	ssyncadd.s32 $0xFFFFFF38  }
0x5a: {  	[spmem:s2] =	stream.indirect.scatter.add.f32 [tilespmem:s31], [sflag:$0xE], $0x20, s22, s21, $0xb8;
	[tilespmem:$0xBA40] =	vst v63  }
0x5b: {  	_ =	swait.ge [sflag:s5], $0x1900  }
0x5c: {  	[sflag:s5] =	ssyncset.done $0x0  }
0x5d: {  	s30 =	simm.s32 @p0 $0x7;
	[sflag:s5] =	ssyncadd.s32 $0xFFFFE700  }
0x5e: {  	_ =	swait.ge @p0 [sflag:s30], $0xC8  }
0x5f: {  	[sflag:s30] =	ssyncset.done @p0 $0x0  }
0x60: {  	s0 =	simm.s32 @p0 $0x3840;
	[sflag:s30] =	ssyncadd.s32 @p0 $0xFFFFFF38;
	s30 =	simm.s32 @p0 $0x4B0  }
0x61: {  	[spmem:s2] =	stream.indirect.scatter.add.f32 @p0 [tilespmem:s0], [sflag:$0xF], $0x20, s30, s23, $0xb8;
	[tilespmem:$0xBA40] =	vst v63  }
0x62: {  	s0 =	simm.s32 @p0 $0xC  }
0x63: {  	_ =	swait.ge @p0 [sflag:s0], $0x1900  }
0x64: {  	[sflag:s0] =	ssyncset.done @p0 $0x0  }
0x65: {  	s23 =	simm.s32 @!p0 $0x190;
	[sflag:s0] =	ssyncadd.s32 @p0 $0xFFFFE700;
	s0 =	sadd.s32 @!p0 $0x96, s15  }
0x66: {  	[tilespmem:s23], [sflag:$0x3] =	stream.linear.gather @!p0 [hbm4b:s0+s16], $0xC8, $0x38;
	[tilespmem:$0xBA40] =	vst v63  }
0x67: {  	s0 =	simm.s32 @!p0 $0x7  }
0x68: {  	_ =	swait.ge @!p0 [sflag:s0], $0xC8  }
0x69: {  	s20 =	simm.s32 @!p0 $0xC;
	[sflag:s0] =	ssyncset.done @!p0 $0x0  }
0x6a: {  	s30 =	simm.s32 @!p0 $0x3840;
	[sflag:s0] =	ssyncadd.s32 @!p0 $0xFFFFFF38;
	s0 =	simm.s32 @!p0 $0x4B0  }
0x6b: {  	[spmem:s2] =	stream.indirect.scatter.add.f32 @!p0 [tilespmem:s30], [sflag:$0xF], $0x20, s0, s7, $0xb8;
	[tilespmem:$0xBA40] =	vst v63  }
0x6c: {  	_ =	swait.ge @!p0 [sflag:s20], $0x1900  }
0x6d: {  	[sflag:s20] =	ssyncset.done @!p0 $0x0  }
0x6e: {  	s9 =	simm.s32 @!p0 $0x258;
	[sflag:s20] =	ssyncadd.s32 @!p0 $0xFFFFE700;
	s20 =	sadd.s32 @!p0 $0xAF, s15  }
0x6f: {  	[tilespmem:s9], [sflag:$0x4] =	stream.linear.gather @!p0 [hbm4b:s20+s16], $0xC8, $0x38;
	[tilespmem:$0xBA40] =	vst v63  }
0x70: {  	_ =	swait.ge [sflag:s8], $0xC8  }
0x71: {  	[sflag:s8] =	ssyncset.done $0x0  }
0x72: {  	s20 =	simm.s32 @!p0 $0xD;
	[sflag:s8] =	ssyncadd.s32 $0xFFFFFF38  }
0x73: {  	[spmem:s2] =	stream.indirect.scatter.add.f32 [tilespmem:s24], [sflag:$0x10], $0x20, s26, s21, $0xb8;
	[tilespmem:$0xBA40] =	vst v63  }
0x74: {  	_ =	swait.ge @!p0 [sflag:s20], $0x1900  }
0x75: {  	[sflag:s20] =	ssyncset.done @!p0 $0x0  }
0x76: {  	[sflag:s20] =	ssyncadd.s32 @!p0 $0xFFFFE700;
	s20 =	sadd.s32 @!p0 $0x9CA4, s15  }
0x77: {  	[tilespmem:s25], [sflag:$0x5] =	stream.linear.gather @!p0 [hbm4b:s20+s16], $0xC8, $0x38;
	[tilespmem:$0xBA40] =	vst v63  }
0x78: {  	s20 =	simm.s32 @!p0 $0x1  }
0x79: {  	_ =	swait.ge @!p0 [sflag:s20], $0xC8  }
0x7a: {  	[sflag:s20] =	ssyncset.done @!p0 $0x0  }
0x7b: {  	[sflag:s20] =	ssyncadd.s32 @!p0 $0xFFFFFF38;
	s20 =	simm.s32 @!p0 $0xE  }
0x7c: {  	[tilespmem:s28], [sflag:$0x9] =	stream.indirect.gather @!p0 [hbm4b:s4+s7], $0x20, s16, s7, $0xb8;
	[tilespmem:$0xBA40] =	vst v63  }
0x7d: {  	_ =	swait.ge @!p0 [sflag:s20], $0x1900  }
0x7e: {  	[sflag:s20] =	ssyncset.done @!p0 $0x0  }
0x7f: {  	s25 =	simm.s32 @!p0 $0x3E8;
	[sflag:s20] =	ssyncadd.s32 @!p0 $0xFFFFE700;
	s20 =	sadd.s32 @!p0 $0x9CBD, s15  }
0x80: {  	[tilespmem:s25], [sflag:$0x6] =	stream.linear.gather @!p0 [hbm4b:s20+s16], $0xC8, $0x38;
	[tilespmem:$0xBA40] =	vst v63  }
0x81: {  	s20 =	simm.s32 @!p0 $0x2  }
0x82: {  	_ =	swait.ge @!p0 [sflag:s20], $0xC8  }
0x83: {  	[sflag:s20] =	ssyncset.done @!p0 $0x0  }
0x84: {  	[sflag:s20] =	ssyncadd.s32 @!p0 $0xFFFFFF38;
	s20 =	simm.s32 @!p0 $0x1F40  }
0x85: {  	[tilespmem:s20], [sflag:$0xA] =	stream.indirect.gather @!p0 [hbm4b:s4+s7], $0x20, s7, s7, $0xb8;
	[tilespmem:$0xBA40] =	vst v63  }
0x86: {  	s20 =	simm.s32 @!p0 $0xF  }
0x87: {  	_ =	swait.ge @!p0 [sflag:s20], $0x1900  }
0x88: {  	[sflag:s20] =	ssyncset.done @!p0 $0x0  }
0x89: {  	[sflag:s20] =	ssyncadd.s32 @!p0 $0xFFFFE700;
	s20 =	sadd.s32 @!p0 $0x9CD6, s15  }
0x8a: {  	[tilespmem:s0], [sflag:$0x7] =	stream.linear.gather @!p0 [hbm4b:s20+s16], $0xC8, $0x38;
	[tilespmem:$0xBA40] =	vst v63  }
0x8b: {  	s0 =	simm.s32 @!p0 $0x3  }
0x8c: {  	_ =	swait.ge @!p0 [sflag:s0], $0xC8  }
0x8d: {  	[sflag:s0] =	ssyncset.done @!p0 $0x0  }
0x8e: {  	[sflag:s0] =	ssyncadd.s32 @!p0 $0xFFFFFF38;
	s0 =	simm.s32 @!p0 $0x10  }
0x8f: {  	[tilespmem:s30], [sflag:$0xB] =	stream.indirect.gather @!p0 [hbm4b:s4+s7], $0x20, s23, s7, $0xb8;
	[tilespmem:$0xBA40] =	vst v63  }
0x90: {  	_ =	swait.ge @!p0 [sflag:s0], $0x1900  }
0x91: {  	[sflag:s0] =	ssyncset.done @!p0 $0x0  }
0x92: {  	[sflag:s0] =	ssyncadd.s32 @!p0 $0xFFFFE700;
	s0 =	sadd.s32 @!p0 $0x9CEF, s15;
	s15 =	simm.s32 @!p0 $0x578  }
0x93: {  	[tilespmem:s15], [sflag:$0x8] =	stream.linear.gather @!p0 [hbm4b:s0+s16], $0xC8, $0x38;
	[tilespmem:$0xBA40] =	vst v63  }
0x94: {  	s0 =	simm.s32 @!p0 $0x4  }
0x95: {  	_ =	swait.ge @!p0 [sflag:s0], $0xC8  }
0x96: {  	s14 =	sadd.s32 @!p0 $0x64, s14;
	[sflag:s0] =	ssyncset.done @!p0 $0x0  }
0x97: {  	p1 =	sne.s32 @!p0 s14, $0x9C4;
	[sflag:s0] =	ssyncadd.s32 @!p0 $0xFFFFFF38;
	s0 =	simm.s32 @!p0 $0x5140  }
0x98: {  	[tilespmem:s0], [sflag:$0xC] =	stream.indirect.gather @!p0 [hbm4b:s4+s7], $0x20, s9, s7, $0xb8;
	[tilespmem:$0xBA40] =	vst v63  }
0x99: {  	p0 =	por p0, !p1  }
.Ltmp0:
0x9a: {  	_ = 	snop;
	(pc) =	sbr.rel @!p0 .LBB2_2-.Ltmp0, $1  }
0x9b: {  	_ =	sdelay $0x3  }
0x9c: {  	s0 =	simm.s32 $0xD  }
0x9d: {  	_ =	swait.ge [sflag:s0], $0x1900  }
0x9e: {  	[sflag:s0] =	ssyncset.done $0x0  }
0x9f: {  	[sflag:s0] =	ssyncadd.s32 $0xFFFFE700  }
0xa0: {  	_ =	swait.ge [sflag:s10], $0x1900  }
0xa1: {  	[sflag:s10] =	ssyncset.done $0x0  }
0xa2: {  	[sflag:s10] =	ssyncadd.s32 $0xFFFFE700  }
0xa3: {  	_ =	swait.ge [sflag:s11], $0x1900  }
0xa4: {  	[sflag:s11] =	ssyncset.done $0x0  }
0xa5: {  	[sflag:s11] =	ssyncadd.s32 $0xFFFFE700  }
0xa6: {  	_ =	swait.ge [sflag:s12], $0x1900  }
0xa7: {  	[sflag:s12] =	ssyncset.done $0x0  }
0xa8: {  	[sflag:s12] =	ssyncadd.s32 $0xFFFFE700  }
0xa9: {  	[bflag:$0x0] =	sbarrier.arrive $0xFFFF  }
0xaa: {  	s28 =	rddreg [dreg:$0xe]  }
0xab: {  	[hbm:s28], [sflag:s6] =	dma.local [spmem:s18], $0xA00  }
0xac: {  	_ =	swait.ge [sflag:s19], $0xA00  }
0xad: {  	s13 =	sadd.s32 $0x1, s13;
	s30 =	rddreg [dreg:$0xd]  }
0xae: {  	p0 =	sne.s32 s13, s30  }
.Ltmp1:
0xaf: {  	_ = 	snop;
	(pc) =	sbr.rel @p0 .LBB2_1-.Ltmp1, $3  }
0xb0: {  	_ =	sdelay $0x1  }
0xb1: {  	[sflag:s19] =	ssyncset.done $0x0  }
0xb2: {  	[sflag:s19] =	ssyncadd.s32 $0xFFFFF600  }
0xb3: {  	_ =	sfence.sel $0x180000  }
0xb4: {  	[bflag:$0x0] =	sbarrier.arrive $0xFFFF  }
0xb5: {  	_ =	strace $0x9000004A  }
0xb6: {  	s0 =	stileid.u32;
	[bflag:$0x2] =	sbarrier.arrive $0xFFFF  }
0xb7: {  	p0 =	sne.s32 s0, $0x0;
	s0 =	rddreg [dreg:$0x3]  }
0xb8: {  	s0 =	sadd.s32 @!p0 $0x100000, s0  }
0xb9: {  	[sflag:s0] =	ssyncadd.tile.s32 @!p0 $0x1;
	_ =	shalt  }
.Lfunc_end2:
_tile_overlayer_lowered:
.L_overlay_start_2:
0xba: {  	(tag) =	ssettag $0x2  }
0xbb: {  	s0 =	rddreg [dreg:$0x0];
	s2 =	stileid.u32  }
0xbc: {  	s1 =	rddreg [dreg:$0x1];
	p0 =	sne.s32 s2, $0x0  }
0xbd: {  	s3 =	rddreg [dreg:$0x2];
	[bflag:$0x3] =	sbarrier.arrive $0xFFFF;
	s2 =	simm.s32 @!p0 $0x1C11  }
0xbe: {  	[timem:s3], [sflag:s2] =	dma.local @!p0 [hbm:s0], s1  }
0xbf: {  	s0 =	simm.s32 @!p0 $0x11  }
0xc0: {  	_ =	swait.ge @!p0 [sflag:s0], s1  }
0xc1: {  	s1 =	ssub.s32 @!p0 $0x0, s1;
	[sflag:s0] =	ssyncset.done @!p0 $0x0  }
0xc2: {  	[sflag:s0] =	ssyncadd.s32 @!p0 s1  }
0xc3: {  	[bflag:$0x3] =	sbarrier.arrive $0xFFFF  }
0xc4: {  	_ =	shalt  }

// kernel: kernel.7.cloned.1.call-start
scs
__scs_entry_jumppad:
0x0: {  	(pc) =	sbr.rel $0x88, $3  }
0x1: {  	(tag) =	ssettag $0x0;
	lr =	simm.s32 $0x1  }
0x2: {  	[smem:$0x3F9B] =	sst lr;
	_ =	strace $0xD0000000  }
0x3: {  	_ = 	snop  }
0x4: {  	_ = 	snop  }
0x5: {  	_ = 	snop  }
0x6: {  	_ = 	snop  }
0x7: {  	_ = 	snop  }
__scs_overlays_trampoline_lowered:
0x8: {  	[smem:$0x3FAA] =	sst s0  }
0x9: {  	[smem:$0x3FAB] =	sst s1  }
0xa: {  	[smem:$0x3FAC] =	sst s2  }
0xb: {  	[smem:$0x3FAD] =	sst s3  }
0xc: {  	[smem:$0x3FAE] =	sst s4  }
0xd: {  	[smem:$0x3FAF] =	sst s5  }
0xe: {  	[smem:$0x3FB0] =	sst s6  }
0xf: {  	[smem:$0x3FB1] =	sst s7  }
0x10: {  	[smem:$0x3FB2] =	sst s8  }
0x11: {  	[smem:$0x3FB3] =	sst s9;
	s0 =	simm.s32 @!p0 $0x0  }
0x12: {  	s1 =	sld [smem:$0x3F99];
	s0 =	simm.s32 @p0 $0x1  }
0x13: {  	[smem:$0x3FB4] =	sst s0;
	s0 =	simm.s32 @!p1 $0x0  }
0x14: {  	s2 =	sld [smem:$0x3F98];
	s0 =	simm.s32 @p1 $0x1  }
0x15: {  	[smem:$0x3FB5] =	sst s0;
	s0 =	simm.s32 @!p2 $0x0  }
0x16: {  	s3 =	sld [smem:$0x3FDB];
	s0 =	simm.s32 @p2 $0x1  }
0x17: {  	s4 =	simm.s32 $0x1BF5;
	[smem:$0x3FB7] =	sst s0  }
0x18: {  	s0 =	sld [smem:$0x3F9A];
	_ =	swait.ge [sflag:s4], $0x0  }
0x19: {  	s7 =	sld [smem:$0x3F9B]  }
0x1a: {  	s8 =	sadd.s32 $0xFFFFE003, lr  }
0x1b: {  	s9 =	sadd.s32 $0xFFFFFEF7, lr;
	s5 =	simm.s32 $0xFFFFFFFF;
	p2 =	slt.u32 s8, $0xFFFFF086  }
0x1c: {  	p1 =	slt.u32 s9, $0xF7A;
	s5 =	simm.s32 @!p2 $0x0  }
0x1d: {  	s5 =	simm.s32 @p1 $0x1;
	p0 =	seq.s32 s7, s2  }
0x1e: {  	s7 =	smul.u32 @!p0 $0xF7A, s2;
	p2 =	seq.s32 @!p0 s5, $0x0  }
0x1f: {  	s9 =	smul.u32 $0xF7A, s1;
	s8 =	simm.s32 @!p0 $0x1BF5;
	p2 =	por !p2, p0  }
0x20: {  	[sflag:s8] =	ssyncset.s32 @!p0 $0xFFFFF086;
	s6 =	sadd.s32 @!p0 s3, s7;
	s7 =	simm.s32 @!p0 $0x108  }
0x21: {  	s3 =	sadd.s32 s3, s9;
	s6 =	sadd.s32 @!p0 $0x88, s6;
	s7 =	simm.s32 @p2 $0x1082  }
0x22: {  	[simem:s7], [sflag:s8] =	dma.local @!p0 [hbm:s6], $0xF7A  }
0x23: {  	s9 =	sor.u32 $0xD0000000, s2;
	s6 =	simm.s32 $0x108;
	_ =	swait.ge @!p0 [sflag:s8], $0x0  }
0x24: {  	s3 =	sadd.s32 $0x88, s3;
	s6 =	simm.s32 @!p1 $0x1082;
	[sflag:s4] =	ssyncset.s32 $0xFFFFF086  }
0x25: {  	[simem:s6], [sflag:s4] =	dma.local [hbm:s3], $0xF7A  }
0x26: {  	[smem:$0x3F9B] =	sst s1;
	(tag) =	ssettag s2;
	_ =	strace s9  }
0x27: {  	s1 =	sld [smem:$0x3FAB]  }
0x28: {  	s2 =	sld [smem:$0x3FAC]  }
0x29: {  	s4 =	sld [smem:$0x3FAE]  }
0x2a: {  	p0 =	seq.s32 s5, $0x0;
	s5 =	sld [smem:$0x3FAF]  }
0x2b: {  	s6 =	sld [smem:$0x3FB0]  }
0x2c: {  	s7 =	sld [smem:$0x3FB1]  }
0x2d: {  	s3 =	simm.s32 $0x108;
	s8 =	sld [smem:$0x3FB2]  }
0x2e: {  	s3 =	simm.s32 @!p0 $0x1082;
	s9 =	sld [smem:$0x3FB3]  }
0x2f: {  	lr =	sadd.s32 s0, s3;
	s0 =	sld [smem:$0x3FAA]  }
0x30: {  	s3 =	sld [smem:$0x3FAD]  }
0x31: {  	[smem:$0x3FB6] =	sst s10  }
0x32: {  	s10 =	sld [smem:$0x3FB4];
	_ =	sdelay $0x3  }
0x33: {  	p0 =	seq.s32 s10, $0x1;
	s10 =	sld [smem:$0x3FB6];
	_ =	sdelay $0x3  }
0x34: {  	[smem:$0x3FB6] =	sst s10  }
0x35: {  	s10 =	sld [smem:$0x3FB5];
	_ =	sdelay $0x3  }
0x36: {  	p1 =	seq.s32 s10, $0x1;
	s10 =	sld [smem:$0x3FB6];
	_ =	sdelay $0x3  }
0x37: {  	[smem:$0x3FB6] =	sst s10  }
0x38: {  	s10 =	sld [smem:$0x3FB7]  }
0x39: {  	_ = 	snop;
	(pc) =	sbr.ind lr, $3  }
0x3a: {  	_ = 	snop  }
0x3b: {  	_ = 	snop  }
0x3c: {  	p2 =	seq.s32 s10, $0x1;
	s10 =	sld [smem:$0x3FB6]  }
0x3d: {  	_ =	shalt  }
0x3e: {  	_ =	shalt  }
0x3f: {  	_ =	shalt  }
0x40: {  	_ =	shalt  }
0x41: {  	_ =	shalt  }
0x42: {  	_ =	shalt  }
0x43: {  	_ =	shalt  }
0x44: {  	_ =	shalt  }
0x45: {  	_ =	shalt  }
0x46: {  	_ =	shalt  }
0x47: {  	_ =	shalt  }
0x48: {  	_ =	shalt  }
0x49: {  	_ =	shalt  }
0x4a: {  	_ =	shalt  }
0x4b: {  	_ =	shalt  }
0x4c: {  	_ =	shalt  }
0x4d: {  	_ =	shalt  }
0x4e: {  	_ =	shalt  }
0x4f: {  	_ =	shalt  }
0x50: {  	_ =	shalt  }
0x51: {  	_ =	shalt  }
0x52: {  	_ =	shalt  }
0x53: {  	_ =	shalt  }
0x54: {  	_ =	shalt  }
0x55: {  	_ =	shalt  }
0x56: {  	_ =	shalt  }
0x57: {  	_ =	shalt  }
0x58: {  	_ =	shalt  }
0x59: {  	_ =	shalt  }
0x5a: {  	_ =	shalt  }
0x5b: {  	_ =	shalt  }
0x5c: {  	_ =	shalt  }
0x5d: {  	_ =	shalt  }
0x5e: {  	_ =	shalt  }
0x5f: {  	_ =	shalt  }
0x60: {  	_ =	shalt  }
0x61: {  	_ =	shalt  }
0x62: {  	_ =	shalt  }
0x63: {  	_ =	shalt  }
0x64: {  	_ =	shalt  }
0x65: {  	_ =	shalt  }
0x66: {  	_ =	shalt  }
0x67: {  	_ =	shalt  }
0x68: {  	_ =	shalt  }
0x69: {  	_ =	shalt  }
0x6a: {  	_ =	shalt  }
0x6b: {  	_ =	shalt  }
0x6c: {  	_ =	shalt  }
0x6d: {  	_ =	shalt  }
0x6e: {  	_ =	shalt  }
0x6f: {  	_ =	shalt  }
0x70: {  	_ =	shalt  }
0x71: {  	_ =	shalt  }
0x72: {  	_ =	shalt  }
0x73: {  	_ =	shalt  }
0x74: {  	_ =	shalt  }
0x75: {  	_ =	shalt  }
0x76: {  	_ =	shalt  }
0x77: {  	_ =	shalt  }
0x78: {  	_ =	shalt  }
0x79: {  	_ =	shalt  }
0x7a: {  	_ =	shalt  }
0x7b: {  	_ =	shalt  }
0x7c: {  	_ =	shalt  }
0x7d: {  	_ =	shalt  }
0x7e: {  	_ =	shalt  }
0x7f: {  	_ =	shalt  }
0x80: {  	_ =	shalt  }
0x81: {  	_ =	shalt  }
0x82: {  	_ =	shalt  }
0x83: {  	_ =	shalt  }
0x84: {  	_ =	shalt  }
0x85: {  	_ =	shalt  }
0x86: {  	_ =	shalt  }
0x87: {  	_ =	shalt  }
.Lfunc_end0:
.L_simem_size_0:
called_computation_lowered:
.L_overlay_start_0:
0x88: {  	s2 =	sld [smem:$0x3FD9]  }
0x89: {  	s3 =	sld [smem:$0x3FFE];
	_ =	sdelay $0x1  }
0x8a: {  	s1 =	srdreg.scid  }
0x8b: {  	s0 =	sand.u32 $0x1, s1  }
0x8c: {  	s17 =	sshll.u32 s0, $0xA;
	s2 =	sadd.s32 s3, s2  }
0x8d: {  	s2 =	sadd.s32 s2, s17  }
0x8e: {  	[smem:$0x3FC2] =	sst s2  }
0x8f: {  	_ = 	snop  }
0x90: {  	s2 =	sld [smem:$0x3FD0];
	(tm) =	ssettm $0x1  }
0x91: {  	s18 =	sld [smem:$0x3FFB];
	_ =	sdelay $0x3  }
0x92: {  	_ =	strace s18  }
0x93: {  	s3 =	sld [smem:$0x3FFC];
	_ =	sdelay $0x3  }
0x94: {  	_ =	strace s3  }
0x95: {  	s3 =	sld [smem:$0x3FFD];
	_ =	sdelay $0x3  }
0x96: {  	_ =	strace s3  }
0x97: {  	_ =	strace $0x8FFFFFFF  }
0x98: {  	s19 =	sld [smem:$0x3FDB];
	_ =	sdelay $0x1  }
0x99: {  	s4 =	simm.s32 $_scs_section_size  }
0x9a: {  	s5 =	simm.s32 $_size__tile_overlayer_lowered;
	s6 =	simm.s32 $_tile_overlayer_lowered  }
0x9b: {  	s22 =	simm.s32 $0x1BFF;
	s21 =	sshll.u32 s6, $0x1;
	s3 =	sadd.s32 s4, s19  }
0x9c: {  	s7 =	simm.s32 $0x0;
	s20 =	sshll.u32 s5, $0x1;
	s5 =	sadd.s32 s21, s3  }
0x9d: {  	[timem:s7], [sflag:s22] =	dma.local [hbm:s5], s20  }
0x9e: {  	_ =	swait.ge [sflag:s22], s20  }
0x9f: {  	s4 =	ssub.s32 $0x0, s20;
	[sflag:s22] =	ssyncset.done $0x0  }
0xa0: {  	[sflag:s22] =	ssyncadd.s32 s4;
	_ =	sdelay $0x1  }
0xa1: {  	s23 =	simm.s32 $0x1B8B  }
0xa2: {  	_ =	swait.ge [sflag:s23], $0x1  }
0xa3: {  	[sflag:s23] =	ssyncset.done $0x0  }
0xa4: {  	s25 =	simm.s32 $0x1B8E;
	s24 =	sld [smem:$0x3FFE];
	[sflag:s23] =	ssyncadd.s32 $0xFFFFFFFF  }
0xa5: {  	s26 =	simm.s32 $execute0_lowered;
	[smem:$0x3FD2] =	sst s25  }
0xa6: {  	s5 =	sshll.u32 s26, $0x1;
	_ =	strace $0x80000046;
	[dreg:$0x1] =	wrdreg $0xFFFFFFFF  }
0xa7: {  	s28 =	simm.s32 $_size_execute0_lowered;
	s3 =	sadd.s32 s3, s5;
	[dreg:$0x0] =	wrdreg $0x0  }
0xa8: {  	s5 =	sshll.u32 s28, $0x1;
	[dreg:$0x2] =	wrdreg s3  }
0xa9: {  	[dreg:$0x3] =	wrdreg s5  }
0xaa: {  	[dreg:$0x4] =	wrdreg $0xC0  }
0xab: {  	_ =	task [dreg:s7], $0x5FFFF  }
0xac: {  	[dreg:$0x1] =	wrdreg $0xFFFFFFFF  }
0xad: {  	[dreg:$0x0] =	wrdreg $0x60  }
0xae: {  	[dreg:$0x2] =	wrdreg s2  }
0xaf: {  	[dreg:$0x3] =	wrdreg s24  }
0xb0: {  	[dreg:$0x4] =	wrdreg $0xCE400  }
0xb1: {  	[dreg:$0x5] =	wrdreg $0x174800  }
0xb2: {  	[dreg:$0x6] =	wrdreg $0x9  }
0xb3: {  	_ =	task.clear_ibuf [dreg:s7], $0x7FFFF;
	_ =	strace $0x90000046  }
0xb4: {  	s29 =	simm.s32 $0x9;
	_ =	strace $0x80000048  }
0xb5: {  	_ =	swait.ge [sflag:s29], $0x1  }
0xb6: {  	[sflag:s29] =	ssyncadd.s32 $0xFFFFFFFF  }
0xb7: {  	_ =	strace $0x90000048  }
0xb8: {  	_ =	sfence  }
0xb9: {  	s30 =	sld [smem:$0x0];
	_ =	sdelay $0x2  }
0xba: {  	s31 =	sshll.u32 s1, $0xD;
	s1 =	sshrl.u32 s1, $0x2  }
0xbb: {  	s3 =	sand.u32 $0x4000, s31;
	s1 =	sadd.s32 s1, s30  }
0xbc: {  	s0 =	sor.u32 s3, s0;
	s1 =	sshll.u32 s1, $0x11  }
0xbd: {  	s0 =	sor.u32 s1, s0  }
0xbe: {  	s0 =	sadd.s32 $0x8F2B, s0  }
0xbf: {  	[sflag:s0] =	ssyncadd.remote.s32 $0x1  }
0xc0: {  	_ =	sfence.sel $0xFFFF  }
0xc1: {  	[dreg:$0x0] =	wrdreg $0xFFFFFFFF;
	(pc) =	sbr.abs _section_cstart, $3  }
0xc2: {  	[dreg:$0x1] =	wrdreg $0xFFFFFFFF  }
0xc3: {  	_ =	task.clear_ibuf [dreg:s7], $0x2FFFF;
	_ =	strace $0x9FFFFFFF  }
0xc4: {  	(tm) =	ssettm $0x7FFFFFFF  }
0xc5: {  	_ =	shalt  }
tec
execute0_lowered:
.L_overlay_start_1:
0x0: {  	(tag) =	ssettag $0x1  }
0x1: {  	s0 =	rddreg [dreg:$0x0]  }
0x2: {  	s1 =	rddreg [dreg:$0x1]  }
0x3: {  	s2 =	rddreg [dreg:$0x2]  }
0x4: {  	s3 =	rddreg [dreg:$0x3];
	s4 =	stileid.u32;
	s6 =	simm.s32 $0x0  }
0x5: {  	s8 =	srdreg.scid;
	s28 =	simm.s32 $0xC8;
	s29 =	simm.s32 $0x3E8  }
0x6: {  	s31 =	simm.s32 $0x4B0;
	s5 =	smul.u32 $0xA000, s4;
	[smem:$0x7FF] =	sst s6  }
0x7: {  	s30 =	smul.u32 $0x1400, s4;
	s8 =	sand.u32 $0x1, s8;
	s12 =	sadd.s32 $0x40C00, s1  }
0x8: {  	s14 =	sadd.s32 $0x59E00, s1;
	s15 =	sadd.s32 $0x45E00, s1;
	s16 =	sadd.s32 $0x43600, s1  }
0x9: {  	s18 =	sadd.s32 $0x40E00, s1;
	s19 =	sshll.u32 s4, $0x6;
	_ =	strace $0x80000047  }
0xa: {  	[dreg:$0x5] =	wrdreg s12;
	s17 =	ssub.s32 $0x2, s8;
	s23 =	sor.u32 $0x1C11, s19  }
0xb: {  	p0 =	seq.s32 s8, $0x0;
	p1 =	sne.s32 s8, $0x0;
	s7 =	sshrl.u32 s5, $0x3  }
0xc: {  	s10 =	sshrl.u32 s30, $0x3;
	s13 =	sshrl.u32 s17, $0x1;
	s5 =	sadd.s32 s5, s2  }
0xd: {  	s20 =	sadd.s32 s30, s3;
	s14 =	smov.u32 @p1 s15;
	s16 =	smov.u32 @p1 s18  }
0xe: {  	s15 =	simm.s32 $0x9;
	[dreg:$0x8] =	wrdreg s23;
	s9 =	sadd.s32 s7, s1  }
0xf: {  	s11 =	sadd.s32 s10, s1;
	s12 =	ssub.s32 s17, s13;
	[dreg:$0x6] =	wrdreg s5  }
0x10: {  	s17 =	smul.u32 $0x4E20, s4;
	[dreg:$0x9] =	wrdreg s20;
	s9 =	sadd.s32 $0x2A400, s9  }
0x11: {  	s18 =	simm.s32 $0xA;
	s21 =	sadd.s32 $0x3E400, s11;
	[dreg:$0x7] =	wrdreg s9  }
0x12: {  	[dreg:$0xa] =	wrdreg s21;
	s22 =	sshrl.u32 s17, $0x3;
	s24 =	sadd.s32 $0xC8, s17  }
0x13: {  	s9 =	simm.s32 $0x16A00;
	s30 =	sadd.s32 $0x4E2C8, s17;
	s6 =	sshrl.u32 s24, $0x3  }
0x14: {  	s25 =	sadd.s32 s0, s22;
	s9 =	simm.s32 @!p0 $0x3000;
	s5 =	sshrl.u32 s30, $0x3  }
0x15: {  	s30 =	sadd.s32 s14, s7;
	s7 =	simm.s32 $0x3840;
	s14 =	simm.s32 $0x9C40  }
0x16: {  	s26 =	sadd.s32 s0, s6;
	s13 =	sadd.s32 s9, s1;
	[dreg:$0xb] =	wrdreg s25  }
0x17: {  	s6 =	sadd.s32 $0x258, s17;
	s9 =	sadd.s32 $0x4E458, s17;
	[dreg:$0x15] =	wrdreg s30  }
0x18: {  	s17 =	smul.u32 $0x9C4, s4;
	s19 =	sadd.s32 s0, s5;
	[dreg:$0xc] =	wrdreg s26  }
0x19: {  	s21 =	sadd.s32 $0x9C40, s25;
	s22 =	sadd.s32 $0x32, s25;
	[dreg:$0xd] =	wrdreg s19  }
0x1a: {  	s24 =	sadd.s32 $0x9C72, s25;
	s25 =	smax.u32 s12, $0x1;
	[dreg:$0x10] =	wrdreg s21  }
0x1b: {  	s5 =	simm.s32 $0x640;
	s4 =	simm.s32 $0x0;
	[dreg:$0x11] =	wrdreg s22  }
0x1c: {  	s1 =	sshrl.u32 s6, $0x3;
	s6 =	sshrl.u32 s9, $0x3;
	[dreg:$0x12] =	wrdreg s24  }
0x1d: {  	[dreg:$0x13] =	wrdreg s25;
	s26 =	sadd.s32 s16, s10;
	s10 =	simm.s32 $0x6A40  }
0x1e: {  	s16 =	simm.s32 $0x5;
	s19 =	simm.s32 $0x6;
	s21 =	simm.s32 $0x7  }
0x1f: {  	s22 =	simm.s32 $0xC;
	s24 =	simm.s32 $0x8;
	s1 =	sadd.s32 s0, s1  }
0x20: {  	s20 =	sadd.s32 s0, s6;
	s17 =	sadd.s32 s17, s0;
	[dreg:$0x14] =	wrdreg s26  }
0x21: {  	s6 =	simm.s32 $0x11;
	s26 =	simm.s32 $0x320;
	[dreg:$0xe] =	wrdreg s1  }
0x22: {  	[dreg:$0xf] =	wrdreg s20;
	s1 =	simm.s32 $0x578;
	s20 =	simm.s32 $0xB  }
.LBB2_1:
0x23: {  	[dreg:$0x16] =	wrdreg s4  }
0x24: {  	s0 =	rddreg [dreg:$0x6]  }
0x25: {  	s9 =	rddreg [dreg:$0x7];
	s8 =	sshrl.u32 s0, $0x3  }
0x26: {  	[dreg:$0x17] =	wrdreg s8  }
0x27: {  	[spmem:s8], [sflag:s23] =	dma.local [hbm:s9], $0x1400  }
0x28: {  	_ =	swait.ge [sflag:s6], $0x1400  }
0x29: {  	s11 =	rddreg [dreg:$0x9]  }
0x2a: {  	[sflag:s6] =	ssyncset.done $0x0;
	s25 =	rddreg [dreg:$0xa];
	s12 =	sshrl.u32 s11, $0x3  }
0x2b: {  	[sflag:s6] =	ssyncadd.s32 $0xFFFFEC00;
	[dreg:$0x18] =	wrdreg s12  }
0x2c: {  	[spmem:s12], [sflag:s23] =	dma.local [hbm:s25], $0x280  }
0x2d: {  	_ =	swait.ge [sflag:s6], $0x280  }
0x2e: {  	s0 =	simm.s32 $0x0;
	[sflag:s6] =	ssyncset.done $0x0  }
0x2f: {  	s8 =	simm.s32 $0x16E40;
	s30 =	rddreg [dreg:$0x5];
	[sflag:s6] =	ssyncadd.s32 $0xFFFFFD80  }
0x30: {  	[tilespmem:s8], [sflag:$0x11] =	stream.linear.gather [hbm4b:s30+s0], $0x640, $0x38;
	[tilespmem:$0x18880] =	vst v63  }
0x31: {  	_ =	swait.ge [sflag:s6], $0x640  }
0x32: {  	[sflag:s6] =	ssyncset.done $0x0  }
0x33: {  	[sflag:s6] =	ssyncadd.s32 $0xFFFFF9C0  }
0x34: {  	[bflag:$0x0] =	sbarrier.arrive $0xFFFF  }
0x35: {  	s9 =	rddreg [dreg:$0xb]  }
0x36: {  	[tilespmem:s0], [sflag:$0x1] =	stream.linear.gather [hbm4b:s9+s0], $0xC8, $0x38;
	[tilespmem:$0x18880] =	vst v63  }
0x37: {  	s11 =	rddreg [dreg:$0x10]  }
0x38: {  	[tilespmem:s26], [sflag:$0x5] =	stream.linear.gather [hbm4b:s11+s0], $0xC8, $0x38;
	[tilespmem:$0x18880] =	vst v63  }
0x39: {  	s12 =	rddreg [dreg:$0xc]  }
0x3a: {  	[tilespmem:s28], [sflag:$0x2] =	stream.linear.gather [hbm4b:s12+s0], $0xC8, $0x38;
	[tilespmem:$0x18880] =	vst v63  }
0x3b: {  	s23 =	rddreg [dreg:$0xd]  }
0x3c: {  	[tilespmem:s29], [sflag:$0x6] =	stream.linear.gather [hbm4b:s23+s0], $0xC8, $0x38;
	[tilespmem:$0x18880] =	vst v63  }
0x3d: {  	s6 =	simm.s32 $0x190;
	s25 =	rddreg [dreg:$0x11]  }
0x3e: {  	[tilespmem:s6], [sflag:$0x3] =	stream.linear.gather [hbm4b:s25+s0], $0xC8, $0x38;
	[tilespmem:$0x18880] =	vst v63  }
0x3f: {  	s30 =	rddreg [dreg:$0x12]  }
0x40: {  	[tilespmem:s31], [sflag:$0x7] =	stream.linear.gather [hbm4b:s30+s0], $0xC8, $0x38;
	[tilespmem:$0x18880] =	vst v63  }
0x41: {  	s8 =	rddreg [dreg:$0xe];
	s9 =	simm.s32 $0x258  }
0x42: {  	[tilespmem:s9], [sflag:$0x4] =	stream.linear.gather [hbm4b:s8+s0], $0xC8, $0x38;
	[tilespmem:$0x18880] =	vst v63  }
0x43: {  	s11 =	rddreg [dreg:$0xf];
	s12 =	simm.s32 $0x1  }
0x44: {  	[tilespmem:s1], [sflag:$0x8] =	stream.linear.gather [hbm4b:s11+s0], $0xC8, $0x38;
	[tilespmem:$0x18880] =	vst v63  }
0x45: {  	_ =	swait.ge [sflag:s12], $0xC8  }
0x46: {  	[sflag:s12] =	ssyncset.done $0x0  }
0x47: {  	s23 =	simm.s32 $0x2;
	[sflag:s12] =	ssyncadd.s32 $0xFFFFFF38  }
0x48: {  	[tilespmem:s5], [sflag:$0x9] =	stream.indirect.gather [hbm4b:s13+s28], $0x40, s0, s28, $0xb8;
	[tilespmem:$0x18880] =	vst v63  }
0x49: {  	_ =	swait.ge [sflag:s23], $0xC8  }
0x4a: {  	[sflag:s23] =	ssyncset.done $0x0  }
0x4b: {  	s25 =	simm.s32 $0x3;
	[sflag:s23] =	ssyncadd.s32 $0xFFFFFF38  }
0x4c: {  	[tilespmem:s7], [sflag:$0xA] =	stream.indirect.gather [hbm4b:s13+s28], $0x40, s28, s28, $0xb8;
	[tilespmem:$0x18880] =	vst v63  }
0x4d: {  	_ =	swait.ge [sflag:s25], $0xC8  }
0x4e: {  	[sflag:s25] =	ssyncset.done $0x0  }
0x4f: {  	s30 =	simm.s32 $0x4;
	[sflag:s25] =	ssyncadd.s32 $0xFFFFFF38  }
0x50: {  	[tilespmem:s10], [sflag:$0xB] =	stream.indirect.gather [hbm4b:s13+s28], $0x40, s6, s28, $0xb8;
	[tilespmem:$0x18880] =	vst v63  }
0x51: {  	_ =	swait.ge [sflag:s30], $0xC8  }
0x52: {  	[sflag:s30] =	ssyncset.done $0x0  }
0x53: {  	[sflag:s30] =	ssyncadd.s32 $0xFFFFFF38  }
0x54: {  	[tilespmem:s14], [sflag:$0xC] =	stream.indirect.gather [hbm4b:s13+s28], $0x40, s9, s28, $0xb8;
	[tilespmem:$0x18880] =	vst v63  }
0x55: {  	s6 =	simm.s32 $0x0;
	s9 =	simm.s32 $0x0  }
.LBB2_2:
0x56: {  	_ =	swait.ge [sflag:s15], $0x3200;
	p2 =	seq.s32 s6, $0x960  }
0x57: {  	p3 =	sgt.u32 s9, $0xC;
	[sflag:s15] =	ssyncset.done $0x0;
	s12 =	sadd.s32 @!p2 s6, s17  }
0x58: {  	s30 =	simm.s32 @!p2 $0x0;
	[sflag:s15] =	ssyncadd.s32 $0xFFFFCE00;
	s8 =	sadd.s32 @!p2 $0x64, s12  }
0x59: {  	[tilespmem:s30], [sflag:$0x1] =	stream.linear.gather @!p2 [hbm4b:s8+s30], $0xC8, $0x38;
	[tilespmem:$0x18880] =	vst v63  }
0x5a: {  	s4 =	simm.s32 $0x1;
	s8 =	simm.s32 $0x1;
	_ =	swait.ge [sflag:s16], $0xC8  }
0x5b: {  	s4 =	simm.s32 @!p0 $0x0;
	s8 =	simm.s32 @!p3 $0x0;
	[sflag:s16] =	ssyncset.done $0x0  }
0x5c: {  	p4 =	seq.s32 s4, s8;
	[sflag:s16] =	ssyncadd.s32 $0xFFFFFF38  }
0x5d: {  	[spmem:s2] =	stream.indirect.scatter.add.f32 [tilespmem:s5], [sflag:$0xD], $0x40, s26, s28, $0xb8;
	[tilespmem:$0x18880] =	vst v63  }
0x5e: {  	s8 =	simm.s32 @!p4 $0xC8;
	s11 =	simm.s32 @!p4 $0x320;
	s25 =	simm.s32 @!p4 $0x16E40  }
0x5f: {  	[spmem:s3] =	stream.indirect.scatter.add.f32 @!p4 [tilespmem:s25], [sflag:$0xD], $0x8, s11, s8, $0xb8;
	[tilespmem:$0x18880] =	vst v63  }
0x60: {  	_ =	swait.ge [sflag:s18], $0x3200  }
0x61: {  	[sflag:s18] =	ssyncset.done $0x0  }
0x62: {  	s8 =	sadd.s32 @!p2 $0x7D, s12;
	s11 =	simm.s32 @!p2 $0xC8;
	[sflag:s18] =	ssyncadd.s32 $0xFFFFCE00  }
0x63: {  	[tilespmem:s11], [sflag:$0x2] =	stream.linear.gather @!p2 [hbm4b:s8+s30], $0xC8, $0x38;
	[tilespmem:$0x18880] =	vst v63  }
0x64: {  	_ =	swait.ge [sflag:s19], $0xC8  }
0x65: {  	p4 =	por !p3, !p3;
	[sflag:s19] =	ssyncset.done $0x0  }
0x66: {  	p4 =	por @!p0 p3, p3;
	[sflag:s19] =	ssyncadd.s32 $0xFFFFFF38  }
0x67: {  	[spmem:s2] =	stream.indirect.scatter.add.f32 [tilespmem:s7], [sflag:$0xE], $0x40, s29, s28, $0xb8;
	[tilespmem:$0x18880] =	vst v63  }
0x68: {  	s25 =	simm.s32 @p4 $0x3E8;
	s23 =	simm.s32 @p4 $0x16E40;
	s8 =	simm.s32 @p4 $0xC8  }
0x69: {  	[spmem:s3] =	stream.indirect.scatter.add.f32 @p4 [tilespmem:s23], [sflag:$0xE], $0x8, s25, s8, $0xb8;
	[tilespmem:$0x18880] =	vst v63  }
0x6a: {  	_ =	swait.ge [sflag:s20], $0x3200  }
0x6b: {  	[sflag:s20] =	ssyncset.done $0x0  }
0x6c: {  	s8 =	sadd.s32 @!p2 $0x96, s12;
	s25 =	simm.s32 @!p2 $0x190;
	[sflag:s20] =	ssyncadd.s32 $0xFFFFCE00  }
0x6d: {  	[tilespmem:s25], [sflag:$0x3] =	stream.linear.gather @!p2 [hbm4b:s8+s30], $0xC8, $0x38;
	[tilespmem:$0x18880] =	vst v63  }
0x6e: {  	p5 =	sgt.u32 s9, $0xB;
	s8 =	simm.s32 $0x1;
	_ =	swait.ge [sflag:s21], $0xC8  }
0x6f: {  	s8 =	simm.s32 @!p5 $0x0;
	[sflag:s21] =	ssyncset.done $0x0  }
0x70: {  	p3 =	seq.s32 s4, s8;
	[sflag:s21] =	ssyncadd.s32 $0xFFFFFF38  }
0x71: {  	[spmem:s2] =	stream.indirect.scatter.add.f32 [tilespmem:s10], [sflag:$0xF], $0x40, s31, s28, $0xb8;
	[tilespmem:$0x18880] =	vst v63  }
0x72: {  	s4 =	simm.s32 @!p3 $0xC8;
	s8 =	simm.s32 @!p3 $0x4B0;
	s23 =	simm.s32 @!p3 $0x16E40  }
0x73: {  	[spmem:s3] =	stream.indirect.scatter.add.f32 @!p3 [tilespmem:s23], [sflag:$0xF], $0x8, s8, s4, $0xb8;
	[tilespmem:$0x18880] =	vst v63  }
0x74: {  	_ =	swait.ge [sflag:s22], $0x3200  }
0x75: {  	[sflag:s22] =	ssyncset.done $0x0  }
0x76: {  	s4 =	sadd.s32 @!p2 $0xAF, s12;
	s8 =	simm.s32 @!p2 $0x258;
	[sflag:s22] =	ssyncadd.s32 $0xFFFFCE00  }
0x77: {  	[tilespmem:s8], [sflag:$0x4] =	stream.linear.gather @!p2 [hbm4b:s4+s30], $0xC8, $0x38;
	[tilespmem:$0x18880] =	vst v63  }
0x78: {  	_ =	swait.ge [sflag:s24], $0xC8  }
0x79: {  	p3 =	por !p5, !p5;
	[sflag:s24] =	ssyncset.done $0x0  }
0x7a: {  	p3 =	por @!p0 p5, p5;
	[sflag:s24] =	ssyncadd.s32 $0xFFFFFF38  }
0x7b: {  	[spmem:s2] =	stream.indirect.scatter.add.f32 [tilespmem:s14], [sflag:$0x10], $0x40, s1, s28, $0xb8;
	[tilespmem:$0x18880] =	vst v63  }
0x7c: {  	s23 =	simm.s32 @p3 $0x578;
	s0 =	simm.s32 @p3 $0x16E40;
	s4 =	simm.s32 @p3 $0xC8  }
0x7d: {  	[spmem:s3] =	stream.indirect.scatter.add.f32 @p3 [tilespmem:s0], [sflag:$0x10], $0x8, s23, s4, $0xb8;
	[tilespmem:$0x18880] =	vst v63  }
0x7e: {  	s0 =	simm.s32 @!p2 $0xD  }
0x7f: {  	_ =	swait.ge @!p2 [sflag:s0], $0x3200  }
0x80: {  	p4 =	por !p4, p2;
	[sflag:s0] =	ssyncset.done @!p2 $0x0  }
0x81: {  	[sflag:s0] =	ssyncadd.s32 @!p2 $0xFFFFCE00;
	s0 =	simm.s32 @!p4 $0xD  }
0x82: {  	_ =	swait.ge @!p4 [sflag:s0], $0x640  }
0x83: {  	[sflag:s0] =	ssyncset.done @!p4 $0x0  }
0x84: {  	s4 =	simm.s32 @!p2 $0x320;
	[sflag:s0] =	ssyncadd.s32 @!p4 $0xFFFFF9C0;
	s0 =	sadd.s32 @!p2 $0x9CA4, s12  }
0x85: {  	[tilespmem:s4], [sflag:$0x5] =	stream.linear.gather @!p2 [hbm4b:s0+s30], $0xC8, $0x38;
	[tilespmem:$0x18880] =	vst v63  }
0x86: {  	s0 =	simm.s32 @!p2 $0x1  }
0x87: {  	_ =	swait.ge @!p2 [sflag:s0], $0xC8  }
0x88: {  	[sflag:s0] =	ssyncset.done @!p2 $0x0  }
0x89: {  	[sflag:s0] =	ssyncadd.s32 @!p2 $0xFFFFFF38;
	s0 =	simm.s32 @!p2 $0x640  }
0x8a: {  	[tilespmem:s0], [sflag:$0x9] =	stream.indirect.gather @!p2 [hbm4b:s13+s11], $0x40, s30, s11, $0xb8;
	[tilespmem:$0x18880] =	vst v63  }
0x8b: {  	s0 =	simm.s32 @!p2 $0xE  }
0x8c: {  	_ =	swait.ge @!p2 [sflag:s0], $0x3200  }
0x8d: {  	[sflag:s0] =	ssyncset.done @!p2 $0x0  }
0x8e: {  	[sflag:s0] =	ssyncadd.s32 @!p2 $0xFFFFCE00;
	s0 =	simm.s32 @!p4 $0xE  }
0x8f: {  	_ =	swait.ge @!p4 [sflag:s0], $0x640  }
0x90: {  	[sflag:s0] =	ssyncset.done @!p4 $0x0  }
0x91: {  	s4 =	simm.s32 @!p2 $0x3E8;
	[sflag:s0] =	ssyncadd.s32 @!p4 $0xFFFFF9C0;
	s0 =	sadd.s32 @!p2 $0x9CBD, s12  }
0x92: {  	[tilespmem:s4], [sflag:$0x6] =	stream.linear.gather @!p2 [hbm4b:s0+s30], $0xC8, $0x38;
	[tilespmem:$0x18880] =	vst v63  }
0x93: {  	s0 =	simm.s32 @!p2 $0x2  }
0x94: {  	_ =	swait.ge @!p2 [sflag:s0], $0xC8  }
0x95: {  	[sflag:s0] =	ssyncset.done @!p2 $0x0  }
0x96: {  	[sflag:s0] =	ssyncadd.s32 @!p2 $0xFFFFFF38;
	s0 =	simm.s32 @!p2 $0x3840  }
0x97: {  	[tilespmem:s0], [sflag:$0xA] =	stream.indirect.gather @!p2 [hbm4b:s13+s11], $0x40, s11, s11, $0xb8;
	[tilespmem:$0x18880] =	vst v63  }
0x98: {  	s0 =	simm.s32 @!p2 $0xF  }
0x99: {  	_ =	swait.ge @!p2 [sflag:s0], $0x3200  }
0x9a: {  	p3 =	por !p3, p2;
	[sflag:s0] =	ssyncset.done @!p2 $0x0  }
0x9b: {  	[sflag:s0] =	ssyncadd.s32 @!p2 $0xFFFFCE00;
	s0 =	simm.s32 @!p3 $0xF  }
0x9c: {  	_ =	swait.ge @!p3 [sflag:s0], $0x640  }
0x9d: {  	[sflag:s0] =	ssyncset.done @!p3 $0x0  }
0x9e: {  	s4 =	simm.s32 @!p2 $0x4B0;
	[sflag:s0] =	ssyncadd.s32 @!p3 $0xFFFFF9C0;
	s0 =	sadd.s32 @!p2 $0x9CD6, s12  }
0x9f: {  	[tilespmem:s4], [sflag:$0x7] =	stream.linear.gather @!p2 [hbm4b:s0+s30], $0xC8, $0x38;
	[tilespmem:$0x18880] =	vst v63  }
0xa0: {  	s0 =	simm.s32 @!p2 $0x3  }
0xa1: {  	_ =	swait.ge @!p2 [sflag:s0], $0xC8  }
0xa2: {  	[sflag:s0] =	ssyncset.done @!p2 $0x0  }
0xa3: {  	[sflag:s0] =	ssyncadd.s32 @!p2 $0xFFFFFF38;
	s0 =	simm.s32 @!p2 $0x6A40  }
0xa4: {  	[tilespmem:s0], [sflag:$0xB] =	stream.indirect.gather @!p2 [hbm4b:s13+s11], $0x40, s25, s11, $0xb8;
	[tilespmem:$0x18880] =	vst v63  }
0xa5: {  	s0 =	simm.s32 @!p2 $0x10  }
0xa6: {  	_ =	swait.ge @!p2 [sflag:s0], $0x3200  }
0xa7: {  	[sflag:s0] =	ssyncset.done @!p2 $0x0  }
0xa8: {  	[sflag:s0] =	ssyncadd.s32 @!p2 $0xFFFFCE00;
	s0 =	simm.s32 @!p3 $0x10  }
0xa9: {  	_ =	swait.ge @!p3 [sflag:s0], $0x640  }
0xaa: {  	s6 =	sadd.s32 @!p2 $0x64, s6;
	s4 =	simm.s32 @!p2 $0x578;
	[sflag:s0] =	ssyncset.done @!p3 $0x0  }
0xab: {  	[sflag:s0] =	ssyncadd.s32 @!p3 $0xFFFFF9C0;
	s0 =	sadd.s32 @!p2 $0x9CEF, s12;
	p3 =	sne.s32 @!p2 s6, $0x9C4  }
0xac: {  	[tilespmem:s4], [sflag:$0x8] =	stream.linear.gather @!p2 [hbm4b:s0+s30], $0xC8, $0x38;
	[tilespmem:$0x18880] =	vst v63  }
0xad: {  	p3 =	por p2, !p3  }
.Ltmp0:
0xae: {  	s0 =	simm.s32 @!p2 $0x4;
	(pc) =	sbr.rel @!p3 .LBB2_2-.Ltmp0, $4  }
0xaf: {  	_ =	swait.ge @!p2 [sflag:s0], $0xC8  }
0xb0: {  	[sflag:s0] =	ssyncset.done @!p2 $0x0  }
0xb1: {  	s9 =	sadd.s32 @!p2 $0x1, s9;
	[sflag:s0] =	ssyncadd.s32 @!p2 $0xFFFFFF38;
	s0 =	simm.s32 @!p2 $0x9C40  }
0xb2: {  	[tilespmem:s0], [sflag:$0xC] =	stream.indirect.gather @!p2 [hbm4b:s13+s11], $0x40, s8, s11, $0xb8;
	[tilespmem:$0x18880] =	vst v63  }
0xb3: {  	s0 =	simm.s32 $0xD  }
0xb4: {  	_ =	swait.ge [sflag:s0], $0x3200  }
0xb5: {  	[sflag:s0] =	ssyncset.done $0x0  }
0xb6: {  	[sflag:s0] =	ssyncadd.s32 $0xFFFFCE00;
	s0 =	simm.s32 @p1 $0xD  }
0xb7: {  	_ =	swait.ge @p1 [sflag:s0], $0x640  }
0xb8: {  	[sflag:s0] =	ssyncset.done @p1 $0x0  }
0xb9: {  	[sflag:s0] =	ssyncadd.s32 @p1 $0xFFFFF9C0;
	s0 =	simm.s32 @p1 $0xE  }
0xba: {  	_ =	swait.ge @p1 [sflag:s0], $0x3200  }
0xbb: {  	[sflag:s0] =	ssyncset.done @p1 $0x0  }
0xbc: {  	[sflag:s0] =	ssyncadd.s32 @p1 $0xFFFFCE00  }
0xbd: {  	_ =	swait.ge @p1 [sflag:s0], $0x640  }
0xbe: {  	[sflag:s0] =	ssyncset.done @p1 $0x0  }
0xbf: {  	[sflag:s0] =	ssyncadd.s32 @p1 $0xFFFFF9C0;
	s0 =	simm.s32 @p1 $0xF  }
0xc0: {  	_ =	swait.ge @p1 [sflag:s0], $0x3200  }
0xc1: {  	[sflag:s0] =	ssyncset.done @p1 $0x0  }
0xc2: {  	[sflag:s0] =	ssyncadd.s32 @p1 $0xFFFFCE00  }
0xc3: {  	_ =	swait.ge @p1 [sflag:s0], $0x640  }
0xc4: {  	[sflag:s0] =	ssyncset.done @p1 $0x0  }
0xc5: {  	[sflag:s0] =	ssyncadd.s32 @p1 $0xFFFFF9C0;
	s0 =	simm.s32 @p1 $0x10  }
0xc6: {  	_ =	swait.ge @p1 [sflag:s0], $0x3200  }
0xc7: {  	[sflag:s0] =	ssyncset.done @p1 $0x0  }
0xc8: {  	[sflag:s0] =	ssyncadd.s32 @p1 $0xFFFFCE00  }
0xc9: {  	_ =	swait.ge @p1 [sflag:s0], $0x640  }
0xca: {  	[sflag:s0] =	ssyncset.done @p1 $0x0  }
0xcb: {  	[sflag:s0] =	ssyncadd.s32 @p1 $0xFFFFF9C0;
	s0 =	simm.s32 @!p1 $0xE  }
0xcc: {  	_ =	swait.ge @!p1 [sflag:s0], $0x3200  }
0xcd: {  	[sflag:s0] =	ssyncset.done @!p1 $0x0  }
0xce: {  	[sflag:s0] =	ssyncadd.s32 @!p1 $0xFFFFCE00;
	s0 =	simm.s32 @!p1 $0xF  }
0xcf: {  	_ =	swait.ge @!p1 [sflag:s0], $0x3200  }
0xd0: {  	[sflag:s0] =	ssyncset.done @!p1 $0x0  }
0xd1: {  	[sflag:s0] =	ssyncadd.s32 @!p1 $0xFFFFCE00;
	s0 =	simm.s32 @!p1 $0x10  }
0xd2: {  	_ =	swait.ge @!p1 [sflag:s0], $0x3200  }
0xd3: {  	[sflag:s0] =	ssyncset.done @!p1 $0x0  }
0xd4: {  	[sflag:s0] =	ssyncadd.s32 @!p1 $0xFFFFCE00  }
0xd5: {  	[bflag:$0x0] =	sbarrier.arrive $0xFFFF  }
0xd6: {  	s23 =	rddreg [dreg:$0x8]  }
0xd7: {  	s9 =	rddreg [dreg:$0x15]  }
0xd8: {  	s6 =	simm.s32 $0x11;
	s4 =	rddreg [dreg:$0x17]  }
0xd9: {  	[hbm:s9], [sflag:s23] =	dma.local [spmem:s4], $0x1400  }
0xda: {  	_ =	swait.ge [sflag:s6], $0x1400  }
0xdb: {  	[sflag:s6] =	ssyncset.done $0x0;
	s11 =	rddreg [dreg:$0x14]  }
0xdc: {  	s12 =	rddreg [dreg:$0x18];
	[sflag:s6] =	ssyncadd.s32 $0xFFFFEC00  }
0xdd: {  	[hbm:s11], [sflag:s23] =	dma.local [spmem:s12], $0x280  }
0xde: {  	_ =	swait.ge [sflag:s6], $0x280  }
0xdf: {  	s25 =	rddreg [dreg:$0x16]  }
0xe0: {  	s30 =	rddreg [dreg:$0x13];
	s4 =	sadd.s32 $0x1, s25  }
0xe1: {  	p2 =	sne.s32 s4, s30  }
.Ltmp1:
0xe2: {  	_ = 	snop;
	(pc) =	sbr.rel @p2 .LBB2_1-.Ltmp1, $3  }
0xe3: {  	_ =	sdelay $0x1  }
0xe4: {  	[sflag:s6] =	ssyncset.done $0x0  }
0xe5: {  	[sflag:s6] =	ssyncadd.s32 $0xFFFFFD80  }
0xe6: {  	_ =	sfence.sel $0x180000  }
0xe7: {  	[bflag:$0x0] =	sbarrier.arrive $0xFFFF  }
0xe8: {  	_ =	strace $0x90000047  }
0xe9: {  	s0 =	stileid.u32;
	[bflag:$0x2] =	sbarrier.arrive $0xFFFF  }
0xea: {  	p0 =	sne.s32 s0, $0x0;
	s0 =	rddreg [dreg:$0x4]  }
0xeb: {  	s0 =	sadd.s32 @!p0 $0x100000, s0  }
0xec: {  	[sflag:s0] =	ssyncadd.tile.s32 @!p0 $0x1;
	_ =	shalt  }
.Lfunc_end2:
_tile_overlayer_lowered:
.L_overlay_start_2:
0xed: {  	(tag) =	ssettag $0x2  }
0xee: {  	s0 =	rddreg [dreg:$0x0];
	s2 =	stileid.u32  }
0xef: {  	s1 =	rddreg [dreg:$0x1];
	p0 =	sne.s32 s2, $0x0  }
0xf0: {  	s3 =	rddreg [dreg:$0x2];
	[bflag:$0x3] =	sbarrier.arrive $0xFFFF;
	s2 =	simm.s32 @!p0 $0x1C11  }
0xf1: {  	[timem:s3], [sflag:s2] =	dma.local @!p0 [hbm:s0], s1  }
0xf2: {  	s0 =	simm.s32 @!p0 $0x11  }
0xf3: {  	_ =	swait.ge @!p0 [sflag:s0], s1  }
0xf4: {  	s1 =	ssub.s32 @!p0 $0x0, s1;
	[sflag:s0] =	ssyncset.done @!p0 $0x0  }
0xf5: {  	[sflag:s0] =	ssyncadd.s32 @!p0 s1  }
0xf6: {  	[bflag:$0x3] =	sbarrier.arrive $0xFFFF  }
0xf7: {  	_ =	shalt  }

</sc_bundles>
